<compile_context>
chip_gen: v7x
topology: tpu7x:2x2x1
jax: 0.10.2.dev20260603
libtpu: 0.0.44.dev20260713+nightly
codegen_flags: <defaults>
</compile_context>

<pallas_src>
import functools

import jax
import jax.numpy as jnp
from jax import lax
from jax.experimental import pallas as pl
from jax.experimental.pallas import tpu as pltpu
from jax.experimental.pallas import tpu_sc as plsc

N_ROWS = 1024
N_COLS = 100000

_R_SC = 256
_R_TC = N_ROWS - _R_SC

_BR = 16
_NBLK_TC = _R_TC // _BR


def _tc_body(x_ref, t_ref, out_ref):
    i = pl.program_id(0)
    x = x_ref[...]
    t = t_ref[...]
    col = lax.broadcasted_iota(jnp.int32, (_BR, N_COLS), 1)
    v = jnp.max(jnp.where(col == t, x, -jnp.inf), axis=1, keepdims=True)
    contrib = (x > v) | ((x == v) & (col < t))
    rank = jnp.sum(contrib.astype(jnp.float32), axis=1, keepdims=True)
    top1 = jnp.sum((rank < 0.5).astype(jnp.float32))
    top5 = jnp.sum((rank < 4.5).astype(jnp.float32))
    part = jnp.concatenate([top1.reshape(1, 1), top5.reshape(1, 1)], axis=1)

    @pl.when(i == 0)
    def _():
        out_ref[...] = part

    @pl.when(i > 0)
    def _():
        out_ref[...] += part


def _tc_count(pred, t2):
    return pl.pallas_call(
        _tc_body,
        grid=(_NBLK_TC,),
        in_specs=[
            pl.BlockSpec((_BR, N_COLS), lambda i: (i, 0)),
            pl.BlockSpec((_BR, 1), lambda i: (i, 0)),
        ],
        out_specs=pl.BlockSpec((1, 2), lambda i: (0, 0)),
        out_shape=jax.ShapeDtypeStruct((1, 2), jnp.float32),
    )(pred, t2)


_NC = 2
_NS = 16
_L = 16
_NW = _NC * _NS
_RPW = _R_SC // _NW
_WIN = 6272
_NWIN = N_COLS // _WIN
_TAILW = 6016


def _sc_window_count(buf, wbase, width, v_spl, t_spl, r8, acc, bound=None):
    iota = lax.iota(jnp.int32, _L)

    def it(k, a):
        b = k * _L
        x = buf[r8, pl.ds(b, _L)]
        cols = (wbase + b) + iota
        gt = x > v_spl
        if bound is not None:
            gt = gt & (cols < bound)
        tie = (x == v_spl) & (cols < t_spl)
        return a + jnp.where(gt | tie, 1, 0)

    def it4(k, a):
        for u in range(4):
            a = it(k * 4 + u, a)
        return a

    n = width // _L
    n4 = n // 4
    acc = lax.fori_loop(0, n4, it4, acc)
    for k in range(n4 * 4, n):
        acc = it(k, acc)
    return acc


def _sc_body(pred_hbm, tgt_hbm, out_hbm, t_v, chunk_v, buf_v, val_v, sem):
    wid = lax.axis_index("s") * _NC + lax.axis_index("c")
    base = _R_TC + wid * _RPW
    pltpu.sync_copy(tgt_hbm.at[pl.ds(base, _RPW)], t_v)
    zero = jnp.zeros((), jnp.int32)
    t1c = zero
    t5c = zero
    iota = lax.iota(jnp.int32, _L)
    for g in range(_RPW // 8):
        rows = base + g * 8
        v_spls = []
        t_spls = []
        for r8 in range(8):
            ridx = jnp.full((_L,), g * 8 + r8, jnp.int32)
            t_spl = plsc.load_gather(t_v, [ridx])
            t_sca = jnp.max(t_spl)
            c0_sca = pl.multiple_of(
                lax.shift_left(lax.shift_right_logical(t_sca, 7), 7), 128)
            pltpu.async_copy(
                pred_hbm.at[pl.ds(rows, 8), pl.ds(c0_sca, 128)],
                chunk_v, sem).wait()
            off = t_spl - lax.shift_left(
                lax.shift_right_logical(t_spl, 7), 7)
            v_spl = plsc.load_gather(
                chunk_v, [jnp.full((_L,), r8, jnp.int32), off])
            v_spls.append(v_spl)
            t_spls.append(t_spl)

        accs = tuple(jnp.zeros((_L,), jnp.int32) for _ in range(8))

        def win(w, accs):
            wbase = pl.multiple_of(w * _WIN, 128)
            pltpu.async_copy(
                pred_hbm.at[pl.ds(rows, 8), pl.ds(wbase, _WIN)],
                buf_v, sem).wait()
            return tuple(
                _sc_window_count(buf_v, wbase, _WIN, v_spls[r8], t_spls[r8],
                                 r8, accs[r8])
                for r8 in range(8))

        accs = lax.fori_loop(0, _NWIN, win, accs)

        wbase = pl.multiple_of(
            lax.max(jnp.int32(_NWIN * _WIN), wid), 128)
        pltpu.async_copy(
            pred_hbm.at[pl.ds(rows, 8), pl.ds(wbase, _TAILW)],
            buf_v.at[:, pl.ds(0, _TAILW)], sem).wait()
        for r8 in range(8):
            acc = _sc_window_count(buf_v, wbase, _TAILW, v_spls[r8],
                                   t_spls[r8], r8, accs[r8],
                                   bound=jnp.int32(N_COLS))
            rank = jnp.sum(acc)
            t1c = t1c + jnp.where(rank < 1, 1, 0)
            t5c = t5c + jnp.where(rank < 5, 1, 0)

    val = (jnp.where(iota == 0, t1c.astype(jnp.float32), 0.0)
           + jnp.where(iota == 1, t5c.astype(jnp.float32), 0.0))
    val_v[...] = val
    pltpu.sync_copy(val_v, out_hbm.at[pl.ds(wid * _L, _L)])


def _sc_count(pred, t1d):
    mesh = plsc.VectorSubcoreMesh(core_axis_name="c", subcore_axis_name="s")
    k = functools.partial(
        pl.kernel,
        mesh=mesh,
        compiler_params=pltpu.CompilerParams(needs_layout_passes=False),
        out_type=jax.ShapeDtypeStruct((_NW * _L,), jnp.float32),
        scratch_types=[
            pltpu.VMEM((_RPW,), jnp.int32),
            pltpu.VMEM((8, 128), jnp.float32),
            pltpu.VMEM((8, _WIN), jnp.float32),
            pltpu.VMEM((_L,), jnp.float32),
            pltpu.SemaphoreType.DMA,
        ],
    )(_sc_body)
    return k(pred, t1d)


@jax.jit
def kernel(pred, target):
    t1d = target.astype(jnp.int32)
    t2 = t1d.reshape(N_ROWS, 1)
    tc_counts = _tc_count(pred, t2).reshape(2)
    sc_out = _sc_count(pred, t1d).reshape(_NW, _L)
    sc_counts = jnp.stack(
        [jnp.sum(sc_out[:, 0]), jnp.sum(sc_out[:, 1])])
    return (tc_counts + sc_counts) * (100.0 / N_ROWS)

# --- scband reference (transcript-rebuilt; emitter-appended) ---
"""Pipeline reference for scband-accuracy-6743098655340 (READ-ONLY COPY).

The authoritative reference and input builder live on the scoring server;
editing this copy changes nothing except your own understanding.
"""

import jax, jax.numpy as jnp
import numpy as np

TOPK = (1, 5)
THRESH = None


def setup_inputs(seed: int = 0) -> dict:
    key = jax.random.key(seed)
    k1, k2 = jax.random.split(key)
    pred = jax.random.normal(k1, (1024, 100000), dtype=jnp.float32)
    target = jax.random.randint(k2, (1024,), 0, 100000, dtype=jnp.int64 if jax.config.jax_enable_x64 else jnp.int32)
    return {"pred": pred, "target": target}


def reference(pred, target):
    maxk = max(TOPK)
    # pred: (N, num_class); target: (N,)
    pred_value, pred_label = jax.lax.top_k(pred, maxk)  # (N, maxk) each
    pred_label = pred_label.T  # (maxk, N)
    correct = pred_label == target[None, :].astype(pred_label.dtype)  # (maxk, N) bool
    if THRESH is not None:
        correct = correct & (pred_value > THRESH).T
    res = []
    for k in TOPK:
        correct_k = correct[:k].reshape(-1).astype(jnp.float32).sum(keepdims=True)
        res.append(correct_k * (100.0 / target.size))
    return jnp.concatenate(res)  # shape (len(TOPK),)

if __name__ == "__main__":
    import jax
    _d = setup_inputs()
    print(jax.jit(kernel)(*tuple(_d.values())))

</pallas_src>

<mosaic_0001>
#map = affine_map<(d0, d1) -> (0, 0)>
#map1 = affine_map<(d0, d1) -> (0)>
module attributes {stable_mosaic.version = 14 : i64} {
  func.func @_sc_body(%arg0: i32, %arg1: i32, %arg2: memref<1024x100000xf32, #tpu.memory_space<hbm>>, %arg3: memref<1024xi32, #tpu.memory_space<hbm>>, %arg4: memref<512xf32, #tpu.memory_space<hbm>>, %arg5: memref<8xi32, #tpu.memory_space<vmem>>, %arg6: memref<8x128xf32, #tpu.memory_space<vmem>>, %arg7: memref<8x6272xf32, #tpu.memory_space<vmem>>, %arg8: memref<16xf32, #tpu.memory_space<vmem>>, %arg9: memref<!tpu.dma_semaphore, #tpu.memory_space<semaphore_mem>>) attributes {dimension_semantics = [#tpu.dimension_semantics<core_parallel>, #tpu.dimension_semantics<subcore_parallel>], iteration_bounds = array<i64: 2, 16>, scalar_prefetch = 0 : i64, scratch_operands = 5 : i64, tpu.core_type = #tpu.core_type<sc_vector_subcore>, window_params = [{transform_indices = #map}, {transform_indices = #map1}, {transform_indices = #map1}]} {
    %mul3A = arith.constant 2 : i32
    %mul3A_0 = arith.muli %arg1, %mul3A : i32
    %add3A = arith.addi %mul3A_0, %arg0 : i32
    %mul3A_1 = arith.constant 8 : i32
    %mul3A_2 = arith.muli %add3A, %mul3A_1 : i32
    %add3A_3 = arith.constant 768 : i32
    %add3A_4 = arith.addi %add3A_3, %mul3A_2 : i32
    "tpu.region"() ({
      %run_scoped3A = tpu.sem_alloc : memref<!tpu.dma_semaphore, #tpu.memory_space<semaphore_mem>>
      %dma_start3A_485 = tpu.memref_slice %arg3[%add3A_4] : memref<1024xi32, #tpu.memory_space<hbm>> -> memref<8xi32, #tpu.memory_space<hbm>>
      %dma_start3A_486 = tpu.memref_slice %arg3[%add3A_4] : memref<1024xi32, #tpu.memory_space<hbm>> -> memref<8xi32, #tpu.memory_space<hbm>>
      tpu.enqueue_dma source(%dma_start3A_486 : memref<8xi32, #tpu.memory_space<hbm>>) target(%arg5 : memref<8xi32, #tpu.memory_space<vmem>>) target_semaphore(%run_scoped3A : memref<!tpu.dma_semaphore, #tpu.memory_space<semaphore_mem>>)
      %dma_wait3A_487 = tpu.memref_slice %arg3[%add3A_4] : memref<1024xi32, #tpu.memory_space<hbm>> -> memref<8xi32, #tpu.memory_space<hbm>>
      %dma_wait3A_488 = tpu.memref_slice %arg3[%add3A_4] : memref<1024xi32, #tpu.memory_space<hbm>> -> memref<8xi32, #tpu.memory_space<hbm>>
      tpu.wait_dma2 semaphore(%run_scoped3A : memref<!tpu.dma_semaphore, #tpu.memory_space<semaphore_mem>>) src(%dma_wait3A_488 : memref<8xi32, #tpu.memory_space<hbm>>) dst(%arg5 : memref<8xi32, #tpu.memory_space<vmem>>)
      tpu.yield
    }) : () -> ()
    %iota3A = tpu.iota {dimensions = array<i32: 0>} : vector<16xi32>
    %add3A_5 = arith.constant 0 : i32
    %add3A_6 = arith.addi %add3A_4, %add3A_5 : i32
    %broadcast_in_dim3A = arith.constant 0 : i32
    %broadcast_in_dim3A_7 = vector.broadcast %broadcast_in_dim3A : i32 to vector<16xi32>
    %gather3A = tpu.vector_load_idx %arg5[%broadcast_in_dim3A_7] : memref<8xi32, #tpu.memory_space<vmem>>[vector<16xi32>], vector<16xi32>,
    %reduce_max3A = arith.constant true
    %reduce_max3A_8 = vector.broadcast %reduce_max3A : i1 to vector<16xi1>
    %reduce_max3A_9 = arith.constant -2147483648 : i32
    %reduce_max3A_10 = vector.broadcast %reduce_max3A_9 : i32 to vector<16xi32>
    %reduce_max3A_11 = arith.xori %gather3A, %reduce_max3A_10 : vector<16xi32>
    %reduce_max3A_12 = tpu.scan <max>, %reduce_max3A_11 masked %reduce_max3A_8 : vector<16xi32>, vector<16xi1> -> vector<16xi32>
    %reduce_max3A_13 = arith.xori %reduce_max3A_12, %reduce_max3A_10 : vector<16xi32>
    %reduce_max3A_14 = vector.extract %reduce_max3A_13[15] : i32 from vector<16xi32>
    %shift_right_logical3A = arith.constant 7 : i32
    %shift_right_logical3A_15 = arith.shrui %reduce_max3A_14, %shift_right_logical3A : i32
    %shift_left3A = arith.constant 7 : i32
    %shift_left3A_16 = arith.shli %shift_right_logical3A_15, %shift_left3A : i32
    %multiple_of3A = tpu.assume_multiple %shift_left3A_16, 128 : i32
    %dma_start3A = tpu.memref_slice %arg2[%add3A_6, %multiple_of3A] : memref<1024x100000xf32, #tpu.memory_space<hbm>> -> memref<8x128xf32, #tpu.memory_space<hbm>>
    %dma_start3A_17 = tpu.memref_slice %arg2[%add3A_6, %multiple_of3A] : memref<1024x100000xf32, #tpu.memory_space<hbm>> -> memref<8x128xf32, #tpu.memory_space<hbm>>
    tpu.enqueue_dma source(%dma_start3A_17 : memref<8x128xf32, #tpu.memory_space<hbm>>) target(%arg6 : memref<8x128xf32, #tpu.memory_space<vmem>>) target_semaphore(%arg9 : memref<!tpu.dma_semaphore, #tpu.memory_space<semaphore_mem>>)
    %dma_wait3A = tpu.memref_slice %arg2[%add3A_6, %multiple_of3A] : memref<1024x100000xf32, #tpu.memory_space<hbm>> -> memref<8x128xf32, #tpu.memory_space<hbm>>
    %dma_wait3A_18 = tpu.memref_slice %arg2[%add3A_6, %multiple_of3A] : memref<1024x100000xf32, #tpu.memory_space<hbm>> -> memref<8x128xf32, #tpu.memory_space<hbm>>
    tpu.wait_dma2 semaphore(%arg9 : memref<!tpu.dma_semaphore, #tpu.memory_space<semaphore_mem>>) src(%dma_wait3A_18 : memref<8x128xf32, #tpu.memory_space<hbm>>) dst(%arg6 : memref<8x128xf32, #tpu.memory_space<vmem>>)
    %shift_right_logical3A_19 = arith.constant 7 : i32
    %shift_right_logical3A_20 = vector.broadcast %shift_right_logical3A_19 : i32 to vector<16xi32>
    %shift_right_logical3A_21 = arith.shrui %gather3A, %shift_right_logical3A_20 : vector<16xi32>
    %shift_left3A_22 = arith.constant 7 : i32
    %shift_left3A_23 = vector.broadcast %shift_left3A_22 : i32 to vector<16xi32>
    %shift_left3A_24 = arith.shli %shift_right_logical3A_21, %shift_left3A_23 : vector<16xi32>
    %sub3A = arith.subi %gather3A, %shift_left3A_24 : vector<16xi32>
    %broadcast_in_dim3A_25 = arith.constant 0 : i32
    %broadcast_in_dim3A_26 = vector.broadcast %broadcast_in_dim3A_25 : i32 to vector<16xi32>
    %gather3A_27 = tpu.vector_load_idx %arg6[%broadcast_in_dim3A_26, %sub3A] : memref<8x128xf32, #tpu.memory_space<vmem>>[vector<16xi32>, vector<16xi32>], vector<16xf32>,
    %broadcast_in_dim3A_28 = arith.constant 1 : i32
    %broadcast_in_dim3A_29 = vector.broadcast %broadcast_in_dim3A_28 : i32 to vector<16xi32>
    %gather3A_30 = tpu.vector_load_idx %arg5[%broadcast_in_dim3A_29] : memref<8xi32, #tpu.memory_space<vmem>>[vector<16xi32>], vector<16xi32>,
    %reduce_max3A_31 = arith.constant true
    %reduce_max3A_32 = vector.broadcast %reduce_max3A_31 : i1 to vector<16xi1>
    %reduce_max3A_33 = arith.constant -2147483648 : i32
    %reduce_max3A_34 = vector.broadcast %reduce_max3A_33 : i32 to vector<16xi32>
    %reduce_max3A_35 = arith.xori %gather3A_30, %reduce_max3A_34 : vector<16xi32>
    %reduce_max3A_36 = tpu.scan <max>, %reduce_max3A_35 masked %reduce_max3A_32 : vector<16xi32>, vector<16xi1> -> vector<16xi32>
    %reduce_max3A_37 = arith.xori %reduce_max3A_36, %reduce_max3A_34 : vector<16xi32>
    %reduce_max3A_38 = vector.extract %reduce_max3A_37[15] : i32 from vector<16xi32>
    %shift_right_logical3A_39 = arith.constant 7 : i32
    %shift_right_logical3A_40 = arith.shrui %reduce_max3A_38, %shift_right_logical3A_39 : i32
    %shift_left3A_41 = arith.constant 7 : i32
    %shift_left3A_42 = arith.shli %shift_right_logical3A_40, %shift_left3A_41 : i32
    %multiple_of3A_43 = tpu.assume_multiple %shift_left3A_42, 128 : i32
    %dma_start3A_44 = tpu.memref_slice %arg2[%add3A_6, %multiple_of3A_43] : memref<1024x100000xf32, #tpu.memory_space<hbm>> -> memref<8x128xf32, #tpu.memory_space<hbm>>
    %dma_start3A_45 = tpu.memref_slice %arg2[%add3A_6, %multiple_of3A_43] : memref<1024x100000xf32, #tpu.memory_space<hbm>> -> memref<8x128xf32, #tpu.memory_space<hbm>>
    tpu.enqueue_dma source(%dma_start3A_45 : memref<8x128xf32, #tpu.memory_space<hbm>>) target(%arg6 : memref<8x128xf32, #tpu.memory_space<vmem>>) target_semaphore(%arg9 : memref<!tpu.dma_semaphore, #tpu.memory_space<semaphore_mem>>)
    %dma_wait3A_46 = tpu.memref_slice %arg2[%add3A_6, %multiple_of3A_43] : memref<1024x100000xf32, #tpu.memory_space<hbm>> -> memref<8x128xf32, #tpu.memory_space<hbm>>
    %dma_wait3A_47 = tpu.memref_slice %arg2[%add3A_6, %multiple_of3A_43] : memref<1024x100000xf32, #tpu.memory_space<hbm>> -> memref<8x128xf32, #tpu.memory_space<hbm>>
    tpu.wait_dma2 semaphore(%arg9 : memref<!tpu.dma_semaphore, #tpu.memory_space<semaphore_mem>>) src(%dma_wait3A_47 : memref<8x128xf32, #tpu.memory_space<hbm>>) dst(%arg6 : memref<8x128xf32, #tpu.memory_space<vmem>>)
    %shift_right_logical3A_48 = arith.constant 7 : i32
    %shift_right_logical3A_49 = vector.broadcast %shift_right_logical3A_48 : i32 to vector<16xi32>
    %shift_right_logical3A_50 = arith.shrui %gather3A_30, %shift_right_logical3A_49 : vector<16xi32>
    %shift_left3A_51 = arith.constant 7 : i32
    %shift_left3A_52 = vector.broadcast %shift_left3A_51 : i32 to vector<16xi32>
    %shift_left3A_53 = arith.shli %shift_right_logical3A_50, %shift_left3A_52 : vector<16xi32>
    %sub3A_54 = arith.subi %gather3A_30, %shift_left3A_53 : vector<16xi32>
    %broadcast_in_dim3A_55 = arith.constant 1 : i32
    %broadcast_in_dim3A_56 = vector.broadcast %broadcast_in_dim3A_55 : i32 to vector<16xi32>
    %gather3A_57 = tpu.vector_load_idx %arg6[%broadcast_in_dim3A_56, %sub3A_54] : memref<8x128xf32, #tpu.memory_space<vmem>>[vector<16xi32>, vector<16xi32>], vector<16xf32>,
    %broadcast_in_dim3A_58 = arith.constant 2 : i32
    %broadcast_in_dim3A_59 = vector.broadcast %broadcast_in_dim3A_58 : i32 to vector<16xi32>
    %gather3A_60 = tpu.vector_load_idx %arg5[%broadcast_in_dim3A_59] : memref<8xi32, #tpu.memory_space<vmem>>[vector<16xi32>], vector<16xi32>,
    %reduce_max3A_61 = arith.constant true
    %reduce_max3A_62 = vector.broadcast %reduce_max3A_61 : i1 to vector<16xi1>
    %reduce_max3A_63 = arith.constant -2147483648 : i32
    %reduce_max3A_64 = vector.broadcast %reduce_max3A_63 : i32 to vector<16xi32>
    %reduce_max3A_65 = arith.xori %gather3A_60, %reduce_max3A_64 : vector<16xi32>
    %reduce_max3A_66 = tpu.scan <max>, %reduce_max3A_65 masked %reduce_max3A_62 : vector<16xi32>, vector<16xi1> -> vector<16xi32>
    %reduce_max3A_67 = arith.xori %reduce_max3A_66, %reduce_max3A_64 : vector<16xi32>
    %reduce_max3A_68 = vector.extract %reduce_max3A_67[15] : i32 from vector<16xi32>
    %shift_right_logical3A_69 = arith.constant 7 : i32
    %shift_right_logical3A_70 = arith.shrui %reduce_max3A_68, %shift_right_logical3A_69 : i32
    %shift_left3A_71 = arith.constant 7 : i32
    %shift_left3A_72 = arith.shli %shift_right_logical3A_70, %shift_left3A_71 : i32
    %multiple_of3A_73 = tpu.assume_multiple %shift_left3A_72, 128 : i32
    %dma_start3A_74 = tpu.memref_slice %arg2[%add3A_6, %multiple_of3A_73] : memref<1024x100000xf32, #tpu.memory_space<hbm>> -> memref<8x128xf32, #tpu.memory_space<hbm>>
    %dma_start3A_75 = tpu.memref_slice %arg2[%add3A_6, %multiple_of3A_73] : memref<1024x100000xf32, #tpu.memory_space<hbm>> -> memref<8x128xf32, #tpu.memory_space<hbm>>
    tpu.enqueue_dma source(%dma_start3A_75 : memref<8x128xf32, #tpu.memory_space<hbm>>) target(%arg6 : memref<8x128xf32, #tpu.memory_space<vmem>>) target_semaphore(%arg9 : memref<!tpu.dma_semaphore, #tpu.memory_space<semaphore_mem>>)
    %dma_wait3A_76 = tpu.memref_slice %arg2[%add3A_6, %multiple_of3A_73] : memref<1024x100000xf32, #tpu.memory_space<hbm>> -> memref<8x128xf32, #tpu.memory_space<hbm>>
    %dma_wait3A_77 = tpu.memref_slice %arg2[%add3A_6, %multiple_of3A_73] : memref<1024x100000xf32, #tpu.memory_space<hbm>> -> memref<8x128xf32, #tpu.memory_space<hbm>>
    tpu.wait_dma2 semaphore(%arg9 : memref<!tpu.dma_semaphore, #tpu.memory_space<semaphore_mem>>) src(%dma_wait3A_77 : memref<8x128xf32, #tpu.memory_space<hbm>>) dst(%arg6 : memref<8x128xf32, #tpu.memory_space<vmem>>)
    %shift_right_logical3A_78 = arith.constant 7 : i32
    %shift_right_logical3A_79 = vector.broadcast %shift_right_logical3A_78 : i32 to vector<16xi32>
    %shift_right_logical3A_80 = arith.shrui %gather3A_60, %shift_right_logical3A_79 : vector<16xi32>
    %shift_left3A_81 = arith.constant 7 : i32
    %shift_left3A_82 = vector.broadcast %shift_left3A_81 : i32 to vector<16xi32>
    %shift_left3A_83 = arith.shli %shift_right_logical3A_80, %shift_left3A_82 : vector<16xi32>
    %sub3A_84 = arith.subi %gather3A_60, %shift_left3A_83 : vector<16xi32>
    %broadcast_in_dim3A_85 = arith.constant 2 : i32
    %broadcast_in_dim3A_86 = vector.broadcast %broadcast_in_dim3A_85 : i32 to vector<16xi32>
    %gather3A_87 = tpu.vector_load_idx %arg6[%broadcast_in_dim3A_86, %sub3A_84] : memref<8x128xf32, #tpu.memory_space<vmem>>[vector<16xi32>, vector<16xi32>], vector<16xf32>,
    %broadcast_in_dim3A_88 = arith.constant 3 : i32
    %broadcast_in_dim3A_89 = vector.broadcast %broadcast_in_dim3A_88 : i32 to vector<16xi32>
    %gather3A_90 = tpu.vector_load_idx %arg5[%broadcast_in_dim3A_89] : memref<8xi32, #tpu.memory_space<vmem>>[vector<16xi32>], vector<16xi32>,
    %reduce_max3A_91 = arith.constant true
    %reduce_max3A_92 = vector.broadcast %reduce_max3A_91 : i1 to vector<16xi1>
    %reduce_max3A_93 = arith.constant -2147483648 : i32
    %reduce_max3A_94 = vector.broadcast %reduce_max3A_93 : i32 to vector<16xi32>
    %reduce_max3A_95 = arith.xori %gather3A_90, %reduce_max3A_94 : vector<16xi32>
    %reduce_max3A_96 = tpu.scan <max>, %reduce_max3A_95 masked %reduce_max3A_92 : vector<16xi32>, vector<16xi1> -> vector<16xi32>
    %reduce_max3A_97 = arith.xori %reduce_max3A_96, %reduce_max3A_94 : vector<16xi32>
    %reduce_max3A_98 = vector.extract %reduce_max3A_97[15] : i32 from vector<16xi32>
    %shift_right_logical3A_99 = arith.constant 7 : i32
    %shift_right_logical3A_100 = arith.shrui %reduce_max3A_98, %shift_right_logical3A_99 : i32
    %shift_left3A_101 = arith.constant 7 : i32
    %shift_left3A_102 = arith.shli %shift_right_logical3A_100, %shift_left3A_101 : i32
    %multiple_of3A_103 = tpu.assume_multiple %shift_left3A_102, 128 : i32
    %dma_start3A_104 = tpu.memref_slice %arg2[%add3A_6, %multiple_of3A_103] : memref<1024x100000xf32, #tpu.memory_space<hbm>> -> memref<8x128xf32, #tpu.memory_space<hbm>>
    %dma_start3A_105 = tpu.memref_slice %arg2[%add3A_6, %multiple_of3A_103] : memref<1024x100000xf32, #tpu.memory_space<hbm>> -> memref<8x128xf32, #tpu.memory_space<hbm>>
    tpu.enqueue_dma source(%dma_start3A_105 : memref<8x128xf32, #tpu.memory_space<hbm>>) target(%arg6 : memref<8x128xf32, #tpu.memory_space<vmem>>) target_semaphore(%arg9 : memref<!tpu.dma_semaphore, #tpu.memory_space<semaphore_mem>>)
    %dma_wait3A_106 = tpu.memref_slice %arg2[%add3A_6, %multiple_of3A_103] : memref<1024x100000xf32, #tpu.memory_space<hbm>> -> memref<8x128xf32, #tpu.memory_space<hbm>>
    %dma_wait3A_107 = tpu.memref_slice %arg2[%add3A_6, %multiple_of3A_103] : memref<1024x100000xf32, #tpu.memory_space<hbm>> -> memref<8x128xf32, #tpu.memory_space<hbm>>
    tpu.wait_dma2 semaphore(%arg9 : memref<!tpu.dma_semaphore, #tpu.memory_space<semaphore_mem>>) src(%dma_wait3A_107 : memref<8x128xf32, #tpu.memory_space<hbm>>) dst(%arg6 : memref<8x128xf32, #tpu.memory_space<vmem>>)
    %shift_right_logical3A_108 = arith.constant 7 : i32
    %shift_right_logical3A_109 = vector.broadcast %shift_right_logical3A_108 : i32 to vector<16xi32>
    %shift_right_logical3A_110 = arith.shrui %gather3A_90, %shift_right_logical3A_109 : vector<16xi32>
    %shift_left3A_111 = arith.constant 7 : i32
    %shift_left3A_112 = vector.broadcast %shift_left3A_111 : i32 to vector<16xi32>
    %shift_left3A_113 = arith.shli %shift_right_logical3A_110, %shift_left3A_112 : vector<16xi32>
    %sub3A_114 = arith.subi %gather3A_90, %shift_left3A_113 : vector<16xi32>
    %broadcast_in_dim3A_115 = arith.constant 3 : i32
    %broadcast_in_dim3A_116 = vector.broadcast %broadcast_in_dim3A_115 : i32 to vector<16xi32>
    %gather3A_117 = tpu.vector_load_idx %arg6[%broadcast_in_dim3A_116, %sub3A_114] : memref<8x128xf32, #tpu.memory_space<vmem>>[vector<16xi32>, vector<16xi32>], vector<16xf32>,
    %broadcast_in_dim3A_118 = arith.constant 4 : i32
    %broadcast_in_dim3A_119 = vector.broadcast %broadcast_in_dim3A_118 : i32 to vector<16xi32>
    %gather3A_120 = tpu.vector_load_idx %arg5[%broadcast_in_dim3A_119] : memref<8xi32, #tpu.memory_space<vmem>>[vector<16xi32>], vector<16xi32>,
    %reduce_max3A_121 = arith.constant true
    %reduce_max3A_122 = vector.broadcast %reduce_max3A_121 : i1 to vector<16xi1>
    %reduce_max3A_123 = arith.constant -2147483648 : i32
    %reduce_max3A_124 = vector.broadcast %reduce_max3A_123 : i32 to vector<16xi32>
    %reduce_max3A_125 = arith.xori %gather3A_120, %reduce_max3A_124 : vector<16xi32>
    %reduce_max3A_126 = tpu.scan <max>, %reduce_max3A_125 masked %reduce_max3A_122 : vector<16xi32>, vector<16xi1> -> vector<16xi32>
    %reduce_max3A_127 = arith.xori %reduce_max3A_126, %reduce_max3A_124 : vector<16xi32>
    %reduce_max3A_128 = vector.extract %reduce_max3A_127[15] : i32 from vector<16xi32>
    %shift_right_logical3A_129 = arith.constant 7 : i32
    %shift_right_logical3A_130 = arith.shrui %reduce_max3A_128, %shift_right_logical3A_129 : i32
    %shift_left3A_131 = arith.constant 7 : i32
    %shift_left3A_132 = arith.shli %shift_right_logical3A_130, %shift_left3A_131 : i32
    %multiple_of3A_133 = tpu.assume_multiple %shift_left3A_132, 128 : i32
    %dma_start3A_134 = tpu.memref_slice %arg2[%add3A_6, %multiple_of3A_133] : memref<1024x100000xf32, #tpu.memory_space<hbm>> -> memref<8x128xf32, #tpu.memory_space<hbm>>
    %dma_start3A_135 = tpu.memref_slice %arg2[%add3A_6, %multiple_of3A_133] : memref<1024x100000xf32, #tpu.memory_space<hbm>> -> memref<8x128xf32, #tpu.memory_space<hbm>>
    tpu.enqueue_dma source(%dma_start3A_135 : memref<8x128xf32, #tpu.memory_space<hbm>>) target(%arg6 : memref<8x128xf32, #tpu.memory_space<vmem>>) target_semaphore(%arg9 : memref<!tpu.dma_semaphore, #tpu.memory_space<semaphore_mem>>)
    %dma_wait3A_136 = tpu.memref_slice %arg2[%add3A_6, %multiple_of3A_133] : memref<1024x100000xf32, #tpu.memory_space<hbm>> -> memref<8x128xf32, #tpu.memory_space<hbm>>
    %dma_wait3A_137 = tpu.memref_slice %arg2[%add3A_6, %multiple_of3A_133] : memref<1024x100000xf32, #tpu.memory_space<hbm>> -> memref<8x128xf32, #tpu.memory_space<hbm>>
    tpu.wait_dma2 semaphore(%arg9 : memref<!tpu.dma_semaphore, #tpu.memory_space<semaphore_mem>>) src(%dma_wait3A_137 : memref<8x128xf32, #tpu.memory_space<hbm>>) dst(%arg6 : memref<8x128xf32, #tpu.memory_space<vmem>>)
    %shift_right_logical3A_138 = arith.constant 7 : i32
    %shift_right_logical3A_139 = vector.broadcast %shift_right_logical3A_138 : i32 to vector<16xi32>
    %shift_right_logical3A_140 = arith.shrui %gather3A_120, %shift_right_logical3A_139 : vector<16xi32>
    %shift_left3A_141 = arith.constant 7 : i32
    %shift_left3A_142 = vector.broadcast %shift_left3A_141 : i32 to vector<16xi32>
    %shift_left3A_143 = arith.shli %shift_right_logical3A_140, %shift_left3A_142 : vector<16xi32>
    %sub3A_144 = arith.subi %gather3A_120, %shift_left3A_143 : vector<16xi32>
    %broadcast_in_dim3A_145 = arith.constant 4 : i32
    %broadcast_in_dim3A_146 = vector.broadcast %broadcast_in_dim3A_145 : i32 to vector<16xi32>
    %gather3A_147 = tpu.vector_load_idx %arg6[%broadcast_in_dim3A_146, %sub3A_144] : memref<8x128xf32, #tpu.memory_space<vmem>>[vector<16xi32>, vector<16xi32>], vector<16xf32>,
    %broadcast_in_dim3A_148 = arith.constant 5 : i32
    %broadcast_in_dim3A_149 = vector.broadcast %broadcast_in_dim3A_148 : i32 to vector<16xi32>
    %gather3A_150 = tpu.vector_load_idx %arg5[%broadcast_in_dim3A_149] : memref<8xi32, #tpu.memory_space<vmem>>[vector<16xi32>], vector<16xi32>,
    %reduce_max3A_151 = arith.constant true
    %reduce_max3A_152 = vector.broadcast %reduce_max3A_151 : i1 to vector<16xi1>
    %reduce_max3A_153 = arith.constant -2147483648 : i32
    %reduce_max3A_154 = vector.broadcast %reduce_max3A_153 : i32 to vector<16xi32>
    %reduce_max3A_155 = arith.xori %gather3A_150, %reduce_max3A_154 : vector<16xi32>
    %reduce_max3A_156 = tpu.scan <max>, %reduce_max3A_155 masked %reduce_max3A_152 : vector<16xi32>, vector<16xi1> -> vector<16xi32>
    %reduce_max3A_157 = arith.xori %reduce_max3A_156, %reduce_max3A_154 : vector<16xi32>
    %reduce_max3A_158 = vector.extract %reduce_max3A_157[15] : i32 from vector<16xi32>
    %shift_right_logical3A_159 = arith.constant 7 : i32
    %shift_right_logical3A_160 = arith.shrui %reduce_max3A_158, %shift_right_logical3A_159 : i32
    %shift_left3A_161 = arith.constant 7 : i32
    %shift_left3A_162 = arith.shli %shift_right_logical3A_160, %shift_left3A_161 : i32
    %multiple_of3A_163 = tpu.assume_multiple %shift_left3A_162, 128 : i32
    %dma_start3A_164 = tpu.memref_slice %arg2[%add3A_6, %multiple_of3A_163] : memref<1024x100000xf32, #tpu.memory_space<hbm>> -> memref<8x128xf32, #tpu.memory_space<hbm>>
    %dma_start3A_165 = tpu.memref_slice %arg2[%add3A_6, %multiple_of3A_163] : memref<1024x100000xf32, #tpu.memory_space<hbm>> -> memref<8x128xf32, #tpu.memory_space<hbm>>
    tpu.enqueue_dma source(%dma_start3A_165 : memref<8x128xf32, #tpu.memory_space<hbm>>) target(%arg6 : memref<8x128xf32, #tpu.memory_space<vmem>>) target_semaphore(%arg9 : memref<!tpu.dma_semaphore, #tpu.memory_space<semaphore_mem>>)
    %dma_wait3A_166 = tpu.memref_slice %arg2[%add3A_6, %multiple_of3A_163] : memref<1024x100000xf32, #tpu.memory_space<hbm>> -> memref<8x128xf32, #tpu.memory_space<hbm>>
    %dma_wait3A_167 = tpu.memref_slice %arg2[%add3A_6, %multiple_of3A_163] : memref<1024x100000xf32, #tpu.memory_space<hbm>> -> memref<8x128xf32, #tpu.memory_space<hbm>>
    tpu.wait_dma2 semaphore(%arg9 : memref<!tpu.dma_semaphore, #tpu.memory_space<semaphore_mem>>) src(%dma_wait3A_167 : memref<8x128xf32, #tpu.memory_space<hbm>>) dst(%arg6 : memref<8x128xf32, #tpu.memory_space<vmem>>)
    %shift_right_logical3A_168 = arith.constant 7 : i32
    %shift_right_logical3A_169 = vector.broadcast %shift_right_logical3A_168 : i32 to vector<16xi32>
    %shift_right_logical3A_170 = arith.shrui %gather3A_150, %shift_right_logical3A_169 : vector<16xi32>
    %shift_left3A_171 = arith.constant 7 : i32
    %shift_left3A_172 = vector.broadcast %shift_left3A_171 : i32 to vector<16xi32>
    %shift_left3A_173 = arith.shli %shift_right_logical3A_170, %shift_left3A_172 : vector<16xi32>
    %sub3A_174 = arith.subi %gather3A_150, %shift_left3A_173 : vector<16xi32>
    %broadcast_in_dim3A_175 = arith.constant 5 : i32
    %broadcast_in_dim3A_176 = vector.broadcast %broadcast_in_dim3A_175 : i32 to vector<16xi32>
    %gather3A_177 = tpu.vector_load_idx %arg6[%broadcast_in_dim3A_176, %sub3A_174] : memref<8x128xf32, #tpu.memory_space<vmem>>[vector<16xi32>, vector<16xi32>], vector<16xf32>,
    %broadcast_in_dim3A_178 = arith.constant 6 : i32
    %broadcast_in_dim3A_179 = vector.broadcast %broadcast_in_dim3A_178 : i32 to vector<16xi32>
    %gather3A_180 = tpu.vector_load_idx %arg5[%broadcast_in_dim3A_179] : memref<8xi32, #tpu.memory_space<vmem>>[vector<16xi32>], vector<16xi32>,
    %reduce_max3A_181 = arith.constant true
    %reduce_max3A_182 = vector.broadcast %reduce_max3A_181 : i1 to vector<16xi1>
    %reduce_max3A_183 = arith.constant -2147483648 : i32
    %reduce_max3A_184 = vector.broadcast %reduce_max3A_183 : i32 to vector<16xi32>
    %reduce_max3A_185 = arith.xori %gather3A_180, %reduce_max3A_184 : vector<16xi32>
    %reduce_max3A_186 = tpu.scan <max>, %reduce_max3A_185 masked %reduce_max3A_182 : vector<16xi32>, vector<16xi1> -> vector<16xi32>
    %reduce_max3A_187 = arith.xori %reduce_max3A_186, %reduce_max3A_184 : vector<16xi32>
    %reduce_max3A_188 = vector.extract %reduce_max3A_187[15] : i32 from vector<16xi32>
    %shift_right_logical3A_189 = arith.constant 7 : i32
    %shift_right_logical3A_190 = arith.shrui %reduce_max3A_188, %shift_right_logical3A_189 : i32
    %shift_left3A_191 = arith.constant 7 : i32
    %shift_left3A_192 = arith.shli %shift_right_logical3A_190, %shift_left3A_191 : i32
    %multiple_of3A_193 = tpu.assume_multiple %shift_left3A_192, 128 : i32
    %dma_start3A_194 = tpu.memref_slice %arg2[%add3A_6, %multiple_of3A_193] : memref<1024x100000xf32, #tpu.memory_space<hbm>> -> memref<8x128xf32, #tpu.memory_space<hbm>>
    %dma_start3A_195 = tpu.memref_slice %arg2[%add3A_6, %multiple_of3A_193] : memref<1024x100000xf32, #tpu.memory_space<hbm>> -> memref<8x128xf32, #tpu.memory_space<hbm>>
    tpu.enqueue_dma source(%dma_start3A_195 : memref<8x128xf32, #tpu.memory_space<hbm>>) target(%arg6 : memref<8x128xf32, #tpu.memory_space<vmem>>) target_semaphore(%arg9 : memref<!tpu.dma_semaphore, #tpu.memory_space<semaphore_mem>>)
    %dma_wait3A_196 = tpu.memref_slice %arg2[%add3A_6, %multiple_of3A_193] : memref<1024x100000xf32, #tpu.memory_space<hbm>> -> memref<8x128xf32, #tpu.memory_space<hbm>>
    %dma_wait3A_197 = tpu.memref_slice %arg2[%add3A_6, %multiple_of3A_193] : memref<1024x100000xf32, #tpu.memory_space<hbm>> -> memref<8x128xf32, #tpu.memory_space<hbm>>
    tpu.wait_dma2 semaphore(%arg9 : memref<!tpu.dma_semaphore, #tpu.memory_space<semaphore_mem>>) src(%dma_wait3A_197 : memref<8x128xf32, #tpu.memory_space<hbm>>) dst(%arg6 : memref<8x128xf32, #tpu.memory_space<vmem>>)
    %shift_right_logical3A_198 = arith.constant 7 : i32
    %shift_right_logical3A_199 = vector.broadcast %shift_right_logical3A_198 : i32 to vector<16xi32>
    %shift_right_logical3A_200 = arith.shrui %gather3A_180, %shift_right_logical3A_199 : vector<16xi32>
    %shift_left3A_201 = arith.constant 7 : i32
    %shift_left3A_202 = vector.broadcast %shift_left3A_201 : i32 to vector<16xi32>
    %shift_left3A_203 = arith.shli %shift_right_logical3A_200, %shift_left3A_202 : vector<16xi32>
    %sub3A_204 = arith.subi %gather3A_180, %shift_left3A_203 : vector<16xi32>
    %broadcast_in_dim3A_205 = arith.constant 6 : i32
    %broadcast_in_dim3A_206 = vector.broadcast %broadcast_in_dim3A_205 : i32 to vector<16xi32>
    %gather3A_207 = tpu.vector_load_idx %arg6[%broadcast_in_dim3A_206, %sub3A_204] : memref<8x128xf32, #tpu.memory_space<vmem>>[vector<16xi32>, vector<16xi32>], vector<16xf32>,
    %broadcast_in_dim3A_208 = arith.constant 7 : i32
    %broadcast_in_dim3A_209 = vector.broadcast %broadcast_in_dim3A_208 : i32 to vector<16xi32>
    %gather3A_210 = tpu.vector_load_idx %arg5[%broadcast_in_dim3A_209] : memref<8xi32, #tpu.memory_space<vmem>>[vector<16xi32>], vector<16xi32>,
    %reduce_max3A_211 = arith.constant true
    %reduce_max3A_212 = vector.broadcast %reduce_max3A_211 : i1 to vector<16xi1>
    %reduce_max3A_213 = arith.constant -2147483648 : i32
    %reduce_max3A_214 = vector.broadcast %reduce_max3A_213 : i32 to vector<16xi32>
    %reduce_max3A_215 = arith.xori %gather3A_210, %reduce_max3A_214 : vector<16xi32>
    %reduce_max3A_216 = tpu.scan <max>, %reduce_max3A_215 masked %reduce_max3A_212 : vector<16xi32>, vector<16xi1> -> vector<16xi32>
    %reduce_max3A_217 = arith.xori %reduce_max3A_216, %reduce_max3A_214 : vector<16xi32>
    %reduce_max3A_218 = vector.extract %reduce_max3A_217[15] : i32 from vector<16xi32>
    %shift_right_logical3A_219 = arith.constant 7 : i32
    %shift_right_logical3A_220 = arith.shrui %reduce_max3A_218, %shift_right_logical3A_219 : i32
    %shift_left3A_221 = arith.constant 7 : i32
    %shift_left3A_222 = arith.shli %shift_right_logical3A_220, %shift_left3A_221 : i32
    %multiple_of3A_223 = tpu.assume_multiple %shift_left3A_222, 128 : i32
    %dma_start3A_224 = tpu.memref_slice %arg2[%add3A_6, %multiple_of3A_223] : memref<1024x100000xf32, #tpu.memory_space<hbm>> -> memref<8x128xf32, #tpu.memory_space<hbm>>
    %dma_start3A_225 = tpu.memref_slice %arg2[%add3A_6, %multiple_of3A_223] : memref<1024x100000xf32, #tpu.memory_space<hbm>> -> memref<8x128xf32, #tpu.memory_space<hbm>>
    tpu.enqueue_dma source(%dma_start3A_225 : memref<8x128xf32, #tpu.memory_space<hbm>>) target(%arg6 : memref<8x128xf32, #tpu.memory_space<vmem>>) target_semaphore(%arg9 : memref<!tpu.dma_semaphore, #tpu.memory_space<semaphore_mem>>)
    %dma_wait3A_226 = tpu.memref_slice %arg2[%add3A_6, %multiple_of3A_223] : memref<1024x100000xf32, #tpu.memory_space<hbm>> -> memref<8x128xf32, #tpu.memory_space<hbm>>
    %dma_wait3A_227 = tpu.memref_slice %arg2[%add3A_6, %multiple_of3A_223] : memref<1024x100000xf32, #tpu.memory_space<hbm>> -> memref<8x128xf32, #tpu.memory_space<hbm>>
    tpu.wait_dma2 semaphore(%arg9 : memref<!tpu.dma_semaphore, #tpu.memory_space<semaphore_mem>>) src(%dma_wait3A_227 : memref<8x128xf32, #tpu.memory_space<hbm>>) dst(%arg6 : memref<8x128xf32, #tpu.memory_space<vmem>>)
    %shift_right_logical3A_228 = arith.constant 7 : i32
    %shift_right_logical3A_229 = vector.broadcast %shift_right_logical3A_228 : i32 to vector<16xi32>
    %shift_right_logical3A_230 = arith.shrui %gather3A_210, %shift_right_logical3A_229 : vector<16xi32>
    %shift_left3A_231 = arith.constant 7 : i32
    %shift_left3A_232 = vector.broadcast %shift_left3A_231 : i32 to vector<16xi32>
    %shift_left3A_233 = arith.shli %shift_right_logical3A_230, %shift_left3A_232 : vector<16xi32>
    %sub3A_234 = arith.subi %gather3A_210, %shift_left3A_233 : vector<16xi32>
    %broadcast_in_dim3A_235 = arith.constant 7 : i32
    %broadcast_in_dim3A_236 = vector.broadcast %broadcast_in_dim3A_235 : i32 to vector<16xi32>
    %gather3A_237 = tpu.vector_load_idx %arg6[%broadcast_in_dim3A_236, %sub3A_234] : memref<8x128xf32, #tpu.memory_space<vmem>>[vector<16xi32>, vector<16xi32>], vector<16xf32>,
    %broadcast_in_dim3A_238 = arith.constant 0 : i32
    %broadcast_in_dim3A_239 = vector.broadcast %broadcast_in_dim3A_238 : i32 to vector<16xi32>
    %broadcast_in_dim3A_240 = arith.constant 0 : i32
    %broadcast_in_dim3A_241 = vector.broadcast %broadcast_in_dim3A_240 : i32 to vector<16xi32>
    %broadcast_in_dim3A_242 = arith.constant 0 : i32
    %broadcast_in_dim3A_243 = vector.broadcast %broadcast_in_dim3A_242 : i32 to vector<16xi32>
    %broadcast_in_dim3A_244 = arith.constant 0 : i32
    %broadcast_in_dim3A_245 = vector.broadcast %broadcast_in_dim3A_244 : i32 to vector<16xi32>
    %broadcast_in_dim3A_246 = arith.constant 0 : i32
    %broadcast_in_dim3A_247 = vector.broadcast %broadcast_in_dim3A_246 : i32 to vector<16xi32>
    %broadcast_in_dim3A_248 = arith.constant 0 : i32
    %broadcast_in_dim3A_249 = vector.broadcast %broadcast_in_dim3A_248 : i32 to vector<16xi32>
    %broadcast_in_dim3A_250 = arith.constant 0 : i32
    %broadcast_in_dim3A_251 = vector.broadcast %broadcast_in_dim3A_250 : i32 to vector<16xi32>
    %broadcast_in_dim3A_252 = arith.constant 0 : i32
    %broadcast_in_dim3A_253 = vector.broadcast %broadcast_in_dim3A_252 : i32 to vector<16xi32>
    %scan3A = arith.constant 0 : i32
    %scan3A_254 = arith.constant 15 : i32
    %scan3A_255 = arith.addi %scan3A, %scan3A_254 : i32
    %scan3A_256 = arith.constant 1 : i32
    %scan3A_257:8 = scf.for %scan3A_485 = %scan3A to %scan3A_255 step %scan3A_256 iter_args(%scan3A_486 = %broadcast_in_dim3A_239, %scan3A_487 = %broadcast_in_dim3A_241, %scan3A_488 = %broadcast_in_dim3A_243, %scan3A_489 = %broadcast_in_dim3A_245, %scan3A_490 = %broadcast_in_dim3A_247, %scan3A_491 = %broadcast_in_dim3A_249, %scan3A_492 = %broadcast_in_dim3A_251, %scan3A_493 = %broadcast_in_dim3A_253) -> (vector<16xi32>, vector<16xi32>, vector<16xi32>, vector<16xi32>, vector<16xi32>, vector<16xi32>, vector<16xi32>, vector<16xi32>)  : i32 {
      %mul3A_494 = arith.constant 6272 : i32
      %mul3A_495 = arith.muli %scan3A_485, %mul3A_494 : i32
      %multiple_of3A_496 = tpu.assume_multiple %mul3A_495, 128 : i32
      %dma_start3A_497 = tpu.memref_slice %arg2[%add3A_6, %multiple_of3A_496] : memref<1024x100000xf32, #tpu.memory_space<hbm>> -> memref<8x6272xf32, #tpu.memory_space<hbm>>
      %dma_start3A_498 = tpu.memref_slice %arg2[%add3A_6, %multiple_of3A_496] : memref<1024x100000xf32, #tpu.memory_space<hbm>> -> memref<8x6272xf32, #tpu.memory_space<hbm>>
      tpu.enqueue_dma source(%dma_start3A_498 : memref<8x6272xf32, #tpu.memory_space<hbm>>) target(%arg7 : memref<8x6272xf32, #tpu.memory_space<vmem>>) target_semaphore(%arg9 : memref<!tpu.dma_semaphore, #tpu.memory_space<semaphore_mem>>)
      %dma_wait3A_499 = tpu.memref_slice %arg2[%add3A_6, %multiple_of3A_496] : memref<1024x100000xf32, #tpu.memory_space<hbm>> -> memref<8x6272xf32, #tpu.memory_space<hbm>>
      %dma_wait3A_500 = tpu.memref_slice %arg2[%add3A_6, %multiple_of3A_496] : memref<1024x100000xf32, #tpu.memory_space<hbm>> -> memref<8x6272xf32, #tpu.memory_space<hbm>>
      tpu.wait_dma2 semaphore(%arg9 : memref<!tpu.dma_semaphore, #tpu.memory_space<semaphore_mem>>) src(%dma_wait3A_500 : memref<8x6272xf32, #tpu.memory_space<hbm>>) dst(%arg7 : memref<8x6272xf32, #tpu.memory_space<vmem>>)
      %iota3A_501 = tpu.iota {dimensions = array<i32: 0>} : vector<16xi32>
      %scan3A_502 = arith.constant 0 : i32
      %scan3A_503 = arith.constant 98 : i32
      %scan3A_504 = arith.addi %scan3A_502, %scan3A_503 : i32
      %scan3A_505 = arith.constant 1 : i32
      %scan3A_506 = scf.for %scan3A_557 = %scan3A_502 to %scan3A_504 step %scan3A_505 iter_args(%scan3A_558 = %scan3A_486) -> (vector<16xi32>)  : i32 {
        %mul3A_559 = arith.constant 4 : i32
        %mul3A_560 = arith.muli %scan3A_557, %mul3A_559 : i32
        %add3A_561 = arith.constant 0 : i32
        %add3A_562 = arith.addi %mul3A_560, %add3A_561 : i32
        %mul3A_563 = arith.constant 16 : i32
        %mul3A_564 = arith.muli %add3A_562, %mul3A_563 : i32
        %get3A = arith.constant 0 : i32
        %get3A_565 = arith.index_cast %get3A : i32 to index
        %get3A_566 = arith.index_cast %mul3A_564 : i32 to index
        %get3A_567 = tpu.vector_load %arg7[%get3A_565, %get3A_566] {strides = array<i32>} : memref<8x6272xf32, #tpu.memory_space<vmem>>, vector<16xf32>,
        %add3A_568 = arith.addi %multiple_of3A_496, %mul3A_564 : i32
        %add3A_569 = vector.broadcast %add3A_568 : i32 to vector<16xi32>
        %add3A_570 = arith.addi %add3A_569, %iota3A_501 : vector<16xi32>
        %gt3A = arith.cmpf ogt, %get3A_567, %gather3A_27 : vector<16xf32>
        %eq3A_571 = arith.cmpf oeq, %get3A_567, %gather3A_27 : vector<16xf32>
        %lt3A_572 = arith.cmpi slt, %add3A_570, %gather3A : vector<16xi32>
        %and3A = arith.andi %eq3A_571, %lt3A_572 : vector<16xi1>
        %or3A = arith.ori %gt3A, %and3A : vector<16xi1>
        %jit3A_573 = arith.constant 1 : i32
        %jit3A_574 = arith.constant 0 : i32
        %broadcast_in_dim3A_575 = vector.broadcast %jit3A_573 : i32 to vector<16xi32>
        %broadcast_in_dim3A_576 = vector.broadcast %jit3A_574 : i32 to vector<16xi32>
        %select_n3A_577 = arith.select %or3A, %broadcast_in_dim3A_575, %broadcast_in_dim3A_576 : vector<16xi1>, vector<16xi32>
        %add3A_578 = arith.addi %scan3A_558, %select_n3A_577 : vector<16xi32>
        %mul3A_579 = arith.constant 4 : i32
        %mul3A_580 = arith.muli %scan3A_557, %mul3A_579 : i32
        %add3A_581 = arith.constant 1 : i32
        %add3A_582 = arith.addi %mul3A_580, %add3A_581 : i32
        %mul3A_583 = arith.constant 16 : i32
        %mul3A_584 = arith.muli %add3A_582, %mul3A_583 : i32
        %get3A_585 = arith.constant 0 : i32
        %get3A_586 = arith.index_cast %get3A_585 : i32 to index
        %get3A_587 = arith.index_cast %mul3A_584 : i32 to index
        %get3A_588 = tpu.vector_load %arg7[%get3A_586, %get3A_587] {strides = array<i32>} : memref<8x6272xf32, #tpu.memory_space<vmem>>, vector<16xf32>,
        %add3A_589 = arith.addi %multiple_of3A_496, %mul3A_584 : i32
        %add3A_590 = vector.broadcast %add3A_589 : i32 to vector<16xi32>
        %add3A_591 = arith.addi %add3A_590, %iota3A_501 : vector<16xi32>
        %gt3A_592 = arith.cmpf ogt, %get3A_588, %gather3A_27 : vector<16xf32>
        %eq3A_593 = arith.cmpf oeq, %get3A_588, %gather3A_27 : vector<16xf32>
        %lt3A_594 = arith.cmpi slt, %add3A_591, %gather3A : vector<16xi32>
        %and3A_595 = arith.andi %eq3A_593, %lt3A_594 : vector<16xi1>
        %or3A_596 = arith.ori %gt3A_592, %and3A_595 : vector<16xi1>
        %jit3A_597 = arith.constant 1 : i32
        %jit3A_598 = arith.constant 0 : i32
        %broadcast_in_dim3A_599 = vector.broadcast %jit3A_597 : i32 to vector<16xi32>
        %broadcast_in_dim3A_600 = vector.broadcast %jit3A_598 : i32 to vector<16xi32>
        %select_n3A_601 = arith.select %or3A_596, %broadcast_in_dim3A_599, %broadcast_in_dim3A_600 : vector<16xi1>, vector<16xi32>
        %add3A_602 = arith.addi %add3A_578, %select_n3A_601 : vector<16xi32>
        %mul3A_603 = arith.constant 4 : i32
        %mul3A_604 = arith.muli %scan3A_557, %mul3A_603 : i32
        %add3A_605 = arith.constant 2 : i32
        %add3A_606 = arith.addi %mul3A_604, %add3A_605 : i32
        %mul3A_607 = arith.constant 16 : i32
        %mul3A_608 = arith.muli %add3A_606, %mul3A_607 : i32
        %get3A_609 = arith.constant 0 : i32
        %get3A_610 = arith.index_cast %get3A_609 : i32 to index
        %get3A_611 = arith.index_cast %mul3A_608 : i32 to index
        %get3A_612 = tpu.vector_load %arg7[%get3A_610, %get3A_611] {strides = array<i32>} : memref<8x6272xf32, #tpu.memory_space<vmem>>, vector<16xf32>,
        %add3A_613 = arith.addi %multiple_of3A_496, %mul3A_608 : i32
        %add3A_614 = vector.broadcast %add3A_613 : i32 to vector<16xi32>
        %add3A_615 = arith.addi %add3A_614, %iota3A_501 : vector<16xi32>
        %gt3A_616 = arith.cmpf ogt, %get3A_612, %gather3A_27 : vector<16xf32>
        %eq3A_617 = arith.cmpf oeq, %get3A_612, %gather3A_27 : vector<16xf32>
        %lt3A_618 = arith.cmpi slt, %add3A_615, %gather3A : vector<16xi32>
        %and3A_619 = arith.andi %eq3A_617, %lt3A_618 : vector<16xi1>
        %or3A_620 = arith.ori %gt3A_616, %and3A_619 : vector<16xi1>
        %jit3A_621 = arith.constant 1 : i32
        %jit3A_622 = arith.constant 0 : i32
        %broadcast_in_dim3A_623 = vector.broadcast %jit3A_621 : i32 to vector<16xi32>
        %broadcast_in_dim3A_624 = vector.broadcast %jit3A_622 : i32 to vector<16xi32>
        %select_n3A_625 = arith.select %or3A_620, %broadcast_in_dim3A_623, %broadcast_in_dim3A_624 : vector<16xi1>, vector<16xi32>
        %add3A_626 = arith.addi %add3A_602, %select_n3A_625 : vector<16xi32>
        %mul3A_627 = arith.constant 4 : i32
        %mul3A_628 = arith.muli %scan3A_557, %mul3A_627 : i32
        %add3A_629 = arith.constant 3 : i32
        %add3A_630 = arith.addi %mul3A_628, %add3A_629 : i32
        %mul3A_631 = arith.constant 16 : i32
        %mul3A_632 = arith.muli %add3A_630, %mul3A_631 : i32
        %get3A_633 = arith.constant 0 : i32
        %get3A_634 = arith.index_cast %get3A_633 : i32 to index
        %get3A_635 = arith.index_cast %mul3A_632 : i32 to index
        %get3A_636 = tpu.vector_load %arg7[%get3A_634, %get3A_635] {strides = array<i32>} : memref<8x6272xf32, #tpu.memory_space<vmem>>, vector<16xf32>,
        %add3A_637 = arith.addi %multiple_of3A_496, %mul3A_632 : i32
        %add3A_638 = vector.broadcast %add3A_637 : i32 to vector<16xi32>
        %add3A_639 = arith.addi %add3A_638, %iota3A_501 : vector<16xi32>
        %gt3A_640 = arith.cmpf ogt, %get3A_636, %gather3A_27 : vector<16xf32>
        %eq3A_641 = arith.cmpf oeq, %get3A_636, %gather3A_27 : vector<16xf32>
        %lt3A_642 = arith.cmpi slt, %add3A_639, %gather3A : vector<16xi32>
        %and3A_643 = arith.andi %eq3A_641, %lt3A_642 : vector<16xi1>
        %or3A_644 = arith.ori %gt3A_640, %and3A_643 : vector<16xi1>
        %jit3A_645 = arith.constant 1 : i32
        %jit3A_646 = arith.constant 0 : i32
        %broadcast_in_dim3A_647 = vector.broadcast %jit3A_645 : i32 to vector<16xi32>
        %broadcast_in_dim3A_648 = vector.broadcast %jit3A_646 : i32 to vector<16xi32>
        %select_n3A_649 = arith.select %or3A_644, %broadcast_in_dim3A_647, %broadcast_in_dim3A_648 : vector<16xi1>, vector<16xi32>
        %add3A_650 = arith.addi %add3A_626, %select_n3A_649 : vector<16xi32>
        scf.yield %add3A_650 : vector<16xi32>
      }
      %scan3A_507 = arith.constant 98 : i32
      %iota3A_508 = tpu.iota {dimensions = array<i32: 0>} : vector<16xi32>
      %scan3A_509 = arith.constant 0 : i32
      %scan3A_510 = arith.constant 98 : i32
      %scan3A_511 = arith.addi %scan3A_509, %scan3A_510 : i32
      %scan3A_512 = arith.constant 1 : i32
      %scan3A_513 = scf.for %scan3A_557 = %scan3A_509 to %scan3A_511 step %scan3A_512 iter_args(%scan3A_558 = %scan3A_487) -> (vector<16xi32>)  : i32 {
        %mul3A_559 = arith.constant 4 : i32
        %mul3A_560 = arith.muli %scan3A_557, %mul3A_559 : i32
        %add3A_561 = arith.constant 0 : i32
        %add3A_562 = arith.addi %mul3A_560, %add3A_561 : i32
        %mul3A_563 = arith.constant 16 : i32
        %mul3A_564 = arith.muli %add3A_562, %mul3A_563 : i32
        %get3A = arith.constant 1 : i32
        %get3A_565 = arith.index_cast %get3A : i32 to index
        %get3A_566 = arith.index_cast %mul3A_564 : i32 to index
        %get3A_567 = tpu.vector_load %arg7[%get3A_565, %get3A_566] {strides = array<i32>} : memref<8x6272xf32, #tpu.memory_space<vmem>>, vector<16xf32>,
        %add3A_568 = arith.addi %multiple_of3A_496, %mul3A_564 : i32
        %add3A_569 = vector.broadcast %add3A_568 : i32 to vector<16xi32>
        %add3A_570 = arith.addi %add3A_569, %iota3A_508 : vector<16xi32>
        %gt3A = arith.cmpf ogt, %get3A_567, %gather3A_57 : vector<16xf32>
        %eq3A_571 = arith.cmpf oeq, %get3A_567, %gather3A_57 : vector<16xf32>
        %lt3A_572 = arith.cmpi slt, %add3A_570, %gather3A_30 : vector<16xi32>
        %and3A = arith.andi %eq3A_571, %lt3A_572 : vector<16xi1>
        %or3A = arith.ori %gt3A, %and3A : vector<16xi1>
        %jit3A_573 = arith.constant 1 : i32
        %jit3A_574 = arith.constant 0 : i32
        %broadcast_in_dim3A_575 = vector.broadcast %jit3A_573 : i32 to vector<16xi32>
        %broadcast_in_dim3A_576 = vector.broadcast %jit3A_574 : i32 to vector<16xi32>
        %select_n3A_577 = arith.select %or3A, %broadcast_in_dim3A_575, %broadcast_in_dim3A_576 : vector<16xi1>, vector<16xi32>
        %add3A_578 = arith.addi %scan3A_558, %select_n3A_577 : vector<16xi32>
        %mul3A_579 = arith.constant 4 : i32
        %mul3A_580 = arith.muli %scan3A_557, %mul3A_579 : i32
        %add3A_581 = arith.constant 1 : i32
        %add3A_582 = arith.addi %mul3A_580, %add3A_581 : i32
        %mul3A_583 = arith.constant 16 : i32
        %mul3A_584 = arith.muli %add3A_582, %mul3A_583 : i32
        %get3A_585 = arith.constant 1 : i32
        %get3A_586 = arith.index_cast %get3A_585 : i32 to index
        %get3A_587 = arith.index_cast %mul3A_584 : i32 to index
        %get3A_588 = tpu.vector_load %arg7[%get3A_586, %get3A_587] {strides = array<i32>} : memref<8x6272xf32, #tpu.memory_space<vmem>>, vector<16xf32>,
        %add3A_589 = arith.addi %multiple_of3A_496, %mul3A_584 : i32
        %add3A_590 = vector.broadcast %add3A_589 : i32 to vector<16xi32>
        %add3A_591 = arith.addi %add3A_590, %iota3A_508 : vector<16xi32>
        %gt3A_592 = arith.cmpf ogt, %get3A_588, %gather3A_57 : vector<16xf32>
        %eq3A_593 = arith.cmpf oeq, %get3A_588, %gather3A_57 : vector<16xf32>
        %lt3A_594 = arith.cmpi slt, %add3A_591, %gather3A_30 : vector<16xi32>
        %and3A_595 = arith.andi %eq3A_593, %lt3A_594 : vector<16xi1>
        %or3A_596 = arith.ori %gt3A_592, %and3A_595 : vector<16xi1>
        %jit3A_597 = arith.constant 1 : i32
        %jit3A_598 = arith.constant 0 : i32
        %broadcast_in_dim3A_599 = vector.broadcast %jit3A_597 : i32 to vector<16xi32>
        %broadcast_in_dim3A_600 = vector.broadcast %jit3A_598 : i32 to vector<16xi32>
        %select_n3A_601 = arith.select %or3A_596, %broadcast_in_dim3A_599, %broadcast_in_dim3A_600 : vector<16xi1>, vector<16xi32>
        %add3A_602 = arith.addi %add3A_578, %select_n3A_601 : vector<16xi32>
        %mul3A_603 = arith.constant 4 : i32
        %mul3A_604 = arith.muli %scan3A_557, %mul3A_603 : i32
        %add3A_605 = arith.constant 2 : i32
        %add3A_606 = arith.addi %mul3A_604, %add3A_605 : i32
        %mul3A_607 = arith.constant 16 : i32
        %mul3A_608 = arith.muli %add3A_606, %mul3A_607 : i32
        %get3A_609 = arith.constant 1 : i32
        %get3A_610 = arith.index_cast %get3A_609 : i32 to index
        %get3A_611 = arith.index_cast %mul3A_608 : i32 to index
        %get3A_612 = tpu.vector_load %arg7[%get3A_610, %get3A_611] {strides = array<i32>} : memref<8x6272xf32, #tpu.memory_space<vmem>>, vector<16xf32>,
        %add3A_613 = arith.addi %multiple_of3A_496, %mul3A_608 : i32
        %add3A_614 = vector.broadcast %add3A_613 : i32 to vector<16xi32>
        %add3A_615 = arith.addi %add3A_614, %iota3A_508 : vector<16xi32>
        %gt3A_616 = arith.cmpf ogt, %get3A_612, %gather3A_57 : vector<16xf32>
        %eq3A_617 = arith.cmpf oeq, %get3A_612, %gather3A_57 : vector<16xf32>
        %lt3A_618 = arith.cmpi slt, %add3A_615, %gather3A_30 : vector<16xi32>
        %and3A_619 = arith.andi %eq3A_617, %lt3A_618 : vector<16xi1>
        %or3A_620 = arith.ori %gt3A_616, %and3A_619 : vector<16xi1>
        %jit3A_621 = arith.constant 1 : i32
        %jit3A_622 = arith.constant 0 : i32
        %broadcast_in_dim3A_623 = vector.broadcast %jit3A_621 : i32 to vector<16xi32>
        %broadcast_in_dim3A_624 = vector.broadcast %jit3A_622 : i32 to vector<16xi32>
        %select_n3A_625 = arith.select %or3A_620, %broadcast_in_dim3A_623, %broadcast_in_dim3A_624 : vector<16xi1>, vector<16xi32>
        %add3A_626 = arith.addi %add3A_602, %select_n3A_625 : vector<16xi32>
        %mul3A_627 = arith.constant 4 : i32
        %mul3A_628 = arith.muli %scan3A_557, %mul3A_627 : i32
        %add3A_629 = arith.constant 3 : i32
        %add3A_630 = arith.addi %mul3A_628, %add3A_629 : i32
        %mul3A_631 = arith.constant 16 : i32
        %mul3A_632 = arith.muli %add3A_630, %mul3A_631 : i32
        %get3A_633 = arith.constant 1 : i32
        %get3A_634 = arith.index_cast %get3A_633 : i32 to index
        %get3A_635 = arith.index_cast %mul3A_632 : i32 to index
        %get3A_636 = tpu.vector_load %arg7[%get3A_634, %get3A_635] {strides = array<i32>} : memref<8x6272xf32, #tpu.memory_space<vmem>>, vector<16xf32>,
        %add3A_637 = arith.addi %multiple_of3A_496, %mul3A_632 : i32
        %add3A_638 = vector.broadcast %add3A_637 : i32 to vector<16xi32>
        %add3A_639 = arith.addi %add3A_638, %iota3A_508 : vector<16xi32>
        %gt3A_640 = arith.cmpf ogt, %get3A_636, %gather3A_57 : vector<16xf32>
        %eq3A_641 = arith.cmpf oeq, %get3A_636, %gather3A_57 : vector<16xf32>
        %lt3A_642 = arith.cmpi slt, %add3A_639, %gather3A_30 : vector<16xi32>
        %and3A_643 = arith.andi %eq3A_641, %lt3A_642 : vector<16xi1>
        %or3A_644 = arith.ori %gt3A_640, %and3A_643 : vector<16xi1>
        %jit3A_645 = arith.constant 1 : i32
        %jit3A_646 = arith.constant 0 : i32
        %broadcast_in_dim3A_647 = vector.broadcast %jit3A_645 : i32 to vector<16xi32>
        %broadcast_in_dim3A_648 = vector.broadcast %jit3A_646 : i32 to vector<16xi32>
        %select_n3A_649 = arith.select %or3A_644, %broadcast_in_dim3A_647, %broadcast_in_dim3A_648 : vector<16xi1>, vector<16xi32>
        %add3A_650 = arith.addi %add3A_626, %select_n3A_649 : vector<16xi32>
        scf.yield %add3A_650 : vector<16xi32>
      }
      %scan3A_514 = arith.constant 98 : i32
      %iota3A_515 = tpu.iota {dimensions = array<i32: 0>} : vector<16xi32>
      %scan3A_516 = arith.constant 0 : i32
      %scan3A_517 = arith.constant 98 : i32
      %scan3A_518 = arith.addi %scan3A_516, %scan3A_517 : i32
      %scan3A_519 = arith.constant 1 : i32
      %scan3A_520 = scf.for %scan3A_557 = %scan3A_516 to %scan3A_518 step %scan3A_519 iter_args(%scan3A_558 = %scan3A_488) -> (vector<16xi32>)  : i32 {
        %mul3A_559 = arith.constant 4 : i32
        %mul3A_560 = arith.muli %scan3A_557, %mul3A_559 : i32
        %add3A_561 = arith.constant 0 : i32
        %add3A_562 = arith.addi %mul3A_560, %add3A_561 : i32
        %mul3A_563 = arith.constant 16 : i32
        %mul3A_564 = arith.muli %add3A_562, %mul3A_563 : i32
        %get3A = arith.constant 2 : i32
        %get3A_565 = arith.index_cast %get3A : i32 to index
        %get3A_566 = arith.index_cast %mul3A_564 : i32 to index
        %get3A_567 = tpu.vector_load %arg7[%get3A_565, %get3A_566] {strides = array<i32>} : memref<8x6272xf32, #tpu.memory_space<vmem>>, vector<16xf32>,
        %add3A_568 = arith.addi %multiple_of3A_496, %mul3A_564 : i32
        %add3A_569 = vector.broadcast %add3A_568 : i32 to vector<16xi32>
        %add3A_570 = arith.addi %add3A_569, %iota3A_515 : vector<16xi32>
        %gt3A = arith.cmpf ogt, %get3A_567, %gather3A_87 : vector<16xf32>
        %eq3A_571 = arith.cmpf oeq, %get3A_567, %gather3A_87 : vector<16xf32>
        %lt3A_572 = arith.cmpi slt, %add3A_570, %gather3A_60 : vector<16xi32>
        %and3A = arith.andi %eq3A_571, %lt3A_572 : vector<16xi1>
        %or3A = arith.ori %gt3A, %and3A : vector<16xi1>
        %jit3A_573 = arith.constant 1 : i32
        %jit3A_574 = arith.constant 0 : i32
        %broadcast_in_dim3A_575 = vector.broadcast %jit3A_573 : i32 to vector<16xi32>
        %broadcast_in_dim3A_576 = vector.broadcast %jit3A_574 : i32 to vector<16xi32>
        %select_n3A_577 = arith.select %or3A, %broadcast_in_dim3A_575, %broadcast_in_dim3A_576 : vector<16xi1>, vector<16xi32>
        %add3A_578 = arith.addi %scan3A_558, %select_n3A_577 : vector<16xi32>
        %mul3A_579 = arith.constant 4 : i32
        %mul3A_580 = arith.muli %scan3A_557, %mul3A_579 : i32
        %add3A_581 = arith.constant 1 : i32
        %add3A_582 = arith.addi %mul3A_580, %add3A_581 : i32
        %mul3A_583 = arith.constant 16 : i32
        %mul3A_584 = arith.muli %add3A_582, %mul3A_583 : i32
        %get3A_585 = arith.constant 2 : i32
        %get3A_586 = arith.index_cast %get3A_585 : i32 to index
        %get3A_587 = arith.index_cast %mul3A_584 : i32 to index
        %get3A_588 = tpu.vector_load %arg7[%get3A_586, %get3A_587] {strides = array<i32>} : memref<8x6272xf32, #tpu.memory_space<vmem>>, vector<16xf32>,
        %add3A_589 = arith.addi %multiple_of3A_496, %mul3A_584 : i32
        %add3A_590 = vector.broadcast %add3A_589 : i32 to vector<16xi32>
        %add3A_591 = arith.addi %add3A_590, %iota3A_515 : vector<16xi32>
        %gt3A_592 = arith.cmpf ogt, %get3A_588, %gather3A_87 : vector<16xf32>
        %eq3A_593 = arith.cmpf oeq, %get3A_588, %gather3A_87 : vector<16xf32>
        %lt3A_594 = arith.cmpi slt, %add3A_591, %gather3A_60 : vector<16xi32>
        %and3A_595 = arith.andi %eq3A_593, %lt3A_594 : vector<16xi1>
        %or3A_596 = arith.ori %gt3A_592, %and3A_595 : vector<16xi1>
        %jit3A_597 = arith.constant 1 : i32
        %jit3A_598 = arith.constant 0 : i32
        %broadcast_in_dim3A_599 = vector.broadcast %jit3A_597 : i32 to vector<16xi32>
        %broadcast_in_dim3A_600 = vector.broadcast %jit3A_598 : i32 to vector<16xi32>
        %select_n3A_601 = arith.select %or3A_596, %broadcast_in_dim3A_599, %broadcast_in_dim3A_600 : vector<16xi1>, vector<16xi32>
        %add3A_602 = arith.addi %add3A_578, %select_n3A_601 : vector<16xi32>
        %mul3A_603 = arith.constant 4 : i32
        %mul3A_604 = arith.muli %scan3A_557, %mul3A_603 : i32
        %add3A_605 = arith.constant 2 : i32
        %add3A_606 = arith.addi %mul3A_604, %add3A_605 : i32
        %mul3A_607 = arith.constant 16 : i32
        %mul3A_608 = arith.muli %add3A_606, %mul3A_607 : i32
        %get3A_609 = arith.constant 2 : i32
        %get3A_610 = arith.index_cast %get3A_609 : i32 to index
        %get3A_611 = arith.index_cast %mul3A_608 : i32 to index
        %get3A_612 = tpu.vector_load %arg7[%get3A_610, %get3A_611] {strides = array<i32>} : memref<8x6272xf32, #tpu.memory_space<vmem>>, vector<16xf32>,
        %add3A_613 = arith.addi %multiple_of3A_496, %mul3A_608 : i32
        %add3A_614 = vector.broadcast %add3A_613 : i32 to vector<16xi32>
        %add3A_615 = arith.addi %add3A_614, %iota3A_515 : vector<16xi32>
        %gt3A_616 = arith.cmpf ogt, %get3A_612, %gather3A_87 : vector<16xf32>
        %eq3A_617 = arith.cmpf oeq, %get3A_612, %gather3A_87 : vector<16xf32>
        %lt3A_618 = arith.cmpi slt, %add3A_615, %gather3A_60 : vector<16xi32>
        %and3A_619 = arith.andi %eq3A_617, %lt3A_618 : vector<16xi1>
        %or3A_620 = arith.ori %gt3A_616, %and3A_619 : vector<16xi1>
        %jit3A_621 = arith.constant 1 : i32
        %jit3A_622 = arith.constant 0 : i32
        %broadcast_in_dim3A_623 = vector.broadcast %jit3A_621 : i32 to vector<16xi32>
        %broadcast_in_dim3A_624 = vector.broadcast %jit3A_622 : i32 to vector<16xi32>
        %select_n3A_625 = arith.select %or3A_620, %broadcast_in_dim3A_623, %broadcast_in_dim3A_624 : vector<16xi1>, vector<16xi32>
        %add3A_626 = arith.addi %add3A_602, %select_n3A_625 : vector<16xi32>
        %mul3A_627 = arith.constant 4 : i32
        %mul3A_628 = arith.muli %scan3A_557, %mul3A_627 : i32
        %add3A_629 = arith.constant 3 : i32
        %add3A_630 = arith.addi %mul3A_628, %add3A_629 : i32
        %mul3A_631 = arith.constant 16 : i32
        %mul3A_632 = arith.muli %add3A_630, %mul3A_631 : i32
        %get3A_633 = arith.constant 2 : i32
        %get3A_634 = arith.index_cast %get3A_633 : i32 to index
        %get3A_635 = arith.index_cast %mul3A_632 : i32 to index
        %get3A_636 = tpu.vector_load %arg7[%get3A_634, %get3A_635] {strides = array<i32>} : memref<8x6272xf32, #tpu.memory_space<vmem>>, vector<16xf32>,
        %add3A_637 = arith.addi %multiple_of3A_496, %mul3A_632 : i32
        %add3A_638 = vector.broadcast %add3A_637 : i32 to vector<16xi32>
        %add3A_639 = arith.addi %add3A_638, %iota3A_515 : vector<16xi32>
        %gt3A_640 = arith.cmpf ogt, %get3A_636, %gather3A_87 : vector<16xf32>
        %eq3A_641 = arith.cmpf oeq, %get3A_636, %gather3A_87 : vector<16xf32>
        %lt3A_642 = arith.cmpi slt, %add3A_639, %gather3A_60 : vector<16xi32>
        %and3A_643 = arith.andi %eq3A_641, %lt3A_642 : vector<16xi1>
        %or3A_644 = arith.ori %gt3A_640, %and3A_643 : vector<16xi1>
        %jit3A_645 = arith.constant 1 : i32
        %jit3A_646 = arith.constant 0 : i32
        %broadcast_in_dim3A_647 = vector.broadcast %jit3A_645 : i32 to vector<16xi32>
        %broadcast_in_dim3A_648 = vector.broadcast %jit3A_646 : i32 to vector<16xi32>
        %select_n3A_649 = arith.select %or3A_644, %broadcast_in_dim3A_647, %broadcast_in_dim3A_648 : vector<16xi1>, vector<16xi32>
        %add3A_650 = arith.addi %add3A_626, %select_n3A_649 : vector<16xi32>
        scf.yield %add3A_650 : vector<16xi32>
      }
      %scan3A_521 = arith.constant 98 : i32
      %iota3A_522 = tpu.iota {dimensions = array<i32: 0>} : vector<16xi32>
      %scan3A_523 = arith.constant 0 : i32
      %scan3A_524 = arith.constant 98 : i32
      %scan3A_525 = arith.addi %scan3A_523, %scan3A_524 : i32
      %scan3A_526 = arith.constant 1 : i32
      %scan3A_527 = scf.for %scan3A_557 = %scan3A_523 to %scan3A_525 step %scan3A_526 iter_args(%scan3A_558 = %scan3A_489) -> (vector<16xi32>)  : i32 {
        %mul3A_559 = arith.constant 4 : i32
        %mul3A_560 = arith.muli %scan3A_557, %mul3A_559 : i32
        %add3A_561 = arith.constant 0 : i32
        %add3A_562 = arith.addi %mul3A_560, %add3A_561 : i32
        %mul3A_563 = arith.constant 16 : i32
        %mul3A_564 = arith.muli %add3A_562, %mul3A_563 : i32
        %get3A = arith.constant 3 : i32
        %get3A_565 = arith.index_cast %get3A : i32 to index
        %get3A_566 = arith.index_cast %mul3A_564 : i32 to index
        %get3A_567 = tpu.vector_load %arg7[%get3A_565, %get3A_566] {strides = array<i32>} : memref<8x6272xf32, #tpu.memory_space<vmem>>, vector<16xf32>,
        %add3A_568 = arith.addi %multiple_of3A_496, %mul3A_564 : i32
        %add3A_569 = vector.broadcast %add3A_568 : i32 to vector<16xi32>
        %add3A_570 = arith.addi %add3A_569, %iota3A_522 : vector<16xi32>
        %gt3A = arith.cmpf ogt, %get3A_567, %gather3A_117 : vector<16xf32>
        %eq3A_571 = arith.cmpf oeq, %get3A_567, %gather3A_117 : vector<16xf32>
        %lt3A_572 = arith.cmpi slt, %add3A_570, %gather3A_90 : vector<16xi32>
        %and3A = arith.andi %eq3A_571, %lt3A_572 : vector<16xi1>
        %or3A = arith.ori %gt3A, %and3A : vector<16xi1>
        %jit3A_573 = arith.constant 1 : i32
        %jit3A_574 = arith.constant 0 : i32
        %broadcast_in_dim3A_575 = vector.broadcast %jit3A_573 : i32 to vector<16xi32>
        %broadcast_in_dim3A_576 = vector.broadcast %jit3A_574 : i32 to vector<16xi32>
        %select_n3A_577 = arith.select %or3A, %broadcast_in_dim3A_575, %broadcast_in_dim3A_576 : vector<16xi1>, vector<16xi32>
        %add3A_578 = arith.addi %scan3A_558, %select_n3A_577 : vector<16xi32>
        %mul3A_579 = arith.constant 4 : i32
        %mul3A_580 = arith.muli %scan3A_557, %mul3A_579 : i32
        %add3A_581 = arith.constant 1 : i32
        %add3A_582 = arith.addi %mul3A_580, %add3A_581 : i32
        %mul3A_583 = arith.constant 16 : i32
        %mul3A_584 = arith.muli %add3A_582, %mul3A_583 : i32
        %get3A_585 = arith.constant 3 : i32
        %get3A_586 = arith.index_cast %get3A_585 : i32 to index
        %get3A_587 = arith.index_cast %mul3A_584 : i32 to index
        %get3A_588 = tpu.vector_load %arg7[%get3A_586, %get3A_587] {strides = array<i32>} : memref<8x6272xf32, #tpu.memory_space<vmem>>, vector<16xf32>,
        %add3A_589 = arith.addi %multiple_of3A_496, %mul3A_584 : i32
        %add3A_590 = vector.broadcast %add3A_589 : i32 to vector<16xi32>
        %add3A_591 = arith.addi %add3A_590, %iota3A_522 : vector<16xi32>
        %gt3A_592 = arith.cmpf ogt, %get3A_588, %gather3A_117 : vector<16xf32>
        %eq3A_593 = arith.cmpf oeq, %get3A_588, %gather3A_117 : vector<16xf32>
        %lt3A_594 = arith.cmpi slt, %add3A_591, %gather3A_90 : vector<16xi32>
        %and3A_595 = arith.andi %eq3A_593, %lt3A_594 : vector<16xi1>
        %or3A_596 = arith.ori %gt3A_592, %and3A_595 : vector<16xi1>
        %jit3A_597 = arith.constant 1 : i32
        %jit3A_598 = arith.constant 0 : i32
        %broadcast_in_dim3A_599 = vector.broadcast %jit3A_597 : i32 to vector<16xi32>
        %broadcast_in_dim3A_600 = vector.broadcast %jit3A_598 : i32 to vector<16xi32>
        %select_n3A_601 = arith.select %or3A_596, %broadcast_in_dim3A_599, %broadcast_in_dim3A_600 : vector<16xi1>, vector<16xi32>
        %add3A_602 = arith.addi %add3A_578, %select_n3A_601 : vector<16xi32>
        %mul3A_603 = arith.constant 4 : i32
        %mul3A_604 = arith.muli %scan3A_557, %mul3A_603 : i32
        %add3A_605 = arith.constant 2 : i32
        %add3A_606 = arith.addi %mul3A_604, %add3A_605 : i32
        %mul3A_607 = arith.constant 16 : i32
        %mul3A_608 = arith.muli %add3A_606, %mul3A_607 : i32
        %get3A_609 = arith.constant 3 : i32
        %get3A_610 = arith.index_cast %get3A_609 : i32 to index
        %get3A_611 = arith.index_cast %mul3A_608 : i32 to index
        %get3A_612 = tpu.vector_load %arg7[%get3A_610, %get3A_611] {strides = array<i32>} : memref<8x6272xf32, #tpu.memory_space<vmem>>, vector<16xf32>,
        %add3A_613 = arith.addi %multiple_of3A_496, %mul3A_608 : i32
        %add3A_614 = vector.broadcast %add3A_613 : i32 to vector<16xi32>
        %add3A_615 = arith.addi %add3A_614, %iota3A_522 : vector<16xi32>
        %gt3A_616 = arith.cmpf ogt, %get3A_612, %gather3A_117 : vector<16xf32>
        %eq3A_617 = arith.cmpf oeq, %get3A_612, %gather3A_117 : vector<16xf32>
        %lt3A_618 = arith.cmpi slt, %add3A_615, %gather3A_90 : vector<16xi32>
        %and3A_619 = arith.andi %eq3A_617, %lt3A_618 : vector<16xi1>
        %or3A_620 = arith.ori %gt3A_616, %and3A_619 : vector<16xi1>
        %jit3A_621 = arith.constant 1 : i32
        %jit3A_622 = arith.constant 0 : i32
        %broadcast_in_dim3A_623 = vector.broadcast %jit3A_621 : i32 to vector<16xi32>
        %broadcast_in_dim3A_624 = vector.broadcast %jit3A_622 : i32 to vector<16xi32>
        %select_n3A_625 = arith.select %or3A_620, %broadcast_in_dim3A_623, %broadcast_in_dim3A_624 : vector<16xi1>, vector<16xi32>
        %add3A_626 = arith.addi %add3A_602, %select_n3A_625 : vector<16xi32>
        %mul3A_627 = arith.constant 4 : i32
        %mul3A_628 = arith.muli %scan3A_557, %mul3A_627 : i32
        %add3A_629 = arith.constant 3 : i32
        %add3A_630 = arith.addi %mul3A_628, %add3A_629 : i32
        %mul3A_631 = arith.constant 16 : i32
        %mul3A_632 = arith.muli %add3A_630, %mul3A_631 : i32
        %get3A_633 = arith.constant 3 : i32
        %get3A_634 = arith.index_cast %get3A_633 : i32 to index
        %get3A_635 = arith.index_cast %mul3A_632 : i32 to index
        %get3A_636 = tpu.vector_load %arg7[%get3A_634, %get3A_635] {strides = array<i32>} : memref<8x6272xf32, #tpu.memory_space<vmem>>, vector<16xf32>,
        %add3A_637 = arith.addi %multiple_of3A_496, %mul3A_632 : i32
        %add3A_638 = vector.broadcast %add3A_637 : i32 to vector<16xi32>
        %add3A_639 = arith.addi %add3A_638, %iota3A_522 : vector<16xi32>
        %gt3A_640 = arith.cmpf ogt, %get3A_636, %gather3A_117 : vector<16xf32>
        %eq3A_641 = arith.cmpf oeq, %get3A_636, %gather3A_117 : vector<16xf32>
        %lt3A_642 = arith.cmpi slt, %add3A_639, %gather3A_90 : vector<16xi32>
        %and3A_643 = arith.andi %eq3A_641, %lt3A_642 : vector<16xi1>
        %or3A_644 = arith.ori %gt3A_640, %and3A_643 : vector<16xi1>
        %jit3A_645 = arith.constant 1 : i32
        %jit3A_646 = arith.constant 0 : i32
        %broadcast_in_dim3A_647 = vector.broadcast %jit3A_645 : i32 to vector<16xi32>
        %broadcast_in_dim3A_648 = vector.broadcast %jit3A_646 : i32 to vector<16xi32>
        %select_n3A_649 = arith.select %or3A_644, %broadcast_in_dim3A_647, %broadcast_in_dim3A_648 : vector<16xi1>, vector<16xi32>
        %add3A_650 = arith.addi %add3A_626, %select_n3A_649 : vector<16xi32>
        scf.yield %add3A_650 : vector<16xi32>
      }
      %scan3A_528 = arith.constant 98 : i32
      %iota3A_529 = tpu.iota {dimensions = array<i32: 0>} : vector<16xi32>
      %scan3A_530 = arith.constant 0 : i32
      %scan3A_531 = arith.constant 98 : i32
      %scan3A_532 = arith.addi %scan3A_530, %scan3A_531 : i32
      %scan3A_533 = arith.constant 1 : i32
      %scan3A_534 = scf.for %scan3A_557 = %scan3A_530 to %scan3A_532 step %scan3A_533 iter_args(%scan3A_558 = %scan3A_490) -> (vector<16xi32>)  : i32 {
        %mul3A_559 = arith.constant 4 : i32
        %mul3A_560 = arith.muli %scan3A_557, %mul3A_559 : i32
        %add3A_561 = arith.constant 0 : i32
        %add3A_562 = arith.addi %mul3A_560, %add3A_561 : i32
        %mul3A_563 = arith.constant 16 : i32
        %mul3A_564 = arith.muli %add3A_562, %mul3A_563 : i32
        %get3A = arith.constant 4 : i32
        %get3A_565 = arith.index_cast %get3A : i32 to index
        %get3A_566 = arith.index_cast %mul3A_564 : i32 to index
        %get3A_567 = tpu.vector_load %arg7[%get3A_565, %get3A_566] {strides = array<i32>} : memref<8x6272xf32, #tpu.memory_space<vmem>>, vector<16xf32>,
        %add3A_568 = arith.addi %multiple_of3A_496, %mul3A_564 : i32
        %add3A_569 = vector.broadcast %add3A_568 : i32 to vector<16xi32>
        %add3A_570 = arith.addi %add3A_569, %iota3A_529 : vector<16xi32>
        %gt3A = arith.cmpf ogt, %get3A_567, %gather3A_147 : vector<16xf32>
        %eq3A_571 = arith.cmpf oeq, %get3A_567, %gather3A_147 : vector<16xf32>
        %lt3A_572 = arith.cmpi slt, %add3A_570, %gather3A_120 : vector<16xi32>
        %and3A = arith.andi %eq3A_571, %lt3A_572 : vector<16xi1>
        %or3A = arith.ori %gt3A, %and3A : vector<16xi1>
        %jit3A_573 = arith.constant 1 : i32
        %jit3A_574 = arith.constant 0 : i32
        %broadcast_in_dim3A_575 = vector.broadcast %jit3A_573 : i32 to vector<16xi32>
        %broadcast_in_dim3A_576 = vector.broadcast %jit3A_574 : i32 to vector<16xi32>
        %select_n3A_577 = arith.select %or3A, %broadcast_in_dim3A_575, %broadcast_in_dim3A_576 : vector<16xi1>, vector<16xi32>
        %add3A_578 = arith.addi %scan3A_558, %select_n3A_577 : vector<16xi32>
        %mul3A_579 = arith.constant 4 : i32
        %mul3A_580 = arith.muli %scan3A_557, %mul3A_579 : i32
        %add3A_581 = arith.constant 1 : i32
        %add3A_582 = arith.addi %mul3A_580, %add3A_581 : i32
        %mul3A_583 = arith.constant 16 : i32
        %mul3A_584 = arith.muli %add3A_582, %mul3A_583 : i32
        %get3A_585 = arith.constant 4 : i32
        %get3A_586 = arith.index_cast %get3A_585 : i32 to index
        %get3A_587 = arith.index_cast %mul3A_584 : i32 to index
        %get3A_588 = tpu.vector_load %arg7[%get3A_586, %get3A_587] {strides = array<i32>} : memref<8x6272xf32, #tpu.memory_space<vmem>>, vector<16xf32>,
        %add3A_589 = arith.addi %multiple_of3A_496, %mul3A_584 : i32
        %add3A_590 = vector.broadcast %add3A_589 : i32 to vector<16xi32>
        %add3A_591 = arith.addi %add3A_590, %iota3A_529 : vector<16xi32>
        %gt3A_592 = arith.cmpf ogt, %get3A_588, %gather3A_147 : vector<16xf32>
        %eq3A_593 = arith.cmpf oeq, %get3A_588, %gather3A_147 : vector<16xf32>
        %lt3A_594 = arith.cmpi slt, %add3A_591, %gather3A_120 : vector<16xi32>
        %and3A_595 = arith.andi %eq3A_593, %lt3A_594 : vector<16xi1>
        %or3A_596 = arith.ori %gt3A_592, %and3A_595 : vector<16xi1>
        %jit3A_597 = arith.constant 1 : i32
        %jit3A_598 = arith.constant 0 : i32
        %broadcast_in_dim3A_599 = vector.broadcast %jit3A_597 : i32 to vector<16xi32>
        %broadcast_in_dim3A_600 = vector.broadcast %jit3A_598 : i32 to vector<16xi32>
        %select_n3A_601 = arith.select %or3A_596, %broadcast_in_dim3A_599, %broadcast_in_dim3A_600 : vector<16xi1>, vector<16xi32>
        %add3A_602 = arith.addi %add3A_578, %select_n3A_601 : vector<16xi32>
        %mul3A_603 = arith.constant 4 : i32
        %mul3A_604 = arith.muli %scan3A_557, %mul3A_603 : i32
        %add3A_605 = arith.constant 2 : i32
        %add3A_606 = arith.addi %mul3A_604, %add3A_605 : i32
        %mul3A_607 = arith.constant 16 : i32
        %mul3A_608 = arith.muli %add3A_606, %mul3A_607 : i32
        %get3A_609 = arith.constant 4 : i32
        %get3A_610 = arith.index_cast %get3A_609 : i32 to index
        %get3A_611 = arith.index_cast %mul3A_608 : i32 to index
        %get3A_612 = tpu.vector_load %arg7[%get3A_610, %get3A_611] {strides = array<i32>} : memref<8x6272xf32, #tpu.memory_space<vmem>>, vector<16xf32>,
        %add3A_613 = arith.addi %multiple_of3A_496, %mul3A_608 : i32
        %add3A_614 = vector.broadcast %add3A_613 : i32 to vector<16xi32>
        %add3A_615 = arith.addi %add3A_614, %iota3A_529 : vector<16xi32>
        %gt3A_616 = arith.cmpf ogt, %get3A_612, %gather3A_147 : vector<16xf32>
        %eq3A_617 = arith.cmpf oeq, %get3A_612, %gather3A_147 : vector<16xf32>
        %lt3A_618 = arith.cmpi slt, %add3A_615, %gather3A_120 : vector<16xi32>
        %and3A_619 = arith.andi %eq3A_617, %lt3A_618 : vector<16xi1>
        %or3A_620 = arith.ori %gt3A_616, %and3A_619 : vector<16xi1>
        %jit3A_621 = arith.constant 1 : i32
        %jit3A_622 = arith.constant 0 : i32
        %broadcast_in_dim3A_623 = vector.broadcast %jit3A_621 : i32 to vector<16xi32>
        %broadcast_in_dim3A_624 = vector.broadcast %jit3A_622 : i32 to vector<16xi32>
        %select_n3A_625 = arith.select %or3A_620, %broadcast_in_dim3A_623, %broadcast_in_dim3A_624 : vector<16xi1>, vector<16xi32>
        %add3A_626 = arith.addi %add3A_602, %select_n3A_625 : vector<16xi32>
        %mul3A_627 = arith.constant 4 : i32
        %mul3A_628 = arith.muli %scan3A_557, %mul3A_627 : i32
        %add3A_629 = arith.constant 3 : i32
        %add3A_630 = arith.addi %mul3A_628, %add3A_629 : i32
        %mul3A_631 = arith.constant 16 : i32
        %mul3A_632 = arith.muli %add3A_630, %mul3A_631 : i32
        %get3A_633 = arith.constant 4 : i32
        %get3A_634 = arith.index_cast %get3A_633 : i32 to index
        %get3A_635 = arith.index_cast %mul3A_632 : i32 to index
        %get3A_636 = tpu.vector_load %arg7[%get3A_634, %get3A_635] {strides = array<i32>} : memref<8x6272xf32, #tpu.memory_space<vmem>>, vector<16xf32>,
        %add3A_637 = arith.addi %multiple_of3A_496, %mul3A_632 : i32
        %add3A_638 = vector.broadcast %add3A_637 : i32 to vector<16xi32>
        %add3A_639 = arith.addi %add3A_638, %iota3A_529 : vector<16xi32>
        %gt3A_640 = arith.cmpf ogt, %get3A_636, %gather3A_147 : vector<16xf32>
        %eq3A_641 = arith.cmpf oeq, %get3A_636, %gather3A_147 : vector<16xf32>
        %lt3A_642 = arith.cmpi slt, %add3A_639, %gather3A_120 : vector<16xi32>
        %and3A_643 = arith.andi %eq3A_641, %lt3A_642 : vector<16xi1>
        %or3A_644 = arith.ori %gt3A_640, %and3A_643 : vector<16xi1>
        %jit3A_645 = arith.constant 1 : i32
        %jit3A_646 = arith.constant 0 : i32
        %broadcast_in_dim3A_647 = vector.broadcast %jit3A_645 : i32 to vector<16xi32>
        %broadcast_in_dim3A_648 = vector.broadcast %jit3A_646 : i32 to vector<16xi32>
        %select_n3A_649 = arith.select %or3A_644, %broadcast_in_dim3A_647, %broadcast_in_dim3A_648 : vector<16xi1>, vector<16xi32>
        %add3A_650 = arith.addi %add3A_626, %select_n3A_649 : vector<16xi32>
        scf.yield %add3A_650 : vector<16xi32>
      }
      %scan3A_535 = arith.constant 98 : i32
      %iota3A_536 = tpu.iota {dimensions = array<i32: 0>} : vector<16xi32>
      %scan3A_537 = arith.constant 0 : i32
      %scan3A_538 = arith.constant 98 : i32
      %scan3A_539 = arith.addi %scan3A_537, %scan3A_538 : i32
      %scan3A_540 = arith.constant 1 : i32
      %scan3A_541 = scf.for %scan3A_557 = %scan3A_537 to %scan3A_539 step %scan3A_540 iter_args(%scan3A_558 = %scan3A_491) -> (vector<16xi32>)  : i32 {
        %mul3A_559 = arith.constant 4 : i32
        %mul3A_560 = arith.muli %scan3A_557, %mul3A_559 : i32
        %add3A_561 = arith.constant 0 : i32
        %add3A_562 = arith.addi %mul3A_560, %add3A_561 : i32
        %mul3A_563 = arith.constant 16 : i32
        %mul3A_564 = arith.muli %add3A_562, %mul3A_563 : i32
        %get3A = arith.constant 5 : i32
        %get3A_565 = arith.index_cast %get3A : i32 to index
        %get3A_566 = arith.index_cast %mul3A_564 : i32 to index
        %get3A_567 = tpu.vector_load %arg7[%get3A_565, %get3A_566] {strides = array<i32>} : memref<8x6272xf32, #tpu.memory_space<vmem>>, vector<16xf32>,
        %add3A_568 = arith.addi %multiple_of3A_496, %mul3A_564 : i32
        %add3A_569 = vector.broadcast %add3A_568 : i32 to vector<16xi32>
        %add3A_570 = arith.addi %add3A_569, %iota3A_536 : vector<16xi32>
        %gt3A = arith.cmpf ogt, %get3A_567, %gather3A_177 : vector<16xf32>
        %eq3A_571 = arith.cmpf oeq, %get3A_567, %gather3A_177 : vector<16xf32>
        %lt3A_572 = arith.cmpi slt, %add3A_570, %gather3A_150 : vector<16xi32>
        %and3A = arith.andi %eq3A_571, %lt3A_572 : vector<16xi1>
        %or3A = arith.ori %gt3A, %and3A : vector<16xi1>
        %jit3A_573 = arith.constant 1 : i32
        %jit3A_574 = arith.constant 0 : i32
        %broadcast_in_dim3A_575 = vector.broadcast %jit3A_573 : i32 to vector<16xi32>
        %broadcast_in_dim3A_576 = vector.broadcast %jit3A_574 : i32 to vector<16xi32>
        %select_n3A_577 = arith.select %or3A, %broadcast_in_dim3A_575, %broadcast_in_dim3A_576 : vector<16xi1>, vector<16xi32>
        %add3A_578 = arith.addi %scan3A_558, %select_n3A_577 : vector<16xi32>
        %mul3A_579 = arith.constant 4 : i32
        %mul3A_580 = arith.muli %scan3A_557, %mul3A_579 : i32
        %add3A_581 = arith.constant 1 : i32
        %add3A_582 = arith.addi %mul3A_580, %add3A_581 : i32
        %mul3A_583 = arith.constant 16 : i32
        %mul3A_584 = arith.muli %add3A_582, %mul3A_583 : i32
        %get3A_585 = arith.constant 5 : i32
        %get3A_586 = arith.index_cast %get3A_585 : i32 to index
        %get3A_587 = arith.index_cast %mul3A_584 : i32 to index
        %get3A_588 = tpu.vector_load %arg7[%get3A_586, %get3A_587] {strides = array<i32>} : memref<8x6272xf32, #tpu.memory_space<vmem>>, vector<16xf32>,
        %add3A_589 = arith.addi %multiple_of3A_496, %mul3A_584 : i32
        %add3A_590 = vector.broadcast %add3A_589 : i32 to vector<16xi32>
        %add3A_591 = arith.addi %add3A_590, %iota3A_536 : vector<16xi32>
        %gt3A_592 = arith.cmpf ogt, %get3A_588, %gather3A_177 : vector<16xf32>
        %eq3A_593 = arith.cmpf oeq, %get3A_588, %gather3A_177 : vector<16xf32>
        %lt3A_594 = arith.cmpi slt, %add3A_591, %gather3A_150 : vector<16xi32>
        %and3A_595 = arith.andi %eq3A_593, %lt3A_594 : vector<16xi1>
        %or3A_596 = arith.ori %gt3A_592, %and3A_595 : vector<16xi1>
        %jit3A_597 = arith.constant 1 : i32
        %jit3A_598 = arith.constant 0 : i32
        %broadcast_in_dim3A_599 = vector.broadcast %jit3A_597 : i32 to vector<16xi32>
        %broadcast_in_dim3A_600 = vector.broadcast %jit3A_598 : i32 to vector<16xi32>
        %select_n3A_601 = arith.select %or3A_596, %broadcast_in_dim3A_599, %broadcast_in_dim3A_600 : vector<16xi1>, vector<16xi32>
        %add3A_602 = arith.addi %add3A_578, %select_n3A_601 : vector<16xi32>
        %mul3A_603 = arith.constant 4 : i32
        %mul3A_604 = arith.muli %scan3A_557, %mul3A_603 : i32
        %add3A_605 = arith.constant 2 : i32
        %add3A_606 = arith.addi %mul3A_604, %add3A_605 : i32
        %mul3A_607 = arith.constant 16 : i32
        %mul3A_608 = arith.muli %add3A_606, %mul3A_607 : i32
        %get3A_609 = arith.constant 5 : i32
        %get3A_610 = arith.index_cast %get3A_609 : i32 to index
        %get3A_611 = arith.index_cast %mul3A_608 : i32 to index
        %get3A_612 = tpu.vector_load %arg7[%get3A_610, %get3A_611] {strides = array<i32>} : memref<8x6272xf32, #tpu.memory_space<vmem>>, vector<16xf32>,
        %add3A_613 = arith.addi %multiple_of3A_496, %mul3A_608 : i32
        %add3A_614 = vector.broadcast %add3A_613 : i32 to vector<16xi32>
        %add3A_615 = arith.addi %add3A_614, %iota3A_536 : vector<16xi32>
        %gt3A_616 = arith.cmpf ogt, %get3A_612, %gather3A_177 : vector<16xf32>
        %eq3A_617 = arith.cmpf oeq, %get3A_612, %gather3A_177 : vector<16xf32>
        %lt3A_618 = arith.cmpi slt, %add3A_615, %gather3A_150 : vector<16xi32>
        %and3A_619 = arith.andi %eq3A_617, %lt3A_618 : vector<16xi1>
        %or3A_620 = arith.ori %gt3A_616, %and3A_619 : vector<16xi1>
        %jit3A_621 = arith.constant 1 : i32
        %jit3A_622 = arith.constant 0 : i32
        %broadcast_in_dim3A_623 = vector.broadcast %jit3A_621 : i32 to vector<16xi32>
        %broadcast_in_dim3A_624 = vector.broadcast %jit3A_622 : i32 to vector<16xi32>
        %select_n3A_625 = arith.select %or3A_620, %broadcast_in_dim3A_623, %broadcast_in_dim3A_624 : vector<16xi1>, vector<16xi32>
        %add3A_626 = arith.addi %add3A_602, %select_n3A_625 : vector<16xi32>
        %mul3A_627 = arith.constant 4 : i32
        %mul3A_628 = arith.muli %scan3A_557, %mul3A_627 : i32
        %add3A_629 = arith.constant 3 : i32
        %add3A_630 = arith.addi %mul3A_628, %add3A_629 : i32
        %mul3A_631 = arith.constant 16 : i32
        %mul3A_632 = arith.muli %add3A_630, %mul3A_631 : i32
        %get3A_633 = arith.constant 5 : i32
        %get3A_634 = arith.index_cast %get3A_633 : i32 to index
        %get3A_635 = arith.index_cast %mul3A_632 : i32 to index
        %get3A_636 = tpu.vector_load %arg7[%get3A_634, %get3A_635] {strides = array<i32>} : memref<8x6272xf32, #tpu.memory_space<vmem>>, vector<16xf32>,
        %add3A_637 = arith.addi %multiple_of3A_496, %mul3A_632 : i32
        %add3A_638 = vector.broadcast %add3A_637 : i32 to vector<16xi32>
        %add3A_639 = arith.addi %add3A_638, %iota3A_536 : vector<16xi32>
        %gt3A_640 = arith.cmpf ogt, %get3A_636, %gather3A_177 : vector<16xf32>
        %eq3A_641 = arith.cmpf oeq, %get3A_636, %gather3A_177 : vector<16xf32>
        %lt3A_642 = arith.cmpi slt, %add3A_639, %gather3A_150 : vector<16xi32>
        %and3A_643 = arith.andi %eq3A_641, %lt3A_642 : vector<16xi1>
        %or3A_644 = arith.ori %gt3A_640, %and3A_643 : vector<16xi1>
        %jit3A_645 = arith.constant 1 : i32
        %jit3A_646 = arith.constant 0 : i32
        %broadcast_in_dim3A_647 = vector.broadcast %jit3A_645 : i32 to vector<16xi32>
        %broadcast_in_dim3A_648 = vector.broadcast %jit3A_646 : i32 to vector<16xi32>
        %select_n3A_649 = arith.select %or3A_644, %broadcast_in_dim3A_647, %broadcast_in_dim3A_648 : vector<16xi1>, vector<16xi32>
        %add3A_650 = arith.addi %add3A_626, %select_n3A_649 : vector<16xi32>
        scf.yield %add3A_650 : vector<16xi32>
      }
      %scan3A_542 = arith.constant 98 : i32
      %iota3A_543 = tpu.iota {dimensions = array<i32: 0>} : vector<16xi32>
      %scan3A_544 = arith.constant 0 : i32
      %scan3A_545 = arith.constant 98 : i32
      %scan3A_546 = arith.addi %scan3A_544, %scan3A_545 : i32
      %scan3A_547 = arith.constant 1 : i32
      %scan3A_548 = scf.for %scan3A_557 = %scan3A_544 to %scan3A_546 step %scan3A_547 iter_args(%scan3A_558 = %scan3A_492) -> (vector<16xi32>)  : i32 {
        %mul3A_559 = arith.constant 4 : i32
        %mul3A_560 = arith.muli %scan3A_557, %mul3A_559 : i32
        %add3A_561 = arith.constant 0 : i32
        %add3A_562 = arith.addi %mul3A_560, %add3A_561 : i32
        %mul3A_563 = arith.constant 16 : i32
        %mul3A_564 = arith.muli %add3A_562, %mul3A_563 : i32
        %get3A = arith.constant 6 : i32
        %get3A_565 = arith.index_cast %get3A : i32 to index
        %get3A_566 = arith.index_cast %mul3A_564 : i32 to index
        %get3A_567 = tpu.vector_load %arg7[%get3A_565, %get3A_566] {strides = array<i32>} : memref<8x6272xf32, #tpu.memory_space<vmem>>, vector<16xf32>,
        %add3A_568 = arith.addi %multiple_of3A_496, %mul3A_564 : i32
        %add3A_569 = vector.broadcast %add3A_568 : i32 to vector<16xi32>
        %add3A_570 = arith.addi %add3A_569, %iota3A_543 : vector<16xi32>
        %gt3A = arith.cmpf ogt, %get3A_567, %gather3A_207 : vector<16xf32>
        %eq3A_571 = arith.cmpf oeq, %get3A_567, %gather3A_207 : vector<16xf32>
        %lt3A_572 = arith.cmpi slt, %add3A_570, %gather3A_180 : vector<16xi32>
        %and3A = arith.andi %eq3A_571, %lt3A_572 : vector<16xi1>
        %or3A = arith.ori %gt3A, %and3A : vector<16xi1>
        %jit3A_573 = arith.constant 1 : i32
        %jit3A_574 = arith.constant 0 : i32
        %broadcast_in_dim3A_575 = vector.broadcast %jit3A_573 : i32 to vector<16xi32>
        %broadcast_in_dim3A_576 = vector.broadcast %jit3A_574 : i32 to vector<16xi32>
        %select_n3A_577 = arith.select %or3A, %broadcast_in_dim3A_575, %broadcast_in_dim3A_576 : vector<16xi1>, vector<16xi32>
        %add3A_578 = arith.addi %scan3A_558, %select_n3A_577 : vector<16xi32>
        %mul3A_579 = arith.constant 4 : i32
        %mul3A_580 = arith.muli %scan3A_557, %mul3A_579 : i32
        %add3A_581 = arith.constant 1 : i32
        %add3A_582 = arith.addi %mul3A_580, %add3A_581 : i32
        %mul3A_583 = arith.constant 16 : i32
        %mul3A_584 = arith.muli %add3A_582, %mul3A_583 : i32
        %get3A_585 = arith.constant 6 : i32
        %get3A_586 = arith.index_cast %get3A_585 : i32 to index
        %get3A_587 = arith.index_cast %mul3A_584 : i32 to index
        %get3A_588 = tpu.vector_load %arg7[%get3A_586, %get3A_587] {strides = array<i32>} : memref<8x6272xf32, #tpu.memory_space<vmem>>, vector<16xf32>,
        %add3A_589 = arith.addi %multiple_of3A_496, %mul3A_584 : i32
        %add3A_590 = vector.broadcast %add3A_589 : i32 to vector<16xi32>
        %add3A_591 = arith.addi %add3A_590, %iota3A_543 : vector<16xi32>
        %gt3A_592 = arith.cmpf ogt, %get3A_588, %gather3A_207 : vector<16xf32>
        %eq3A_593 = arith.cmpf oeq, %get3A_588, %gather3A_207 : vector<16xf32>
        %lt3A_594 = arith.cmpi slt, %add3A_591, %gather3A_180 : vector<16xi32>
        %and3A_595 = arith.andi %eq3A_593, %lt3A_594 : vector<16xi1>
        %or3A_596 = arith.ori %gt3A_592, %and3A_595 : vector<16xi1>
        %jit3A_597 = arith.constant 1 : i32
        %jit3A_598 = arith.constant 0 : i32
        %broadcast_in_dim3A_599 = vector.broadcast %jit3A_597 : i32 to vector<16xi32>
        %broadcast_in_dim3A_600 = vector.broadcast %jit3A_598 : i32 to vector<16xi32>
        %select_n3A_601 = arith.select %or3A_596, %broadcast_in_dim3A_599, %broadcast_in_dim3A_600 : vector<16xi1>, vector<16xi32>
        %add3A_602 = arith.addi %add3A_578, %select_n3A_601 : vector<16xi32>
        %mul3A_603 = arith.constant 4 : i32
        %mul3A_604 = arith.muli %scan3A_557, %mul3A_603 : i32
        %add3A_605 = arith.constant 2 : i32
        %add3A_606 = arith.addi %mul3A_604, %add3A_605 : i32
        %mul3A_607 = arith.constant 16 : i32
        %mul3A_608 = arith.muli %add3A_606, %mul3A_607 : i32
        %get3A_609 = arith.constant 6 : i32
        %get3A_610 = arith.index_cast %get3A_609 : i32 to index
        %get3A_611 = arith.index_cast %mul3A_608 : i32 to index
        %get3A_612 = tpu.vector_load %arg7[%get3A_610, %get3A_611] {strides = array<i32>} : memref<8x6272xf32, #tpu.memory_space<vmem>>, vector<16xf32>,
        %add3A_613 = arith.addi %multiple_of3A_496, %mul3A_608 : i32
        %add3A_614 = vector.broadcast %add3A_613 : i32 to vector<16xi32>
        %add3A_615 = arith.addi %add3A_614, %iota3A_543 : vector<16xi32>
        %gt3A_616 = arith.cmpf ogt, %get3A_612, %gather3A_207 : vector<16xf32>
        %eq3A_617 = arith.cmpf oeq, %get3A_612, %gather3A_207 : vector<16xf32>
        %lt3A_618 = arith.cmpi slt, %add3A_615, %gather3A_180 : vector<16xi32>
        %and3A_619 = arith.andi %eq3A_617, %lt3A_618 : vector<16xi1>
        %or3A_620 = arith.ori %gt3A_616, %and3A_619 : vector<16xi1>
        %jit3A_621 = arith.constant 1 : i32
        %jit3A_622 = arith.constant 0 : i32
        %broadcast_in_dim3A_623 = vector.broadcast %jit3A_621 : i32 to vector<16xi32>
        %broadcast_in_dim3A_624 = vector.broadcast %jit3A_622 : i32 to vector<16xi32>
        %select_n3A_625 = arith.select %or3A_620, %broadcast_in_dim3A_623, %broadcast_in_dim3A_624 : vector<16xi1>, vector<16xi32>
        %add3A_626 = arith.addi %add3A_602, %select_n3A_625 : vector<16xi32>
        %mul3A_627 = arith.constant 4 : i32
        %mul3A_628 = arith.muli %scan3A_557, %mul3A_627 : i32
        %add3A_629 = arith.constant 3 : i32
        %add3A_630 = arith.addi %mul3A_628, %add3A_629 : i32
        %mul3A_631 = arith.constant 16 : i32
        %mul3A_632 = arith.muli %add3A_630, %mul3A_631 : i32
        %get3A_633 = arith.constant 6 : i32
        %get3A_634 = arith.index_cast %get3A_633 : i32 to index
        %get3A_635 = arith.index_cast %mul3A_632 : i32 to index
        %get3A_636 = tpu.vector_load %arg7[%get3A_634, %get3A_635] {strides = array<i32>} : memref<8x6272xf32, #tpu.memory_space<vmem>>, vector<16xf32>,
        %add3A_637 = arith.addi %multiple_of3A_496, %mul3A_632 : i32
        %add3A_638 = vector.broadcast %add3A_637 : i32 to vector<16xi32>
        %add3A_639 = arith.addi %add3A_638, %iota3A_543 : vector<16xi32>
        %gt3A_640 = arith.cmpf ogt, %get3A_636, %gather3A_207 : vector<16xf32>
        %eq3A_641 = arith.cmpf oeq, %get3A_636, %gather3A_207 : vector<16xf32>
        %lt3A_642 = arith.cmpi slt, %add3A_639, %gather3A_180 : vector<16xi32>
        %and3A_643 = arith.andi %eq3A_641, %lt3A_642 : vector<16xi1>
        %or3A_644 = arith.ori %gt3A_640, %and3A_643 : vector<16xi1>
        %jit3A_645 = arith.constant 1 : i32
        %jit3A_646 = arith.constant 0 : i32
        %broadcast_in_dim3A_647 = vector.broadcast %jit3A_645 : i32 to vector<16xi32>
        %broadcast_in_dim3A_648 = vector.broadcast %jit3A_646 : i32 to vector<16xi32>
        %select_n3A_649 = arith.select %or3A_644, %broadcast_in_dim3A_647, %broadcast_in_dim3A_648 : vector<16xi1>, vector<16xi32>
        %add3A_650 = arith.addi %add3A_626, %select_n3A_649 : vector<16xi32>
        scf.yield %add3A_650 : vector<16xi32>
      }
      %scan3A_549 = arith.constant 98 : i32
      %iota3A_550 = tpu.iota {dimensions = array<i32: 0>} : vector<16xi32>
      %scan3A_551 = arith.constant 0 : i32
      %scan3A_552 = arith.constant 98 : i32
      %scan3A_553 = arith.addi %scan3A_551, %scan3A_552 : i32
      %scan3A_554 = arith.constant 1 : i32
      %scan3A_555 = scf.for %scan3A_557 = %scan3A_551 to %scan3A_553 step %scan3A_554 iter_args(%scan3A_558 = %scan3A_493) -> (vector<16xi32>)  : i32 {
        %mul3A_559 = arith.constant 4 : i32
        %mul3A_560 = arith.muli %scan3A_557, %mul3A_559 : i32
        %add3A_561 = arith.constant 0 : i32
        %add3A_562 = arith.addi %mul3A_560, %add3A_561 : i32
        %mul3A_563 = arith.constant 16 : i32
        %mul3A_564 = arith.muli %add3A_562, %mul3A_563 : i32
        %get3A = arith.constant 7 : i32
        %get3A_565 = arith.index_cast %get3A : i32 to index
        %get3A_566 = arith.index_cast %mul3A_564 : i32 to index
        %get3A_567 = tpu.vector_load %arg7[%get3A_565, %get3A_566] {strides = array<i32>} : memref<8x6272xf32, #tpu.memory_space<vmem>>, vector<16xf32>,
        %add3A_568 = arith.addi %multiple_of3A_496, %mul3A_564 : i32
        %add3A_569 = vector.broadcast %add3A_568 : i32 to vector<16xi32>
        %add3A_570 = arith.addi %add3A_569, %iota3A_550 : vector<16xi32>
        %gt3A = arith.cmpf ogt, %get3A_567, %gather3A_237 : vector<16xf32>
        %eq3A_571 = arith.cmpf oeq, %get3A_567, %gather3A_237 : vector<16xf32>
        %lt3A_572 = arith.cmpi slt, %add3A_570, %gather3A_210 : vector<16xi32>
        %and3A = arith.andi %eq3A_571, %lt3A_572 : vector<16xi1>
        %or3A = arith.ori %gt3A, %and3A : vector<16xi1>
        %jit3A_573 = arith.constant 1 : i32
        %jit3A_574 = arith.constant 0 : i32
        %broadcast_in_dim3A_575 = vector.broadcast %jit3A_573 : i32 to vector<16xi32>
        %broadcast_in_dim3A_576 = vector.broadcast %jit3A_574 : i32 to vector<16xi32>
        %select_n3A_577 = arith.select %or3A, %broadcast_in_dim3A_575, %broadcast_in_dim3A_576 : vector<16xi1>, vector<16xi32>
        %add3A_578 = arith.addi %scan3A_558, %select_n3A_577 : vector<16xi32>
        %mul3A_579 = arith.constant 4 : i32
        %mul3A_580 = arith.muli %scan3A_557, %mul3A_579 : i32
        %add3A_581 = arith.constant 1 : i32
        %add3A_582 = arith.addi %mul3A_580, %add3A_581 : i32
        %mul3A_583 = arith.constant 16 : i32
        %mul3A_584 = arith.muli %add3A_582, %mul3A_583 : i32
        %get3A_585 = arith.constant 7 : i32
        %get3A_586 = arith.index_cast %get3A_585 : i32 to index
        %get3A_587 = arith.index_cast %mul3A_584 : i32 to index
        %get3A_588 = tpu.vector_load %arg7[%get3A_586, %get3A_587] {strides = array<i32>} : memref<8x6272xf32, #tpu.memory_space<vmem>>, vector<16xf32>,
        %add3A_589 = arith.addi %multiple_of3A_496, %mul3A_584 : i32
        %add3A_590 = vector.broadcast %add3A_589 : i32 to vector<16xi32>
        %add3A_591 = arith.addi %add3A_590, %iota3A_550 : vector<16xi32>
        %gt3A_592 = arith.cmpf ogt, %get3A_588, %gather3A_237 : vector<16xf32>
        %eq3A_593 = arith.cmpf oeq, %get3A_588, %gather3A_237 : vector<16xf32>
        %lt3A_594 = arith.cmpi slt, %add3A_591, %gather3A_210 : vector<16xi32>
        %and3A_595 = arith.andi %eq3A_593, %lt3A_594 : vector<16xi1>
        %or3A_596 = arith.ori %gt3A_592, %and3A_595 : vector<16xi1>
        %jit3A_597 = arith.constant 1 : i32
        %jit3A_598 = arith.constant 0 : i32
        %broadcast_in_dim3A_599 = vector.broadcast %jit3A_597 : i32 to vector<16xi32>
        %broadcast_in_dim3A_600 = vector.broadcast %jit3A_598 : i32 to vector<16xi32>
        %select_n3A_601 = arith.select %or3A_596, %broadcast_in_dim3A_599, %broadcast_in_dim3A_600 : vector<16xi1>, vector<16xi32>
        %add3A_602 = arith.addi %add3A_578, %select_n3A_601 : vector<16xi32>
        %mul3A_603 = arith.constant 4 : i32
        %mul3A_604 = arith.muli %scan3A_557, %mul3A_603 : i32
        %add3A_605 = arith.constant 2 : i32
        %add3A_606 = arith.addi %mul3A_604, %add3A_605 : i32
        %mul3A_607 = arith.constant 16 : i32
        %mul3A_608 = arith.muli %add3A_606, %mul3A_607 : i32
        %get3A_609 = arith.constant 7 : i32
        %get3A_610 = arith.index_cast %get3A_609 : i32 to index
        %get3A_611 = arith.index_cast %mul3A_608 : i32 to index
        %get3A_612 = tpu.vector_load %arg7[%get3A_610, %get3A_611] {strides = array<i32>} : memref<8x6272xf32, #tpu.memory_space<vmem>>, vector<16xf32>,
        %add3A_613 = arith.addi %multiple_of3A_496, %mul3A_608 : i32
        %add3A_614 = vector.broadcast %add3A_613 : i32 to vector<16xi32>
        %add3A_615 = arith.addi %add3A_614, %iota3A_550 : vector<16xi32>
        %gt3A_616 = arith.cmpf ogt, %get3A_612, %gather3A_237 : vector<16xf32>
        %eq3A_617 = arith.cmpf oeq, %get3A_612, %gather3A_237 : vector<16xf32>
        %lt3A_618 = arith.cmpi slt, %add3A_615, %gather3A_210 : vector<16xi32>
        %and3A_619 = arith.andi %eq3A_617, %lt3A_618 : vector<16xi1>
        %or3A_620 = arith.ori %gt3A_616, %and3A_619 : vector<16xi1>
        %jit3A_621 = arith.constant 1 : i32
        %jit3A_622 = arith.constant 0 : i32
        %broadcast_in_dim3A_623 = vector.broadcast %jit3A_621 : i32 to vector<16xi32>
        %broadcast_in_dim3A_624 = vector.broadcast %jit3A_622 : i32 to vector<16xi32>
        %select_n3A_625 = arith.select %or3A_620, %broadcast_in_dim3A_623, %broadcast_in_dim3A_624 : vector<16xi1>, vector<16xi32>
        %add3A_626 = arith.addi %add3A_602, %select_n3A_625 : vector<16xi32>
        %mul3A_627 = arith.constant 4 : i32
        %mul3A_628 = arith.muli %scan3A_557, %mul3A_627 : i32
        %add3A_629 = arith.constant 3 : i32
        %add3A_630 = arith.addi %mul3A_628, %add3A_629 : i32
        %mul3A_631 = arith.constant 16 : i32
        %mul3A_632 = arith.muli %add3A_630, %mul3A_631 : i32
        %get3A_633 = arith.constant 7 : i32
        %get3A_634 = arith.index_cast %get3A_633 : i32 to index
        %get3A_635 = arith.index_cast %mul3A_632 : i32 to index
        %get3A_636 = tpu.vector_load %arg7[%get3A_634, %get3A_635] {strides = array<i32>} : memref<8x6272xf32, #tpu.memory_space<vmem>>, vector<16xf32>,
        %add3A_637 = arith.addi %multiple_of3A_496, %mul3A_632 : i32
        %add3A_638 = vector.broadcast %add3A_637 : i32 to vector<16xi32>
        %add3A_639 = arith.addi %add3A_638, %iota3A_550 : vector<16xi32>
        %gt3A_640 = arith.cmpf ogt, %get3A_636, %gather3A_237 : vector<16xf32>
        %eq3A_641 = arith.cmpf oeq, %get3A_636, %gather3A_237 : vector<16xf32>
        %lt3A_642 = arith.cmpi slt, %add3A_639, %gather3A_210 : vector<16xi32>
        %and3A_643 = arith.andi %eq3A_641, %lt3A_642 : vector<16xi1>
        %or3A_644 = arith.ori %gt3A_640, %and3A_643 : vector<16xi1>
        %jit3A_645 = arith.constant 1 : i32
        %jit3A_646 = arith.constant 0 : i32
        %broadcast_in_dim3A_647 = vector.broadcast %jit3A_645 : i32 to vector<16xi32>
        %broadcast_in_dim3A_648 = vector.broadcast %jit3A_646 : i32 to vector<16xi32>
        %select_n3A_649 = arith.select %or3A_644, %broadcast_in_dim3A_647, %broadcast_in_dim3A_648 : vector<16xi1>, vector<16xi32>
        %add3A_650 = arith.addi %add3A_626, %select_n3A_649 : vector<16xi32>
        scf.yield %add3A_650 : vector<16xi32>
      }
      %scan3A_556 = arith.constant 98 : i32
      scf.yield %scan3A_506, %scan3A_513, %scan3A_520, %scan3A_527, %scan3A_534, %scan3A_541, %scan3A_548, %scan3A_555 : vector<16xi32>, vector<16xi32>, vector<16xi32>, vector<16xi32>, vector<16xi32>, vector<16xi32>, vector<16xi32>, vector<16xi32>
    }
    %scan3A_258 = arith.constant 15 : i32
    %max3A = arith.constant 94080 : i32
    %max3A_259 = arith.maxsi %max3A, %add3A : i32
    %multiple_of3A_260 = tpu.assume_multiple %max3A_259, 128 : i32
    %dma_start3A_261 = arith.constant 0 : i32
    %dma_start3A_262 = arith.constant 0 : i32
    %dma_start3A_263 = tpu.memref_slice %arg7[%dma_start3A_261, %dma_start3A_262] : memref<8x6272xf32, #tpu.memory_space<vmem>> -> memref<8x6016xf32, #tpu.memory_space<vmem>>
    %dma_start3A_264 = tpu.memref_slice %arg2[%add3A_6, %multiple_of3A_260] : memref<1024x100000xf32, #tpu.memory_space<hbm>> -> memref<8x6016xf32, #tpu.memory_space<hbm>>
    %dma_start3A_265 = arith.constant 0 : i32
    %dma_start3A_266 = arith.constant 0 : i32
    %dma_start3A_267 = tpu.memref_slice %arg7[%dma_start3A_265, %dma_start3A_266] : memref<8x6272xf32, #tpu.memory_space<vmem>> -> memref<8x6016xf32, #tpu.memory_space<vmem>>
    %dma_start3A_268 = tpu.memref_slice %arg2[%add3A_6, %multiple_of3A_260] : memref<1024x100000xf32, #tpu.memory_space<hbm>> -> memref<8x6016xf32, #tpu.memory_space<hbm>>
    tpu.enqueue_dma source(%dma_start3A_268 : memref<8x6016xf32, #tpu.memory_space<hbm>>) target(%dma_start3A_267 : memref<8x6016xf32, #tpu.memory_space<vmem>>) target_semaphore(%arg9 : memref<!tpu.dma_semaphore, #tpu.memory_space<semaphore_mem>>)
    %dma_wait3A_269 = arith.constant 0 : i32
    %dma_wait3A_270 = arith.constant 0 : i32
    %dma_wait3A_271 = tpu.memref_slice %arg7[%dma_wait3A_269, %dma_wait3A_270] : memref<8x6272xf32, #tpu.memory_space<vmem>> -> memref<8x6016xf32, #tpu.memory_space<vmem>>
    %dma_wait3A_272 = tpu.memref_slice %arg2[%add3A_6, %multiple_of3A_260] : memref<1024x100000xf32, #tpu.memory_space<hbm>> -> memref<8x6016xf32, #tpu.memory_space<hbm>>
    %dma_wait3A_273 = arith.constant 0 : i32
    %dma_wait3A_274 = arith.constant 0 : i32
    %dma_wait3A_275 = tpu.memref_slice %arg7[%dma_wait3A_273, %dma_wait3A_274] : memref<8x6272xf32, #tpu.memory_space<vmem>> -> memref<8x6016xf32, #tpu.memory_space<vmem>>
    %dma_wait3A_276 = tpu.memref_slice %arg2[%add3A_6, %multiple_of3A_260] : memref<1024x100000xf32, #tpu.memory_space<hbm>> -> memref<8x6016xf32, #tpu.memory_space<hbm>>
    tpu.wait_dma2 semaphore(%arg9 : memref<!tpu.dma_semaphore, #tpu.memory_space<semaphore_mem>>) src(%dma_wait3A_276 : memref<8x6016xf32, #tpu.memory_space<hbm>>) dst(%dma_wait3A_275 : memref<8x6016xf32, #tpu.memory_space<vmem>>)
    %iota3A_277 = tpu.iota {dimensions = array<i32: 0>} : vector<16xi32>
    %scan3A_278 = arith.constant 100000 : i32
    %scan3A_279 = arith.constant 0 : i32
    %scan3A_280 = arith.constant 94 : i32
    %scan3A_281 = arith.addi %scan3A_279, %scan3A_280 : i32
    %scan3A_282 = arith.constant 1 : i32
    %scan3A_283 = scf.for %scan3A_485 = %scan3A_279 to %scan3A_281 step %scan3A_282 iter_args(%scan3A_486 = %scan3A_257#0) -> (vector<16xi32>)  : i32 {
      %mul3A_487 = arith.constant 4 : i32
      %mul3A_488 = arith.muli %scan3A_485, %mul3A_487 : i32
      %add3A_489 = arith.constant 0 : i32
      %add3A_490 = arith.addi %mul3A_488, %add3A_489 : i32
      %mul3A_491 = arith.constant 16 : i32
      %mul3A_492 = arith.muli %add3A_490, %mul3A_491 : i32
      %get3A = arith.constant 0 : i32
      %get3A_493 = arith.index_cast %get3A : i32 to index
      %get3A_494 = arith.index_cast %mul3A_492 : i32 to index
      %get3A_495 = tpu.vector_load %arg7[%get3A_493, %get3A_494] {strides = array<i32>} : memref<8x6272xf32, #tpu.memory_space<vmem>>, vector<16xf32>,
      %add3A_496 = arith.addi %multiple_of3A_260, %mul3A_492 : i32
      %add3A_497 = vector.broadcast %add3A_496 : i32 to vector<16xi32>
      %add3A_498 = arith.addi %add3A_497, %iota3A_277 : vector<16xi32>
      %gt3A = arith.cmpf ogt, %get3A_495, %gather3A_27 : vector<16xf32>
      %lt3A_499 = vector.broadcast %scan3A_278 : i32 to vector<16xi32>
      %lt3A_500 = arith.cmpi slt, %add3A_498, %lt3A_499 : vector<16xi32>
      %and3A = arith.andi %gt3A, %lt3A_500 : vector<16xi1>
      %eq3A_501 = arith.cmpf oeq, %get3A_495, %gather3A_27 : vector<16xf32>
      %lt3A_502 = arith.cmpi slt, %add3A_498, %gather3A : vector<16xi32>
      %and3A_503 = arith.andi %eq3A_501, %lt3A_502 : vector<16xi1>
      %or3A = arith.ori %and3A, %and3A_503 : vector<16xi1>
      %jit3A_504 = arith.constant 1 : i32
      %jit3A_505 = arith.constant 0 : i32
      %broadcast_in_dim3A_506 = vector.broadcast %jit3A_504 : i32 to vector<16xi32>
      %broadcast_in_dim3A_507 = vector.broadcast %jit3A_505 : i32 to vector<16xi32>
      %select_n3A_508 = arith.select %or3A, %broadcast_in_dim3A_506, %broadcast_in_dim3A_507 : vector<16xi1>, vector<16xi32>
      %add3A_509 = arith.addi %scan3A_486, %select_n3A_508 : vector<16xi32>
      %mul3A_510 = arith.constant 4 : i32
      %mul3A_511 = arith.muli %scan3A_485, %mul3A_510 : i32
      %add3A_512 = arith.constant 1 : i32
      %add3A_513 = arith.addi %mul3A_511, %add3A_512 : i32
      %mul3A_514 = arith.constant 16 : i32
      %mul3A_515 = arith.muli %add3A_513, %mul3A_514 : i32
      %get3A_516 = arith.constant 0 : i32
      %get3A_517 = arith.index_cast %get3A_516 : i32 to index
      %get3A_518 = arith.index_cast %mul3A_515 : i32 to index
      %get3A_519 = tpu.vector_load %arg7[%get3A_517, %get3A_518] {strides = array<i32>} : memref<8x6272xf32, #tpu.memory_space<vmem>>, vector<16xf32>,
      %add3A_520 = arith.addi %multiple_of3A_260, %mul3A_515 : i32
      %add3A_521 = vector.broadcast %add3A_520 : i32 to vector<16xi32>
      %add3A_522 = arith.addi %add3A_521, %iota3A_277 : vector<16xi32>
      %gt3A_523 = arith.cmpf ogt, %get3A_519, %gather3A_27 : vector<16xf32>
      %lt3A_524 = vector.broadcast %scan3A_278 : i32 to vector<16xi32>
      %lt3A_525 = arith.cmpi slt, %add3A_522, %lt3A_524 : vector<16xi32>
      %and3A_526 = arith.andi %gt3A_523, %lt3A_525 : vector<16xi1>
      %eq3A_527 = arith.cmpf oeq, %get3A_519, %gather3A_27 : vector<16xf32>
      %lt3A_528 = arith.cmpi slt, %add3A_522, %gather3A : vector<16xi32>
      %and3A_529 = arith.andi %eq3A_527, %lt3A_528 : vector<16xi1>
      %or3A_530 = arith.ori %and3A_526, %and3A_529 : vector<16xi1>
      %jit3A_531 = arith.constant 1 : i32
      %jit3A_532 = arith.constant 0 : i32
      %broadcast_in_dim3A_533 = vector.broadcast %jit3A_531 : i32 to vector<16xi32>
      %broadcast_in_dim3A_534 = vector.broadcast %jit3A_532 : i32 to vector<16xi32>
      %select_n3A_535 = arith.select %or3A_530, %broadcast_in_dim3A_533, %broadcast_in_dim3A_534 : vector<16xi1>, vector<16xi32>
      %add3A_536 = arith.addi %add3A_509, %select_n3A_535 : vector<16xi32>
      %mul3A_537 = arith.constant 4 : i32
      %mul3A_538 = arith.muli %scan3A_485, %mul3A_537 : i32
      %add3A_539 = arith.constant 2 : i32
      %add3A_540 = arith.addi %mul3A_538, %add3A_539 : i32
      %mul3A_541 = arith.constant 16 : i32
      %mul3A_542 = arith.muli %add3A_540, %mul3A_541 : i32
      %get3A_543 = arith.constant 0 : i32
      %get3A_544 = arith.index_cast %get3A_543 : i32 to index
      %get3A_545 = arith.index_cast %mul3A_542 : i32 to index
      %get3A_546 = tpu.vector_load %arg7[%get3A_544, %get3A_545] {strides = array<i32>} : memref<8x6272xf32, #tpu.memory_space<vmem>>, vector<16xf32>,
      %add3A_547 = arith.addi %multiple_of3A_260, %mul3A_542 : i32
      %add3A_548 = vector.broadcast %add3A_547 : i32 to vector<16xi32>
      %add3A_549 = arith.addi %add3A_548, %iota3A_277 : vector<16xi32>
      %gt3A_550 = arith.cmpf ogt, %get3A_546, %gather3A_27 : vector<16xf32>
      %lt3A_551 = vector.broadcast %scan3A_278 : i32 to vector<16xi32>
      %lt3A_552 = arith.cmpi slt, %add3A_549, %lt3A_551 : vector<16xi32>
      %and3A_553 = arith.andi %gt3A_550, %lt3A_552 : vector<16xi1>
      %eq3A_554 = arith.cmpf oeq, %get3A_546, %gather3A_27 : vector<16xf32>
      %lt3A_555 = arith.cmpi slt, %add3A_549, %gather3A : vector<16xi32>
      %and3A_556 = arith.andi %eq3A_554, %lt3A_555 : vector<16xi1>
      %or3A_557 = arith.ori %and3A_553, %and3A_556 : vector<16xi1>
      %jit3A_558 = arith.constant 1 : i32
      %jit3A_559 = arith.constant 0 : i32
      %broadcast_in_dim3A_560 = vector.broadcast %jit3A_558 : i32 to vector<16xi32>
      %broadcast_in_dim3A_561 = vector.broadcast %jit3A_559 : i32 to vector<16xi32>
      %select_n3A_562 = arith.select %or3A_557, %broadcast_in_dim3A_560, %broadcast_in_dim3A_561 : vector<16xi1>, vector<16xi32>
      %add3A_563 = arith.addi %add3A_536, %select_n3A_562 : vector<16xi32>
      %mul3A_564 = arith.constant 4 : i32
      %mul3A_565 = arith.muli %scan3A_485, %mul3A_564 : i32
      %add3A_566 = arith.constant 3 : i32
      %add3A_567 = arith.addi %mul3A_565, %add3A_566 : i32
      %mul3A_568 = arith.constant 16 : i32
      %mul3A_569 = arith.muli %add3A_567, %mul3A_568 : i32
      %get3A_570 = arith.constant 0 : i32
      %get3A_571 = arith.index_cast %get3A_570 : i32 to index
      %get3A_572 = arith.index_cast %mul3A_569 : i32 to index
      %get3A_573 = tpu.vector_load %arg7[%get3A_571, %get3A_572] {strides = array<i32>} : memref<8x6272xf32, #tpu.memory_space<vmem>>, vector<16xf32>,
      %add3A_574 = arith.addi %multiple_of3A_260, %mul3A_569 : i32
      %add3A_575 = vector.broadcast %add3A_574 : i32 to vector<16xi32>
      %add3A_576 = arith.addi %add3A_575, %iota3A_277 : vector<16xi32>
      %gt3A_577 = arith.cmpf ogt, %get3A_573, %gather3A_27 : vector<16xf32>
      %lt3A_578 = vector.broadcast %scan3A_278 : i32 to vector<16xi32>
      %lt3A_579 = arith.cmpi slt, %add3A_576, %lt3A_578 : vector<16xi32>
      %and3A_580 = arith.andi %gt3A_577, %lt3A_579 : vector<16xi1>
      %eq3A_581 = arith.cmpf oeq, %get3A_573, %gather3A_27 : vector<16xf32>
      %lt3A_582 = arith.cmpi slt, %add3A_576, %gather3A : vector<16xi32>
      %and3A_583 = arith.andi %eq3A_581, %lt3A_582 : vector<16xi1>
      %or3A_584 = arith.ori %and3A_580, %and3A_583 : vector<16xi1>
      %jit3A_585 = arith.constant 1 : i32
      %jit3A_586 = arith.constant 0 : i32
      %broadcast_in_dim3A_587 = vector.broadcast %jit3A_585 : i32 to vector<16xi32>
      %broadcast_in_dim3A_588 = vector.broadcast %jit3A_586 : i32 to vector<16xi32>
      %select_n3A_589 = arith.select %or3A_584, %broadcast_in_dim3A_587, %broadcast_in_dim3A_588 : vector<16xi1>, vector<16xi32>
      %add3A_590 = arith.addi %add3A_563, %select_n3A_589 : vector<16xi32>
      scf.yield %add3A_590 : vector<16xi32>
    }
    %scan3A_284 = arith.constant 94 : i32
    %reduce_sum3A = arith.constant true
    %reduce_sum3A_285 = vector.broadcast %reduce_sum3A : i1 to vector<16xi1>
    %reduce_sum3A_286 = tpu.scan <sum>, %scan3A_283 masked %reduce_sum3A_285 : vector<16xi32>, vector<16xi1> -> vector<16xi32>
    %reduce_sum3A_287 = vector.extract %reduce_sum3A_286[15] : i32 from vector<16xi32>
    %lt3A = arith.constant 1 : i32
    %lt3A_288 = arith.cmpi slt, %reduce_sum3A_287, %lt3A : i32
    %jit3A = arith.constant 1 : i32
    %jit3A_289 = arith.constant 0 : i32
    %select_n3A = arith.select %lt3A_288, %jit3A, %jit3A_289 : i32
    %add3A_290 = arith.constant 0 : i32
    %add3A_291 = arith.addi %add3A_290, %select_n3A : i32
    %lt3A_292 = arith.constant 5 : i32
    %lt3A_293 = arith.cmpi slt, %reduce_sum3A_287, %lt3A_292 : i32
    %jit3A_294 = arith.constant 1 : i32
    %jit3A_295 = arith.constant 0 : i32
    %select_n3A_296 = arith.select %lt3A_293, %jit3A_294, %jit3A_295 : i32
    %add3A_297 = arith.constant 0 : i32
    %add3A_298 = arith.addi %add3A_297, %select_n3A_296 : i32
    %iota3A_299 = tpu.iota {dimensions = array<i32: 0>} : vector<16xi32>
    %scan3A_300 = arith.constant 100000 : i32
    %scan3A_301 = arith.constant 0 : i32
    %scan3A_302 = arith.constant 94 : i32
    %scan3A_303 = arith.addi %scan3A_301, %scan3A_302 : i32
    %scan3A_304 = arith.constant 1 : i32
    %scan3A_305 = scf.for %scan3A_485 = %scan3A_301 to %scan3A_303 step %scan3A_304 iter_args(%scan3A_486 = %scan3A_257#1) -> (vector<16xi32>)  : i32 {
      %mul3A_487 = arith.constant 4 : i32
      %mul3A_488 = arith.muli %scan3A_485, %mul3A_487 : i32
      %add3A_489 = arith.constant 0 : i32
      %add3A_490 = arith.addi %mul3A_488, %add3A_489 : i32
      %mul3A_491 = arith.constant 16 : i32
      %mul3A_492 = arith.muli %add3A_490, %mul3A_491 : i32
      %get3A = arith.constant 1 : i32
      %get3A_493 = arith.index_cast %get3A : i32 to index
      %get3A_494 = arith.index_cast %mul3A_492 : i32 to index
      %get3A_495 = tpu.vector_load %arg7[%get3A_493, %get3A_494] {strides = array<i32>} : memref<8x6272xf32, #tpu.memory_space<vmem>>, vector<16xf32>,
      %add3A_496 = arith.addi %multiple_of3A_260, %mul3A_492 : i32
      %add3A_497 = vector.broadcast %add3A_496 : i32 to vector<16xi32>
      %add3A_498 = arith.addi %add3A_497, %iota3A_299 : vector<16xi32>
      %gt3A = arith.cmpf ogt, %get3A_495, %gather3A_57 : vector<16xf32>
      %lt3A_499 = vector.broadcast %scan3A_300 : i32 to vector<16xi32>
      %lt3A_500 = arith.cmpi slt, %add3A_498, %lt3A_499 : vector<16xi32>
      %and3A = arith.andi %gt3A, %lt3A_500 : vector<16xi1>
      %eq3A_501 = arith.cmpf oeq, %get3A_495, %gather3A_57 : vector<16xf32>
      %lt3A_502 = arith.cmpi slt, %add3A_498, %gather3A_30 : vector<16xi32>
      %and3A_503 = arith.andi %eq3A_501, %lt3A_502 : vector<16xi1>
      %or3A = arith.ori %and3A, %and3A_503 : vector<16xi1>
      %jit3A_504 = arith.constant 1 : i32
      %jit3A_505 = arith.constant 0 : i32
      %broadcast_in_dim3A_506 = vector.broadcast %jit3A_504 : i32 to vector<16xi32>
      %broadcast_in_dim3A_507 = vector.broadcast %jit3A_505 : i32 to vector<16xi32>
      %select_n3A_508 = arith.select %or3A, %broadcast_in_dim3A_506, %broadcast_in_dim3A_507 : vector<16xi1>, vector<16xi32>
      %add3A_509 = arith.addi %scan3A_486, %select_n3A_508 : vector<16xi32>
      %mul3A_510 = arith.constant 4 : i32
      %mul3A_511 = arith.muli %scan3A_485, %mul3A_510 : i32
      %add3A_512 = arith.constant 1 : i32
      %add3A_513 = arith.addi %mul3A_511, %add3A_512 : i32
      %mul3A_514 = arith.constant 16 : i32
      %mul3A_515 = arith.muli %add3A_513, %mul3A_514 : i32
      %get3A_516 = arith.constant 1 : i32
      %get3A_517 = arith.index_cast %get3A_516 : i32 to index
      %get3A_518 = arith.index_cast %mul3A_515 : i32 to index
      %get3A_519 = tpu.vector_load %arg7[%get3A_517, %get3A_518] {strides = array<i32>} : memref<8x6272xf32, #tpu.memory_space<vmem>>, vector<16xf32>,
      %add3A_520 = arith.addi %multiple_of3A_260, %mul3A_515 : i32
      %add3A_521 = vector.broadcast %add3A_520 : i32 to vector<16xi32>
      %add3A_522 = arith.addi %add3A_521, %iota3A_299 : vector<16xi32>
      %gt3A_523 = arith.cmpf ogt, %get3A_519, %gather3A_57 : vector<16xf32>
      %lt3A_524 = vector.broadcast %scan3A_300 : i32 to vector<16xi32>
      %lt3A_525 = arith.cmpi slt, %add3A_522, %lt3A_524 : vector<16xi32>
      %and3A_526 = arith.andi %gt3A_523, %lt3A_525 : vector<16xi1>
      %eq3A_527 = arith.cmpf oeq, %get3A_519, %gather3A_57 : vector<16xf32>
      %lt3A_528 = arith.cmpi slt, %add3A_522, %gather3A_30 : vector<16xi32>
      %and3A_529 = arith.andi %eq3A_527, %lt3A_528 : vector<16xi1>
      %or3A_530 = arith.ori %and3A_526, %and3A_529 : vector<16xi1>
      %jit3A_531 = arith.constant 1 : i32
      %jit3A_532 = arith.constant 0 : i32
      %broadcast_in_dim3A_533 = vector.broadcast %jit3A_531 : i32 to vector<16xi32>
      %broadcast_in_dim3A_534 = vector.broadcast %jit3A_532 : i32 to vector<16xi32>
      %select_n3A_535 = arith.select %or3A_530, %broadcast_in_dim3A_533, %broadcast_in_dim3A_534 : vector<16xi1>, vector<16xi32>
      %add3A_536 = arith.addi %add3A_509, %select_n3A_535 : vector<16xi32>
      %mul3A_537 = arith.constant 4 : i32
      %mul3A_538 = arith.muli %scan3A_485, %mul3A_537 : i32
      %add3A_539 = arith.constant 2 : i32
      %add3A_540 = arith.addi %mul3A_538, %add3A_539 : i32
      %mul3A_541 = arith.constant 16 : i32
      %mul3A_542 = arith.muli %add3A_540, %mul3A_541 : i32
      %get3A_543 = arith.constant 1 : i32
      %get3A_544 = arith.index_cast %get3A_543 : i32 to index
      %get3A_545 = arith.index_cast %mul3A_542 : i32 to index
      %get3A_546 = tpu.vector_load %arg7[%get3A_544, %get3A_545] {strides = array<i32>} : memref<8x6272xf32, #tpu.memory_space<vmem>>, vector<16xf32>,
      %add3A_547 = arith.addi %multiple_of3A_260, %mul3A_542 : i32
      %add3A_548 = vector.broadcast %add3A_547 : i32 to vector<16xi32>
      %add3A_549 = arith.addi %add3A_548, %iota3A_299 : vector<16xi32>
      %gt3A_550 = arith.cmpf ogt, %get3A_546, %gather3A_57 : vector<16xf32>
      %lt3A_551 = vector.broadcast %scan3A_300 : i32 to vector<16xi32>
      %lt3A_552 = arith.cmpi slt, %add3A_549, %lt3A_551 : vector<16xi32>
      %and3A_553 = arith.andi %gt3A_550, %lt3A_552 : vector<16xi1>
      %eq3A_554 = arith.cmpf oeq, %get3A_546, %gather3A_57 : vector<16xf32>
      %lt3A_555 = arith.cmpi slt, %add3A_549, %gather3A_30 : vector<16xi32>
      %and3A_556 = arith.andi %eq3A_554, %lt3A_555 : vector<16xi1>
      %or3A_557 = arith.ori %and3A_553, %and3A_556 : vector<16xi1>
      %jit3A_558 = arith.constant 1 : i32
      %jit3A_559 = arith.constant 0 : i32
      %broadcast_in_dim3A_560 = vector.broadcast %jit3A_558 : i32 to vector<16xi32>
      %broadcast_in_dim3A_561 = vector.broadcast %jit3A_559 : i32 to vector<16xi32>
      %select_n3A_562 = arith.select %or3A_557, %broadcast_in_dim3A_560, %broadcast_in_dim3A_561 : vector<16xi1>, vector<16xi32>
      %add3A_563 = arith.addi %add3A_536, %select_n3A_562 : vector<16xi32>
      %mul3A_564 = arith.constant 4 : i32
      %mul3A_565 = arith.muli %scan3A_485, %mul3A_564 : i32
      %add3A_566 = arith.constant 3 : i32
      %add3A_567 = arith.addi %mul3A_565, %add3A_566 : i32
      %mul3A_568 = arith.constant 16 : i32
      %mul3A_569 = arith.muli %add3A_567, %mul3A_568 : i32
      %get3A_570 = arith.constant 1 : i32
      %get3A_571 = arith.index_cast %get3A_570 : i32 to index
      %get3A_572 = arith.index_cast %mul3A_569 : i32 to index
      %get3A_573 = tpu.vector_load %arg7[%get3A_571, %get3A_572] {strides = array<i32>} : memref<8x6272xf32, #tpu.memory_space<vmem>>, vector<16xf32>,
      %add3A_574 = arith.addi %multiple_of3A_260, %mul3A_569 : i32
      %add3A_575 = vector.broadcast %add3A_574 : i32 to vector<16xi32>
      %add3A_576 = arith.addi %add3A_575, %iota3A_299 : vector<16xi32>
      %gt3A_577 = arith.cmpf ogt, %get3A_573, %gather3A_57 : vector<16xf32>
      %lt3A_578 = vector.broadcast %scan3A_300 : i32 to vector<16xi32>
      %lt3A_579 = arith.cmpi slt, %add3A_576, %lt3A_578 : vector<16xi32>
      %and3A_580 = arith.andi %gt3A_577, %lt3A_579 : vector<16xi1>
      %eq3A_581 = arith.cmpf oeq, %get3A_573, %gather3A_57 : vector<16xf32>
      %lt3A_582 = arith.cmpi slt, %add3A_576, %gather3A_30 : vector<16xi32>
      %and3A_583 = arith.andi %eq3A_581, %lt3A_582 : vector<16xi1>
      %or3A_584 = arith.ori %and3A_580, %and3A_583 : vector<16xi1>
      %jit3A_585 = arith.constant 1 : i32
      %jit3A_586 = arith.constant 0 : i32
      %broadcast_in_dim3A_587 = vector.broadcast %jit3A_585 : i32 to vector<16xi32>
      %broadcast_in_dim3A_588 = vector.broadcast %jit3A_586 : i32 to vector<16xi32>
      %select_n3A_589 = arith.select %or3A_584, %broadcast_in_dim3A_587, %broadcast_in_dim3A_588 : vector<16xi1>, vector<16xi32>
      %add3A_590 = arith.addi %add3A_563, %select_n3A_589 : vector<16xi32>
      scf.yield %add3A_590 : vector<16xi32>
    }
    %scan3A_306 = arith.constant 94 : i32
    %reduce_sum3A_307 = arith.constant true
    %reduce_sum3A_308 = vector.broadcast %reduce_sum3A_307 : i1 to vector<16xi1>
    %reduce_sum3A_309 = tpu.scan <sum>, %scan3A_305 masked %reduce_sum3A_308 : vector<16xi32>, vector<16xi1> -> vector<16xi32>
    %reduce_sum3A_310 = vector.extract %reduce_sum3A_309[15] : i32 from vector<16xi32>
    %lt3A_311 = arith.constant 1 : i32
    %lt3A_312 = arith.cmpi slt, %reduce_sum3A_310, %lt3A_311 : i32
    %jit3A_313 = arith.constant 1 : i32
    %jit3A_314 = arith.constant 0 : i32
    %select_n3A_315 = arith.select %lt3A_312, %jit3A_313, %jit3A_314 : i32
    %add3A_316 = arith.addi %add3A_291, %select_n3A_315 : i32
    %lt3A_317 = arith.constant 5 : i32
    %lt3A_318 = arith.cmpi slt, %reduce_sum3A_310, %lt3A_317 : i32
    %jit3A_319 = arith.constant 1 : i32
    %jit3A_320 = arith.constant 0 : i32
    %select_n3A_321 = arith.select %lt3A_318, %jit3A_319, %jit3A_320 : i32
    %add3A_322 = arith.addi %add3A_298, %select_n3A_321 : i32
    %iota3A_323 = tpu.iota {dimensions = array<i32: 0>} : vector<16xi32>
    %scan3A_324 = arith.constant 100000 : i32
    %scan3A_325 = arith.constant 0 : i32
    %scan3A_326 = arith.constant 94 : i32
    %scan3A_327 = arith.addi %scan3A_325, %scan3A_326 : i32
    %scan3A_328 = arith.constant 1 : i32
    %scan3A_329 = scf.for %scan3A_485 = %scan3A_325 to %scan3A_327 step %scan3A_328 iter_args(%scan3A_486 = %scan3A_257#2) -> (vector<16xi32>)  : i32 {
      %mul3A_487 = arith.constant 4 : i32
      %mul3A_488 = arith.muli %scan3A_485, %mul3A_487 : i32
      %add3A_489 = arith.constant 0 : i32
      %add3A_490 = arith.addi %mul3A_488, %add3A_489 : i32
      %mul3A_491 = arith.constant 16 : i32
      %mul3A_492 = arith.muli %add3A_490, %mul3A_491 : i32
      %get3A = arith.constant 2 : i32
      %get3A_493 = arith.index_cast %get3A : i32 to index
      %get3A_494 = arith.index_cast %mul3A_492 : i32 to index
      %get3A_495 = tpu.vector_load %arg7[%get3A_493, %get3A_494] {strides = array<i32>} : memref<8x6272xf32, #tpu.memory_space<vmem>>, vector<16xf32>,
      %add3A_496 = arith.addi %multiple_of3A_260, %mul3A_492 : i32
      %add3A_497 = vector.broadcast %add3A_496 : i32 to vector<16xi32>
      %add3A_498 = arith.addi %add3A_497, %iota3A_323 : vector<16xi32>
      %gt3A = arith.cmpf ogt, %get3A_495, %gather3A_87 : vector<16xf32>
      %lt3A_499 = vector.broadcast %scan3A_324 : i32 to vector<16xi32>
      %lt3A_500 = arith.cmpi slt, %add3A_498, %lt3A_499 : vector<16xi32>
      %and3A = arith.andi %gt3A, %lt3A_500 : vector<16xi1>
      %eq3A_501 = arith.cmpf oeq, %get3A_495, %gather3A_87 : vector<16xf32>
      %lt3A_502 = arith.cmpi slt, %add3A_498, %gather3A_60 : vector<16xi32>
      %and3A_503 = arith.andi %eq3A_501, %lt3A_502 : vector<16xi1>
      %or3A = arith.ori %and3A, %and3A_503 : vector<16xi1>
      %jit3A_504 = arith.constant 1 : i32
      %jit3A_505 = arith.constant 0 : i32
      %broadcast_in_dim3A_506 = vector.broadcast %jit3A_504 : i32 to vector<16xi32>
      %broadcast_in_dim3A_507 = vector.broadcast %jit3A_505 : i32 to vector<16xi32>
      %select_n3A_508 = arith.select %or3A, %broadcast_in_dim3A_506, %broadcast_in_dim3A_507 : vector<16xi1>, vector<16xi32>
      %add3A_509 = arith.addi %scan3A_486, %select_n3A_508 : vector<16xi32>
      %mul3A_510 = arith.constant 4 : i32
      %mul3A_511 = arith.muli %scan3A_485, %mul3A_510 : i32
      %add3A_512 = arith.constant 1 : i32
      %add3A_513 = arith.addi %mul3A_511, %add3A_512 : i32
      %mul3A_514 = arith.constant 16 : i32
      %mul3A_515 = arith.muli %add3A_513, %mul3A_514 : i32
      %get3A_516 = arith.constant 2 : i32
      %get3A_517 = arith.index_cast %get3A_516 : i32 to index
      %get3A_518 = arith.index_cast %mul3A_515 : i32 to index
      %get3A_519 = tpu.vector_load %arg7[%get3A_517, %get3A_518] {strides = array<i32>} : memref<8x6272xf32, #tpu.memory_space<vmem>>, vector<16xf32>,
      %add3A_520 = arith.addi %multiple_of3A_260, %mul3A_515 : i32
      %add3A_521 = vector.broadcast %add3A_520 : i32 to vector<16xi32>
      %add3A_522 = arith.addi %add3A_521, %iota3A_323 : vector<16xi32>
      %gt3A_523 = arith.cmpf ogt, %get3A_519, %gather3A_87 : vector<16xf32>
      %lt3A_524 = vector.broadcast %scan3A_324 : i32 to vector<16xi32>
      %lt3A_525 = arith.cmpi slt, %add3A_522, %lt3A_524 : vector<16xi32>
      %and3A_526 = arith.andi %gt3A_523, %lt3A_525 : vector<16xi1>
      %eq3A_527 = arith.cmpf oeq, %get3A_519, %gather3A_87 : vector<16xf32>
      %lt3A_528 = arith.cmpi slt, %add3A_522, %gather3A_60 : vector<16xi32>
      %and3A_529 = arith.andi %eq3A_527, %lt3A_528 : vector<16xi1>
      %or3A_530 = arith.ori %and3A_526, %and3A_529 : vector<16xi1>
      %jit3A_531 = arith.constant 1 : i32
      %jit3A_532 = arith.constant 0 : i32
      %broadcast_in_dim3A_533 = vector.broadcast %jit3A_531 : i32 to vector<16xi32>
      %broadcast_in_dim3A_534 = vector.broadcast %jit3A_532 : i32 to vector<16xi32>
      %select_n3A_535 = arith.select %or3A_530, %broadcast_in_dim3A_533, %broadcast_in_dim3A_534 : vector<16xi1>, vector<16xi32>
      %add3A_536 = arith.addi %add3A_509, %select_n3A_535 : vector<16xi32>
      %mul3A_537 = arith.constant 4 : i32
      %mul3A_538 = arith.muli %scan3A_485, %mul3A_537 : i32
      %add3A_539 = arith.constant 2 : i32
      %add3A_540 = arith.addi %mul3A_538, %add3A_539 : i32
      %mul3A_541 = arith.constant 16 : i32
      %mul3A_542 = arith.muli %add3A_540, %mul3A_541 : i32
      %get3A_543 = arith.constant 2 : i32
      %get3A_544 = arith.index_cast %get3A_543 : i32 to index
      %get3A_545 = arith.index_cast %mul3A_542 : i32 to index
      %get3A_546 = tpu.vector_load %arg7[%get3A_544, %get3A_545] {strides = array<i32>} : memref<8x6272xf32, #tpu.memory_space<vmem>>, vector<16xf32>,
      %add3A_547 = arith.addi %multiple_of3A_260, %mul3A_542 : i32
      %add3A_548 = vector.broadcast %add3A_547 : i32 to vector<16xi32>
      %add3A_549 = arith.addi %add3A_548, %iota3A_323 : vector<16xi32>
      %gt3A_550 = arith.cmpf ogt, %get3A_546, %gather3A_87 : vector<16xf32>
      %lt3A_551 = vector.broadcast %scan3A_324 : i32 to vector<16xi32>
      %lt3A_552 = arith.cmpi slt, %add3A_549, %lt3A_551 : vector<16xi32>
      %and3A_553 = arith.andi %gt3A_550, %lt3A_552 : vector<16xi1>
      %eq3A_554 = arith.cmpf oeq, %get3A_546, %gather3A_87 : vector<16xf32>
      %lt3A_555 = arith.cmpi slt, %add3A_549, %gather3A_60 : vector<16xi32>
      %and3A_556 = arith.andi %eq3A_554, %lt3A_555 : vector<16xi1>
      %or3A_557 = arith.ori %and3A_553, %and3A_556 : vector<16xi1>
      %jit3A_558 = arith.constant 1 : i32
      %jit3A_559 = arith.constant 0 : i32
      %broadcast_in_dim3A_560 = vector.broadcast %jit3A_558 : i32 to vector<16xi32>
      %broadcast_in_dim3A_561 = vector.broadcast %jit3A_559 : i32 to vector<16xi32>
      %select_n3A_562 = arith.select %or3A_557, %broadcast_in_dim3A_560, %broadcast_in_dim3A_561 : vector<16xi1>, vector<16xi32>
      %add3A_563 = arith.addi %add3A_536, %select_n3A_562 : vector<16xi32>
      %mul3A_564 = arith.constant 4 : i32
      %mul3A_565 = arith.muli %scan3A_485, %mul3A_564 : i32
      %add3A_566 = arith.constant 3 : i32
      %add3A_567 = arith.addi %mul3A_565, %add3A_566 : i32
      %mul3A_568 = arith.constant 16 : i32
      %mul3A_569 = arith.muli %add3A_567, %mul3A_568 : i32
      %get3A_570 = arith.constant 2 : i32
      %get3A_571 = arith.index_cast %get3A_570 : i32 to index
      %get3A_572 = arith.index_cast %mul3A_569 : i32 to index
      %get3A_573 = tpu.vector_load %arg7[%get3A_571, %get3A_572] {strides = array<i32>} : memref<8x6272xf32, #tpu.memory_space<vmem>>, vector<16xf32>,
      %add3A_574 = arith.addi %multiple_of3A_260, %mul3A_569 : i32
      %add3A_575 = vector.broadcast %add3A_574 : i32 to vector<16xi32>
      %add3A_576 = arith.addi %add3A_575, %iota3A_323 : vector<16xi32>
      %gt3A_577 = arith.cmpf ogt, %get3A_573, %gather3A_87 : vector<16xf32>
      %lt3A_578 = vector.broadcast %scan3A_324 : i32 to vector<16xi32>
      %lt3A_579 = arith.cmpi slt, %add3A_576, %lt3A_578 : vector<16xi32>
      %and3A_580 = arith.andi %gt3A_577, %lt3A_579 : vector<16xi1>
      %eq3A_581 = arith.cmpf oeq, %get3A_573, %gather3A_87 : vector<16xf32>
      %lt3A_582 = arith.cmpi slt, %add3A_576, %gather3A_60 : vector<16xi32>
      %and3A_583 = arith.andi %eq3A_581, %lt3A_582 : vector<16xi1>
      %or3A_584 = arith.ori %and3A_580, %and3A_583 : vector<16xi1>
      %jit3A_585 = arith.constant 1 : i32
      %jit3A_586 = arith.constant 0 : i32
      %broadcast_in_dim3A_587 = vector.broadcast %jit3A_585 : i32 to vector<16xi32>
      %broadcast_in_dim3A_588 = vector.broadcast %jit3A_586 : i32 to vector<16xi32>
      %select_n3A_589 = arith.select %or3A_584, %broadcast_in_dim3A_587, %broadcast_in_dim3A_588 : vector<16xi1>, vector<16xi32>
      %add3A_590 = arith.addi %add3A_563, %select_n3A_589 : vector<16xi32>
      scf.yield %add3A_590 : vector<16xi32>
    }
    %scan3A_330 = arith.constant 94 : i32
    %reduce_sum3A_331 = arith.constant true
    %reduce_sum3A_332 = vector.broadcast %reduce_sum3A_331 : i1 to vector<16xi1>
    %reduce_sum3A_333 = tpu.scan <sum>, %scan3A_329 masked %reduce_sum3A_332 : vector<16xi32>, vector<16xi1> -> vector<16xi32>
    %reduce_sum3A_334 = vector.extract %reduce_sum3A_333[15] : i32 from vector<16xi32>
    %lt3A_335 = arith.constant 1 : i32
    %lt3A_336 = arith.cmpi slt, %reduce_sum3A_334, %lt3A_335 : i32
    %jit3A_337 = arith.constant 1 : i32
    %jit3A_338 = arith.constant 0 : i32
    %select_n3A_339 = arith.select %lt3A_336, %jit3A_337, %jit3A_338 : i32
    %add3A_340 = arith.addi %add3A_316, %select_n3A_339 : i32
    %lt3A_341 = arith.constant 5 : i32
    %lt3A_342 = arith.cmpi slt, %reduce_sum3A_334, %lt3A_341 : i32
    %jit3A_343 = arith.constant 1 : i32
    %jit3A_344 = arith.constant 0 : i32
    %select_n3A_345 = arith.select %lt3A_342, %jit3A_343, %jit3A_344 : i32
    %add3A_346 = arith.addi %add3A_322, %select_n3A_345 : i32
    %iota3A_347 = tpu.iota {dimensions = array<i32: 0>} : vector<16xi32>
    %scan3A_348 = arith.constant 100000 : i32
    %scan3A_349 = arith.constant 0 : i32
    %scan3A_350 = arith.constant 94 : i32
    %scan3A_351 = arith.addi %scan3A_349, %scan3A_350 : i32
    %scan3A_352 = arith.constant 1 : i32
    %scan3A_353 = scf.for %scan3A_485 = %scan3A_349 to %scan3A_351 step %scan3A_352 iter_args(%scan3A_486 = %scan3A_257#3) -> (vector<16xi32>)  : i32 {
      %mul3A_487 = arith.constant 4 : i32
      %mul3A_488 = arith.muli %scan3A_485, %mul3A_487 : i32
      %add3A_489 = arith.constant 0 : i32
      %add3A_490 = arith.addi %mul3A_488, %add3A_489 : i32
      %mul3A_491 = arith.constant 16 : i32
      %mul3A_492 = arith.muli %add3A_490, %mul3A_491 : i32
      %get3A = arith.constant 3 : i32
      %get3A_493 = arith.index_cast %get3A : i32 to index
      %get3A_494 = arith.index_cast %mul3A_492 : i32 to index
      %get3A_495 = tpu.vector_load %arg7[%get3A_493, %get3A_494] {strides = array<i32>} : memref<8x6272xf32, #tpu.memory_space<vmem>>, vector<16xf32>,
      %add3A_496 = arith.addi %multiple_of3A_260, %mul3A_492 : i32
      %add3A_497 = vector.broadcast %add3A_496 : i32 to vector<16xi32>
      %add3A_498 = arith.addi %add3A_497, %iota3A_347 : vector<16xi32>
      %gt3A = arith.cmpf ogt, %get3A_495, %gather3A_117 : vector<16xf32>
      %lt3A_499 = vector.broadcast %scan3A_348 : i32 to vector<16xi32>
      %lt3A_500 = arith.cmpi slt, %add3A_498, %lt3A_499 : vector<16xi32>
      %and3A = arith.andi %gt3A, %lt3A_500 : vector<16xi1>
      %eq3A_501 = arith.cmpf oeq, %get3A_495, %gather3A_117 : vector<16xf32>
      %lt3A_502 = arith.cmpi slt, %add3A_498, %gather3A_90 : vector<16xi32>
      %and3A_503 = arith.andi %eq3A_501, %lt3A_502 : vector<16xi1>
      %or3A = arith.ori %and3A, %and3A_503 : vector<16xi1>
      %jit3A_504 = arith.constant 1 : i32
      %jit3A_505 = arith.constant 0 : i32
      %broadcast_in_dim3A_506 = vector.broadcast %jit3A_504 : i32 to vector<16xi32>
      %broadcast_in_dim3A_507 = vector.broadcast %jit3A_505 : i32 to vector<16xi32>
      %select_n3A_508 = arith.select %or3A, %broadcast_in_dim3A_506, %broadcast_in_dim3A_507 : vector<16xi1>, vector<16xi32>
      %add3A_509 = arith.addi %scan3A_486, %select_n3A_508 : vector<16xi32>
      %mul3A_510 = arith.constant 4 : i32
      %mul3A_511 = arith.muli %scan3A_485, %mul3A_510 : i32
      %add3A_512 = arith.constant 1 : i32
      %add3A_513 = arith.addi %mul3A_511, %add3A_512 : i32
      %mul3A_514 = arith.constant 16 : i32
      %mul3A_515 = arith.muli %add3A_513, %mul3A_514 : i32
      %get3A_516 = arith.constant 3 : i32
      %get3A_517 = arith.index_cast %get3A_516 : i32 to index
      %get3A_518 = arith.index_cast %mul3A_515 : i32 to index
      %get3A_519 = tpu.vector_load %arg7[%get3A_517, %get3A_518] {strides = array<i32>} : memref<8x6272xf32, #tpu.memory_space<vmem>>, vector<16xf32>,
      %add3A_520 = arith.addi %multiple_of3A_260, %mul3A_515 : i32
      %add3A_521 = vector.broadcast %add3A_520 : i32 to vector<16xi32>
      %add3A_522 = arith.addi %add3A_521, %iota3A_347 : vector<16xi32>
      %gt3A_523 = arith.cmpf ogt, %get3A_519, %gather3A_117 : vector<16xf32>
      %lt3A_524 = vector.broadcast %scan3A_348 : i32 to vector<16xi32>
      %lt3A_525 = arith.cmpi slt, %add3A_522, %lt3A_524 : vector<16xi32>
      %and3A_526 = arith.andi %gt3A_523, %lt3A_525 : vector<16xi1>
      %eq3A_527 = arith.cmpf oeq, %get3A_519, %gather3A_117 : vector<16xf32>
      %lt3A_528 = arith.cmpi slt, %add3A_522, %gather3A_90 : vector<16xi32>
      %and3A_529 = arith.andi %eq3A_527, %lt3A_528 : vector<16xi1>
      %or3A_530 = arith.ori %and3A_526, %and3A_529 : vector<16xi1>
      %jit3A_531 = arith.constant 1 : i32
      %jit3A_532 = arith.constant 0 : i32
      %broadcast_in_dim3A_533 = vector.broadcast %jit3A_531 : i32 to vector<16xi32>
      %broadcast_in_dim3A_534 = vector.broadcast %jit3A_532 : i32 to vector<16xi32>
      %select_n3A_535 = arith.select %or3A_530, %broadcast_in_dim3A_533, %broadcast_in_dim3A_534 : vector<16xi1>, vector<16xi32>
      %add3A_536 = arith.addi %add3A_509, %select_n3A_535 : vector<16xi32>
      %mul3A_537 = arith.constant 4 : i32
      %mul3A_538 = arith.muli %scan3A_485, %mul3A_537 : i32
      %add3A_539 = arith.constant 2 : i32
      %add3A_540 = arith.addi %mul3A_538, %add3A_539 : i32
      %mul3A_541 = arith.constant 16 : i32
      %mul3A_542 = arith.muli %add3A_540, %mul3A_541 : i32
      %get3A_543 = arith.constant 3 : i32
      %get3A_544 = arith.index_cast %get3A_543 : i32 to index
      %get3A_545 = arith.index_cast %mul3A_542 : i32 to index
      %get3A_546 = tpu.vector_load %arg7[%get3A_544, %get3A_545] {strides = array<i32>} : memref<8x6272xf32, #tpu.memory_space<vmem>>, vector<16xf32>,
      %add3A_547 = arith.addi %multiple_of3A_260, %mul3A_542 : i32
      %add3A_548 = vector.broadcast %add3A_547 : i32 to vector<16xi32>
      %add3A_549 = arith.addi %add3A_548, %iota3A_347 : vector<16xi32>
      %gt3A_550 = arith.cmpf ogt, %get3A_546, %gather3A_117 : vector<16xf32>
      %lt3A_551 = vector.broadcast %scan3A_348 : i32 to vector<16xi32>
      %lt3A_552 = arith.cmpi slt, %add3A_549, %lt3A_551 : vector<16xi32>
      %and3A_553 = arith.andi %gt3A_550, %lt3A_552 : vector<16xi1>
      %eq3A_554 = arith.cmpf oeq, %get3A_546, %gather3A_117 : vector<16xf32>
      %lt3A_555 = arith.cmpi slt, %add3A_549, %gather3A_90 : vector<16xi32>
      %and3A_556 = arith.andi %eq3A_554, %lt3A_555 : vector<16xi1>
      %or3A_557 = arith.ori %and3A_553, %and3A_556 : vector<16xi1>
      %jit3A_558 = arith.constant 1 : i32
      %jit3A_559 = arith.constant 0 : i32
      %broadcast_in_dim3A_560 = vector.broadcast %jit3A_558 : i32 to vector<16xi32>
      %broadcast_in_dim3A_561 = vector.broadcast %jit3A_559 : i32 to vector<16xi32>
      %select_n3A_562 = arith.select %or3A_557, %broadcast_in_dim3A_560, %broadcast_in_dim3A_561 : vector<16xi1>, vector<16xi32>
      %add3A_563 = arith.addi %add3A_536, %select_n3A_562 : vector<16xi32>
      %mul3A_564 = arith.constant 4 : i32
      %mul3A_565 = arith.muli %scan3A_485, %mul3A_564 : i32
      %add3A_566 = arith.constant 3 : i32
      %add3A_567 = arith.addi %mul3A_565, %add3A_566 : i32
      %mul3A_568 = arith.constant 16 : i32
      %mul3A_569 = arith.muli %add3A_567, %mul3A_568 : i32
      %get3A_570 = arith.constant 3 : i32
      %get3A_571 = arith.index_cast %get3A_570 : i32 to index
      %get3A_572 = arith.index_cast %mul3A_569 : i32 to index
      %get3A_573 = tpu.vector_load %arg7[%get3A_571, %get3A_572] {strides = array<i32>} : memref<8x6272xf32, #tpu.memory_space<vmem>>, vector<16xf32>,
      %add3A_574 = arith.addi %multiple_of3A_260, %mul3A_569 : i32
      %add3A_575 = vector.broadcast %add3A_574 : i32 to vector<16xi32>
      %add3A_576 = arith.addi %add3A_575, %iota3A_347 : vector<16xi32>
      %gt3A_577 = arith.cmpf ogt, %get3A_573, %gather3A_117 : vector<16xf32>
      %lt3A_578 = vector.broadcast %scan3A_348 : i32 to vector<16xi32>
      %lt3A_579 = arith.cmpi slt, %add3A_576, %lt3A_578 : vector<16xi32>
      %and3A_580 = arith.andi %gt3A_577, %lt3A_579 : vector<16xi1>
      %eq3A_581 = arith.cmpf oeq, %get3A_573, %gather3A_117 : vector<16xf32>
      %lt3A_582 = arith.cmpi slt, %add3A_576, %gather3A_90 : vector<16xi32>
      %and3A_583 = arith.andi %eq3A_581, %lt3A_582 : vector<16xi1>
      %or3A_584 = arith.ori %and3A_580, %and3A_583 : vector<16xi1>
      %jit3A_585 = arith.constant 1 : i32
      %jit3A_586 = arith.constant 0 : i32
      %broadcast_in_dim3A_587 = vector.broadcast %jit3A_585 : i32 to vector<16xi32>
      %broadcast_in_dim3A_588 = vector.broadcast %jit3A_586 : i32 to vector<16xi32>
      %select_n3A_589 = arith.select %or3A_584, %broadcast_in_dim3A_587, %broadcast_in_dim3A_588 : vector<16xi1>, vector<16xi32>
      %add3A_590 = arith.addi %add3A_563, %select_n3A_589 : vector<16xi32>
      scf.yield %add3A_590 : vector<16xi32>
    }
    %scan3A_354 = arith.constant 94 : i32
    %reduce_sum3A_355 = arith.constant true
    %reduce_sum3A_356 = vector.broadcast %reduce_sum3A_355 : i1 to vector<16xi1>
    %reduce_sum3A_357 = tpu.scan <sum>, %scan3A_353 masked %reduce_sum3A_356 : vector<16xi32>, vector<16xi1> -> vector<16xi32>
    %reduce_sum3A_358 = vector.extract %reduce_sum3A_357[15] : i32 from vector<16xi32>
    %lt3A_359 = arith.constant 1 : i32
    %lt3A_360 = arith.cmpi slt, %reduce_sum3A_358, %lt3A_359 : i32
    %jit3A_361 = arith.constant 1 : i32
    %jit3A_362 = arith.constant 0 : i32
    %select_n3A_363 = arith.select %lt3A_360, %jit3A_361, %jit3A_362 : i32
    %add3A_364 = arith.addi %add3A_340, %select_n3A_363 : i32
    %lt3A_365 = arith.constant 5 : i32
    %lt3A_366 = arith.cmpi slt, %reduce_sum3A_358, %lt3A_365 : i32
    %jit3A_367 = arith.constant 1 : i32
    %jit3A_368 = arith.constant 0 : i32
    %select_n3A_369 = arith.select %lt3A_366, %jit3A_367, %jit3A_368 : i32
    %add3A_370 = arith.addi %add3A_346, %select_n3A_369 : i32
    %iota3A_371 = tpu.iota {dimensions = array<i32: 0>} : vector<16xi32>
    %scan3A_372 = arith.constant 100000 : i32
    %scan3A_373 = arith.constant 0 : i32
    %scan3A_374 = arith.constant 94 : i32
    %scan3A_375 = arith.addi %scan3A_373, %scan3A_374 : i32
    %scan3A_376 = arith.constant 1 : i32
    %scan3A_377 = scf.for %scan3A_485 = %scan3A_373 to %scan3A_375 step %scan3A_376 iter_args(%scan3A_486 = %scan3A_257#4) -> (vector<16xi32>)  : i32 {
      %mul3A_487 = arith.constant 4 : i32
      %mul3A_488 = arith.muli %scan3A_485, %mul3A_487 : i32
      %add3A_489 = arith.constant 0 : i32
      %add3A_490 = arith.addi %mul3A_488, %add3A_489 : i32
      %mul3A_491 = arith.constant 16 : i32
      %mul3A_492 = arith.muli %add3A_490, %mul3A_491 : i32
      %get3A = arith.constant 4 : i32
      %get3A_493 = arith.index_cast %get3A : i32 to index
      %get3A_494 = arith.index_cast %mul3A_492 : i32 to index
      %get3A_495 = tpu.vector_load %arg7[%get3A_493, %get3A_494] {strides = array<i32>} : memref<8x6272xf32, #tpu.memory_space<vmem>>, vector<16xf32>,
      %add3A_496 = arith.addi %multiple_of3A_260, %mul3A_492 : i32
      %add3A_497 = vector.broadcast %add3A_496 : i32 to vector<16xi32>
      %add3A_498 = arith.addi %add3A_497, %iota3A_371 : vector<16xi32>
      %gt3A = arith.cmpf ogt, %get3A_495, %gather3A_147 : vector<16xf32>
      %lt3A_499 = vector.broadcast %scan3A_372 : i32 to vector<16xi32>
      %lt3A_500 = arith.cmpi slt, %add3A_498, %lt3A_499 : vector<16xi32>
      %and3A = arith.andi %gt3A, %lt3A_500 : vector<16xi1>
      %eq3A_501 = arith.cmpf oeq, %get3A_495, %gather3A_147 : vector<16xf32>
      %lt3A_502 = arith.cmpi slt, %add3A_498, %gather3A_120 : vector<16xi32>
      %and3A_503 = arith.andi %eq3A_501, %lt3A_502 : vector<16xi1>
      %or3A = arith.ori %and3A, %and3A_503 : vector<16xi1>
      %jit3A_504 = arith.constant 1 : i32
      %jit3A_505 = arith.constant 0 : i32
      %broadcast_in_dim3A_506 = vector.broadcast %jit3A_504 : i32 to vector<16xi32>
      %broadcast_in_dim3A_507 = vector.broadcast %jit3A_505 : i32 to vector<16xi32>
      %select_n3A_508 = arith.select %or3A, %broadcast_in_dim3A_506, %broadcast_in_dim3A_507 : vector<16xi1>, vector<16xi32>
      %add3A_509 = arith.addi %scan3A_486, %select_n3A_508 : vector<16xi32>
      %mul3A_510 = arith.constant 4 : i32
      %mul3A_511 = arith.muli %scan3A_485, %mul3A_510 : i32
      %add3A_512 = arith.constant 1 : i32
      %add3A_513 = arith.addi %mul3A_511, %add3A_512 : i32
      %mul3A_514 = arith.constant 16 : i32
      %mul3A_515 = arith.muli %add3A_513, %mul3A_514 : i32
      %get3A_516 = arith.constant 4 : i32
      %get3A_517 = arith.index_cast %get3A_516 : i32 to index
      %get3A_518 = arith.index_cast %mul3A_515 : i32 to index
      %get3A_519 = tpu.vector_load %arg7[%get3A_517, %get3A_518] {strides = array<i32>} : memref<8x6272xf32, #tpu.memory_space<vmem>>, vector<16xf32>,
      %add3A_520 = arith.addi %multiple_of3A_260, %mul3A_515 : i32
      %add3A_521 = vector.broadcast %add3A_520 : i32 to vector<16xi32>
      %add3A_522 = arith.addi %add3A_521, %iota3A_371 : vector<16xi32>
      %gt3A_523 = arith.cmpf ogt, %get3A_519, %gather3A_147 : vector<16xf32>
      %lt3A_524 = vector.broadcast %scan3A_372 : i32 to vector<16xi32>
      %lt3A_525 = arith.cmpi slt, %add3A_522, %lt3A_524 : vector<16xi32>
      %and3A_526 = arith.andi %gt3A_523, %lt3A_525 : vector<16xi1>
      %eq3A_527 = arith.cmpf oeq, %get3A_519, %gather3A_147 : vector<16xf32>
      %lt3A_528 = arith.cmpi slt, %add3A_522, %gather3A_120 : vector<16xi32>
      %and3A_529 = arith.andi %eq3A_527, %lt3A_528 : vector<16xi1>
      %or3A_530 = arith.ori %and3A_526, %and3A_529 : vector<16xi1>
      %jit3A_531 = arith.constant 1 : i32
      %jit3A_532 = arith.constant 0 : i32
      %broadcast_in_dim3A_533 = vector.broadcast %jit3A_531 : i32 to vector<16xi32>
      %broadcast_in_dim3A_534 = vector.broadcast %jit3A_532 : i32 to vector<16xi32>
      %select_n3A_535 = arith.select %or3A_530, %broadcast_in_dim3A_533, %broadcast_in_dim3A_534 : vector<16xi1>, vector<16xi32>
      %add3A_536 = arith.addi %add3A_509, %select_n3A_535 : vector<16xi32>
      %mul3A_537 = arith.constant 4 : i32
      %mul3A_538 = arith.muli %scan3A_485, %mul3A_537 : i32
      %add3A_539 = arith.constant 2 : i32
      %add3A_540 = arith.addi %mul3A_538, %add3A_539 : i32
      %mul3A_541 = arith.constant 16 : i32
      %mul3A_542 = arith.muli %add3A_540, %mul3A_541 : i32
      %get3A_543 = arith.constant 4 : i32
      %get3A_544 = arith.index_cast %get3A_543 : i32 to index
      %get3A_545 = arith.index_cast %mul3A_542 : i32 to index
      %get3A_546 = tpu.vector_load %arg7[%get3A_544, %get3A_545] {strides = array<i32>} : memref<8x6272xf32, #tpu.memory_space<vmem>>, vector<16xf32>,
      %add3A_547 = arith.addi %multiple_of3A_260, %mul3A_542 : i32
      %add3A_548 = vector.broadcast %add3A_547 : i32 to vector<16xi32>
      %add3A_549 = arith.addi %add3A_548, %iota3A_371 : vector<16xi32>
      %gt3A_550 = arith.cmpf ogt, %get3A_546, %gather3A_147 : vector<16xf32>
      %lt3A_551 = vector.broadcast %scan3A_372 : i32 to vector<16xi32>
      %lt3A_552 = arith.cmpi slt, %add3A_549, %lt3A_551 : vector<16xi32>
      %and3A_553 = arith.andi %gt3A_550, %lt3A_552 : vector<16xi1>
      %eq3A_554 = arith.cmpf oeq, %get3A_546, %gather3A_147 : vector<16xf32>
      %lt3A_555 = arith.cmpi slt, %add3A_549, %gather3A_120 : vector<16xi32>
      %and3A_556 = arith.andi %eq3A_554, %lt3A_555 : vector<16xi1>
      %or3A_557 = arith.ori %and3A_553, %and3A_556 : vector<16xi1>
      %jit3A_558 = arith.constant 1 : i32
      %jit3A_559 = arith.constant 0 : i32
      %broadcast_in_dim3A_560 = vector.broadcast %jit3A_558 : i32 to vector<16xi32>
      %broadcast_in_dim3A_561 = vector.broadcast %jit3A_559 : i32 to vector<16xi32>
      %select_n3A_562 = arith.select %or3A_557, %broadcast_in_dim3A_560, %broadcast_in_dim3A_561 : vector<16xi1>, vector<16xi32>
      %add3A_563 = arith.addi %add3A_536, %select_n3A_562 : vector<16xi32>
      %mul3A_564 = arith.constant 4 : i32
      %mul3A_565 = arith.muli %scan3A_485, %mul3A_564 : i32
      %add3A_566 = arith.constant 3 : i32
      %add3A_567 = arith.addi %mul3A_565, %add3A_566 : i32
      %mul3A_568 = arith.constant 16 : i32
      %mul3A_569 = arith.muli %add3A_567, %mul3A_568 : i32
      %get3A_570 = arith.constant 4 : i32
      %get3A_571 = arith.index_cast %get3A_570 : i32 to index
      %get3A_572 = arith.index_cast %mul3A_569 : i32 to index
      %get3A_573 = tpu.vector_load %arg7[%get3A_571, %get3A_572] {strides = array<i32>} : memref<8x6272xf32, #tpu.memory_space<vmem>>, vector<16xf32>,
      %add3A_574 = arith.addi %multiple_of3A_260, %mul3A_569 : i32
      %add3A_575 = vector.broadcast %add3A_574 : i32 to vector<16xi32>
      %add3A_576 = arith.addi %add3A_575, %iota3A_371 : vector<16xi32>
      %gt3A_577 = arith.cmpf ogt, %get3A_573, %gather3A_147 : vector<16xf32>
      %lt3A_578 = vector.broadcast %scan3A_372 : i32 to vector<16xi32>
      %lt3A_579 = arith.cmpi slt, %add3A_576, %lt3A_578 : vector<16xi32>
      %and3A_580 = arith.andi %gt3A_577, %lt3A_579 : vector<16xi1>
      %eq3A_581 = arith.cmpf oeq, %get3A_573, %gather3A_147 : vector<16xf32>
      %lt3A_582 = arith.cmpi slt, %add3A_576, %gather3A_120 : vector<16xi32>
      %and3A_583 = arith.andi %eq3A_581, %lt3A_582 : vector<16xi1>
      %or3A_584 = arith.ori %and3A_580, %and3A_583 : vector<16xi1>
      %jit3A_585 = arith.constant 1 : i32
      %jit3A_586 = arith.constant 0 : i32
      %broadcast_in_dim3A_587 = vector.broadcast %jit3A_585 : i32 to vector<16xi32>
      %broadcast_in_dim3A_588 = vector.broadcast %jit3A_586 : i32 to vector<16xi32>
      %select_n3A_589 = arith.select %or3A_584, %broadcast_in_dim3A_587, %broadcast_in_dim3A_588 : vector<16xi1>, vector<16xi32>
      %add3A_590 = arith.addi %add3A_563, %select_n3A_589 : vector<16xi32>
      scf.yield %add3A_590 : vector<16xi32>
    }
    %scan3A_378 = arith.constant 94 : i32
    %reduce_sum3A_379 = arith.constant true
    %reduce_sum3A_380 = vector.broadcast %reduce_sum3A_379 : i1 to vector<16xi1>
    %reduce_sum3A_381 = tpu.scan <sum>, %scan3A_377 masked %reduce_sum3A_380 : vector<16xi32>, vector<16xi1> -> vector<16xi32>
    %reduce_sum3A_382 = vector.extract %reduce_sum3A_381[15] : i32 from vector<16xi32>
    %lt3A_383 = arith.constant 1 : i32
    %lt3A_384 = arith.cmpi slt, %reduce_sum3A_382, %lt3A_383 : i32
    %jit3A_385 = arith.constant 1 : i32
    %jit3A_386 = arith.constant 0 : i32
    %select_n3A_387 = arith.select %lt3A_384, %jit3A_385, %jit3A_386 : i32
    %add3A_388 = arith.addi %add3A_364, %select_n3A_387 : i32
    %lt3A_389 = arith.constant 5 : i32
    %lt3A_390 = arith.cmpi slt, %reduce_sum3A_382, %lt3A_389 : i32
    %jit3A_391 = arith.constant 1 : i32
    %jit3A_392 = arith.constant 0 : i32
    %select_n3A_393 = arith.select %lt3A_390, %jit3A_391, %jit3A_392 : i32
    %add3A_394 = arith.addi %add3A_370, %select_n3A_393 : i32
    %iota3A_395 = tpu.iota {dimensions = array<i32: 0>} : vector<16xi32>
    %scan3A_396 = arith.constant 100000 : i32
    %scan3A_397 = arith.constant 0 : i32
    %scan3A_398 = arith.constant 94 : i32
    %scan3A_399 = arith.addi %scan3A_397, %scan3A_398 : i32
    %scan3A_400 = arith.constant 1 : i32
    %scan3A_401 = scf.for %scan3A_485 = %scan3A_397 to %scan3A_399 step %scan3A_400 iter_args(%scan3A_486 = %scan3A_257#5) -> (vector<16xi32>)  : i32 {
      %mul3A_487 = arith.constant 4 : i32
      %mul3A_488 = arith.muli %scan3A_485, %mul3A_487 : i32
      %add3A_489 = arith.constant 0 : i32
      %add3A_490 = arith.addi %mul3A_488, %add3A_489 : i32
      %mul3A_491 = arith.constant 16 : i32
      %mul3A_492 = arith.muli %add3A_490, %mul3A_491 : i32
      %get3A = arith.constant 5 : i32
      %get3A_493 = arith.index_cast %get3A : i32 to index
      %get3A_494 = arith.index_cast %mul3A_492 : i32 to index
      %get3A_495 = tpu.vector_load %arg7[%get3A_493, %get3A_494] {strides = array<i32>} : memref<8x6272xf32, #tpu.memory_space<vmem>>, vector<16xf32>,
      %add3A_496 = arith.addi %multiple_of3A_260, %mul3A_492 : i32
      %add3A_497 = vector.broadcast %add3A_496 : i32 to vector<16xi32>
      %add3A_498 = arith.addi %add3A_497, %iota3A_395 : vector<16xi32>
      %gt3A = arith.cmpf ogt, %get3A_495, %gather3A_177 : vector<16xf32>
      %lt3A_499 = vector.broadcast %scan3A_396 : i32 to vector<16xi32>
      %lt3A_500 = arith.cmpi slt, %add3A_498, %lt3A_499 : vector<16xi32>
      %and3A = arith.andi %gt3A, %lt3A_500 : vector<16xi1>
      %eq3A_501 = arith.cmpf oeq, %get3A_495, %gather3A_177 : vector<16xf32>
      %lt3A_502 = arith.cmpi slt, %add3A_498, %gather3A_150 : vector<16xi32>
      %and3A_503 = arith.andi %eq3A_501, %lt3A_502 : vector<16xi1>
      %or3A = arith.ori %and3A, %and3A_503 : vector<16xi1>
      %jit3A_504 = arith.constant 1 : i32
      %jit3A_505 = arith.constant 0 : i32
      %broadcast_in_dim3A_506 = vector.broadcast %jit3A_504 : i32 to vector<16xi32>
      %broadcast_in_dim3A_507 = vector.broadcast %jit3A_505 : i32 to vector<16xi32>
      %select_n3A_508 = arith.select %or3A, %broadcast_in_dim3A_506, %broadcast_in_dim3A_507 : vector<16xi1>, vector<16xi32>
      %add3A_509 = arith.addi %scan3A_486, %select_n3A_508 : vector<16xi32>
      %mul3A_510 = arith.constant 4 : i32
      %mul3A_511 = arith.muli %scan3A_485, %mul3A_510 : i32
      %add3A_512 = arith.constant 1 : i32
      %add3A_513 = arith.addi %mul3A_511, %add3A_512 : i32
      %mul3A_514 = arith.constant 16 : i32
      %mul3A_515 = arith.muli %add3A_513, %mul3A_514 : i32
      %get3A_516 = arith.constant 5 : i32
      %get3A_517 = arith.index_cast %get3A_516 : i32 to index
      %get3A_518 = arith.index_cast %mul3A_515 : i32 to index
      %get3A_519 = tpu.vector_load %arg7[%get3A_517, %get3A_518] {strides = array<i32>} : memref<8x6272xf32, #tpu.memory_space<vmem>>, vector<16xf32>,
      %add3A_520 = arith.addi %multiple_of3A_260, %mul3A_515 : i32
      %add3A_521 = vector.broadcast %add3A_520 : i32 to vector<16xi32>
      %add3A_522 = arith.addi %add3A_521, %iota3A_395 : vector<16xi32>
      %gt3A_523 = arith.cmpf ogt, %get3A_519, %gather3A_177 : vector<16xf32>
      %lt3A_524 = vector.broadcast %scan3A_396 : i32 to vector<16xi32>
      %lt3A_525 = arith.cmpi slt, %add3A_522, %lt3A_524 : vector<16xi32>
      %and3A_526 = arith.andi %gt3A_523, %lt3A_525 : vector<16xi1>
      %eq3A_527 = arith.cmpf oeq, %get3A_519, %gather3A_177 : vector<16xf32>
      %lt3A_528 = arith.cmpi slt, %add3A_522, %gather3A_150 : vector<16xi32>
      %and3A_529 = arith.andi %eq3A_527, %lt3A_528 : vector<16xi1>
      %or3A_530 = arith.ori %and3A_526, %and3A_529 : vector<16xi1>
      %jit3A_531 = arith.constant 1 : i32
      %jit3A_532 = arith.constant 0 : i32
      %broadcast_in_dim3A_533 = vector.broadcast %jit3A_531 : i32 to vector<16xi32>
      %broadcast_in_dim3A_534 = vector.broadcast %jit3A_532 : i32 to vector<16xi32>
      %select_n3A_535 = arith.select %or3A_530, %broadcast_in_dim3A_533, %broadcast_in_dim3A_534 : vector<16xi1>, vector<16xi32>
      %add3A_536 = arith.addi %add3A_509, %select_n3A_535 : vector<16xi32>
      %mul3A_537 = arith.constant 4 : i32
      %mul3A_538 = arith.muli %scan3A_485, %mul3A_537 : i32
      %add3A_539 = arith.constant 2 : i32
      %add3A_540 = arith.addi %mul3A_538, %add3A_539 : i32
      %mul3A_541 = arith.constant 16 : i32
      %mul3A_542 = arith.muli %add3A_540, %mul3A_541 : i32
      %get3A_543 = arith.constant 5 : i32
      %get3A_544 = arith.index_cast %get3A_543 : i32 to index
      %get3A_545 = arith.index_cast %mul3A_542 : i32 to index
      %get3A_546 = tpu.vector_load %arg7[%get3A_544, %get3A_545] {strides = array<i32>} : memref<8x6272xf32, #tpu.memory_space<vmem>>, vector<16xf32>,
      %add3A_547 = arith.addi %multiple_of3A_260, %mul3A_542 : i32
      %add3A_548 = vector.broadcast %add3A_547 : i32 to vector<16xi32>
      %add3A_549 = arith.addi %add3A_548, %iota3A_395 : vector<16xi32>
      %gt3A_550 = arith.cmpf ogt, %get3A_546, %gather3A_177 : vector<16xf32>
      %lt3A_551 = vector.broadcast %scan3A_396 : i32 to vector<16xi32>
      %lt3A_552 = arith.cmpi slt, %add3A_549, %lt3A_551 : vector<16xi32>
      %and3A_553 = arith.andi %gt3A_550, %lt3A_552 : vector<16xi1>
      %eq3A_554 = arith.cmpf oeq, %get3A_546, %gather3A_177 : vector<16xf32>
      %lt3A_555 = arith.cmpi slt, %add3A_549, %gather3A_150 : vector<16xi32>
      %and3A_556 = arith.andi %eq3A_554, %lt3A_555 : vector<16xi1>
      %or3A_557 = arith.ori %and3A_553, %and3A_556 : vector<16xi1>
      %jit3A_558 = arith.constant 1 : i32
      %jit3A_559 = arith.constant 0 : i32
      %broadcast_in_dim3A_560 = vector.broadcast %jit3A_558 : i32 to vector<16xi32>
      %broadcast_in_dim3A_561 = vector.broadcast %jit3A_559 : i32 to vector<16xi32>
      %select_n3A_562 = arith.select %or3A_557, %broadcast_in_dim3A_560, %broadcast_in_dim3A_561 : vector<16xi1>, vector<16xi32>
      %add3A_563 = arith.addi %add3A_536, %select_n3A_562 : vector<16xi32>
      %mul3A_564 = arith.constant 4 : i32
      %mul3A_565 = arith.muli %scan3A_485, %mul3A_564 : i32
      %add3A_566 = arith.constant 3 : i32
      %add3A_567 = arith.addi %mul3A_565, %add3A_566 : i32
      %mul3A_568 = arith.constant 16 : i32
      %mul3A_569 = arith.muli %add3A_567, %mul3A_568 : i32
      %get3A_570 = arith.constant 5 : i32
      %get3A_571 = arith.index_cast %get3A_570 : i32 to index
      %get3A_572 = arith.index_cast %mul3A_569 : i32 to index
      %get3A_573 = tpu.vector_load %arg7[%get3A_571, %get3A_572] {strides = array<i32>} : memref<8x6272xf32, #tpu.memory_space<vmem>>, vector<16xf32>,
      %add3A_574 = arith.addi %multiple_of3A_260, %mul3A_569 : i32
      %add3A_575 = vector.broadcast %add3A_574 : i32 to vector<16xi32>
      %add3A_576 = arith.addi %add3A_575, %iota3A_395 : vector<16xi32>
      %gt3A_577 = arith.cmpf ogt, %get3A_573, %gather3A_177 : vector<16xf32>
      %lt3A_578 = vector.broadcast %scan3A_396 : i32 to vector<16xi32>
      %lt3A_579 = arith.cmpi slt, %add3A_576, %lt3A_578 : vector<16xi32>
      %and3A_580 = arith.andi %gt3A_577, %lt3A_579 : vector<16xi1>
      %eq3A_581 = arith.cmpf oeq, %get3A_573, %gather3A_177 : vector<16xf32>
      %lt3A_582 = arith.cmpi slt, %add3A_576, %gather3A_150 : vector<16xi32>
      %and3A_583 = arith.andi %eq3A_581, %lt3A_582 : vector<16xi1>
      %or3A_584 = arith.ori %and3A_580, %and3A_583 : vector<16xi1>
      %jit3A_585 = arith.constant 1 : i32
      %jit3A_586 = arith.constant 0 : i32
      %broadcast_in_dim3A_587 = vector.broadcast %jit3A_585 : i32 to vector<16xi32>
      %broadcast_in_dim3A_588 = vector.broadcast %jit3A_586 : i32 to vector<16xi32>
      %select_n3A_589 = arith.select %or3A_584, %broadcast_in_dim3A_587, %broadcast_in_dim3A_588 : vector<16xi1>, vector<16xi32>
      %add3A_590 = arith.addi %add3A_563, %select_n3A_589 : vector<16xi32>
      scf.yield %add3A_590 : vector<16xi32>
    }
    %scan3A_402 = arith.constant 94 : i32
    %reduce_sum3A_403 = arith.constant true
    %reduce_sum3A_404 = vector.broadcast %reduce_sum3A_403 : i1 to vector<16xi1>
    %reduce_sum3A_405 = tpu.scan <sum>, %scan3A_401 masked %reduce_sum3A_404 : vector<16xi32>, vector<16xi1> -> vector<16xi32>
    %reduce_sum3A_406 = vector.extract %reduce_sum3A_405[15] : i32 from vector<16xi32>
    %lt3A_407 = arith.constant 1 : i32
    %lt3A_408 = arith.cmpi slt, %reduce_sum3A_406, %lt3A_407 : i32
    %jit3A_409 = arith.constant 1 : i32
    %jit3A_410 = arith.constant 0 : i32
    %select_n3A_411 = arith.select %lt3A_408, %jit3A_409, %jit3A_410 : i32
    %add3A_412 = arith.addi %add3A_388, %select_n3A_411 : i32
    %lt3A_413 = arith.constant 5 : i32
    %lt3A_414 = arith.cmpi slt, %reduce_sum3A_406, %lt3A_413 : i32
    %jit3A_415 = arith.constant 1 : i32
    %jit3A_416 = arith.constant 0 : i32
    %select_n3A_417 = arith.select %lt3A_414, %jit3A_415, %jit3A_416 : i32
    %add3A_418 = arith.addi %add3A_394, %select_n3A_417 : i32
    %iota3A_419 = tpu.iota {dimensions = array<i32: 0>} : vector<16xi32>
    %scan3A_420 = arith.constant 100000 : i32
    %scan3A_421 = arith.constant 0 : i32
    %scan3A_422 = arith.constant 94 : i32
    %scan3A_423 = arith.addi %scan3A_421, %scan3A_422 : i32
    %scan3A_424 = arith.constant 1 : i32
    %scan3A_425 = scf.for %scan3A_485 = %scan3A_421 to %scan3A_423 step %scan3A_424 iter_args(%scan3A_486 = %scan3A_257#6) -> (vector<16xi32>)  : i32 {
      %mul3A_487 = arith.constant 4 : i32
      %mul3A_488 = arith.muli %scan3A_485, %mul3A_487 : i32
      %add3A_489 = arith.constant 0 : i32
      %add3A_490 = arith.addi %mul3A_488, %add3A_489 : i32
      %mul3A_491 = arith.constant 16 : i32
      %mul3A_492 = arith.muli %add3A_490, %mul3A_491 : i32
      %get3A = arith.constant 6 : i32
      %get3A_493 = arith.index_cast %get3A : i32 to index
      %get3A_494 = arith.index_cast %mul3A_492 : i32 to index
      %get3A_495 = tpu.vector_load %arg7[%get3A_493, %get3A_494] {strides = array<i32>} : memref<8x6272xf32, #tpu.memory_space<vmem>>, vector<16xf32>,
      %add3A_496 = arith.addi %multiple_of3A_260, %mul3A_492 : i32
      %add3A_497 = vector.broadcast %add3A_496 : i32 to vector<16xi32>
      %add3A_498 = arith.addi %add3A_497, %iota3A_419 : vector<16xi32>
      %gt3A = arith.cmpf ogt, %get3A_495, %gather3A_207 : vector<16xf32>
      %lt3A_499 = vector.broadcast %scan3A_420 : i32 to vector<16xi32>
      %lt3A_500 = arith.cmpi slt, %add3A_498, %lt3A_499 : vector<16xi32>
      %and3A = arith.andi %gt3A, %lt3A_500 : vector<16xi1>
      %eq3A_501 = arith.cmpf oeq, %get3A_495, %gather3A_207 : vector<16xf32>
      %lt3A_502 = arith.cmpi slt, %add3A_498, %gather3A_180 : vector<16xi32>
      %and3A_503 = arith.andi %eq3A_501, %lt3A_502 : vector<16xi1>
      %or3A = arith.ori %and3A, %and3A_503 : vector<16xi1>
      %jit3A_504 = arith.constant 1 : i32
      %jit3A_505 = arith.constant 0 : i32
      %broadcast_in_dim3A_506 = vector.broadcast %jit3A_504 : i32 to vector<16xi32>
      %broadcast_in_dim3A_507 = vector.broadcast %jit3A_505 : i32 to vector<16xi32>
      %select_n3A_508 = arith.select %or3A, %broadcast_in_dim3A_506, %broadcast_in_dim3A_507 : vector<16xi1>, vector<16xi32>
      %add3A_509 = arith.addi %scan3A_486, %select_n3A_508 : vector<16xi32>
      %mul3A_510 = arith.constant 4 : i32
      %mul3A_511 = arith.muli %scan3A_485, %mul3A_510 : i32
      %add3A_512 = arith.constant 1 : i32
      %add3A_513 = arith.addi %mul3A_511, %add3A_512 : i32
      %mul3A_514 = arith.constant 16 : i32
      %mul3A_515 = arith.muli %add3A_513, %mul3A_514 : i32
      %get3A_516 = arith.constant 6 : i32
      %get3A_517 = arith.index_cast %get3A_516 : i32 to index
      %get3A_518 = arith.index_cast %mul3A_515 : i32 to index
      %get3A_519 = tpu.vector_load %arg7[%get3A_517, %get3A_518] {strides = array<i32>} : memref<8x6272xf32, #tpu.memory_space<vmem>>, vector<16xf32>,
      %add3A_520 = arith.addi %multiple_of3A_260, %mul3A_515 : i32
      %add3A_521 = vector.broadcast %add3A_520 : i32 to vector<16xi32>
      %add3A_522 = arith.addi %add3A_521, %iota3A_419 : vector<16xi32>
      %gt3A_523 = arith.cmpf ogt, %get3A_519, %gather3A_207 : vector<16xf32>
      %lt3A_524 = vector.broadcast %scan3A_420 : i32 to vector<16xi32>
      %lt3A_525 = arith.cmpi slt, %add3A_522, %lt3A_524 : vector<16xi32>
      %and3A_526 = arith.andi %gt3A_523, %lt3A_525 : vector<16xi1>
      %eq3A_527 = arith.cmpf oeq, %get3A_519, %gather3A_207 : vector<16xf32>
      %lt3A_528 = arith.cmpi slt, %add3A_522, %gather3A_180 : vector<16xi32>
      %and3A_529 = arith.andi %eq3A_527, %lt3A_528 : vector<16xi1>
      %or3A_530 = arith.ori %and3A_526, %and3A_529 : vector<16xi1>
      %jit3A_531 = arith.constant 1 : i32
      %jit3A_532 = arith.constant 0 : i32
      %broadcast_in_dim3A_533 = vector.broadcast %jit3A_531 : i32 to vector<16xi32>
      %broadcast_in_dim3A_534 = vector.broadcast %jit3A_532 : i32 to vector<16xi32>
      %select_n3A_535 = arith.select %or3A_530, %broadcast_in_dim3A_533, %broadcast_in_dim3A_534 : vector<16xi1>, vector<16xi32>
      %add3A_536 = arith.addi %add3A_509, %select_n3A_535 : vector<16xi32>
      %mul3A_537 = arith.constant 4 : i32
      %mul3A_538 = arith.muli %scan3A_485, %mul3A_537 : i32
      %add3A_539 = arith.constant 2 : i32
      %add3A_540 = arith.addi %mul3A_538, %add3A_539 : i32
      %mul3A_541 = arith.constant 16 : i32
      %mul3A_542 = arith.muli %add3A_540, %mul3A_541 : i32
      %get3A_543 = arith.constant 6 : i32
      %get3A_544 = arith.index_cast %get3A_543 : i32 to index
      %get3A_545 = arith.index_cast %mul3A_542 : i32 to index
      %get3A_546 = tpu.vector_load %arg7[%get3A_544, %get3A_545] {strides = array<i32>} : memref<8x6272xf32, #tpu.memory_space<vmem>>, vector<16xf32>,
      %add3A_547 = arith.addi %multiple_of3A_260, %mul3A_542 : i32
      %add3A_548 = vector.broadcast %add3A_547 : i32 to vector<16xi32>
      %add3A_549 = arith.addi %add3A_548, %iota3A_419 : vector<16xi32>
      %gt3A_550 = arith.cmpf ogt, %get3A_546, %gather3A_207 : vector<16xf32>
      %lt3A_551 = vector.broadcast %scan3A_420 : i32 to vector<16xi32>
      %lt3A_552 = arith.cmpi slt, %add3A_549, %lt3A_551 : vector<16xi32>
      %and3A_553 = arith.andi %gt3A_550, %lt3A_552 : vector<16xi1>
      %eq3A_554 = arith.cmpf oeq, %get3A_546, %gather3A_207 : vector<16xf32>
      %lt3A_555 = arith.cmpi slt, %add3A_549, %gather3A_180 : vector<16xi32>
      %and3A_556 = arith.andi %eq3A_554, %lt3A_555 : vector<16xi1>
      %or3A_557 = arith.ori %and3A_553, %and3A_556 : vector<16xi1>
      %jit3A_558 = arith.constant 1 : i32
      %jit3A_559 = arith.constant 0 : i32
      %broadcast_in_dim3A_560 = vector.broadcast %jit3A_558 : i32 to vector<16xi32>
      %broadcast_in_dim3A_561 = vector.broadcast %jit3A_559 : i32 to vector<16xi32>
      %select_n3A_562 = arith.select %or3A_557, %broadcast_in_dim3A_560, %broadcast_in_dim3A_561 : vector<16xi1>, vector<16xi32>
      %add3A_563 = arith.addi %add3A_536, %select_n3A_562 : vector<16xi32>
      %mul3A_564 = arith.constant 4 : i32
      %mul3A_565 = arith.muli %scan3A_485, %mul3A_564 : i32
      %add3A_566 = arith.constant 3 : i32
      %add3A_567 = arith.addi %mul3A_565, %add3A_566 : i32
      %mul3A_568 = arith.constant 16 : i32
      %mul3A_569 = arith.muli %add3A_567, %mul3A_568 : i32
      %get3A_570 = arith.constant 6 : i32
      %get3A_571 = arith.index_cast %get3A_570 : i32 to index
      %get3A_572 = arith.index_cast %mul3A_569 : i32 to index
      %get3A_573 = tpu.vector_load %arg7[%get3A_571, %get3A_572] {strides = array<i32>} : memref<8x6272xf32, #tpu.memory_space<vmem>>, vector<16xf32>,
      %add3A_574 = arith.addi %multiple_of3A_260, %mul3A_569 : i32
      %add3A_575 = vector.broadcast %add3A_574 : i32 to vector<16xi32>
      %add3A_576 = arith.addi %add3A_575, %iota3A_419 : vector<16xi32>
      %gt3A_577 = arith.cmpf ogt, %get3A_573, %gather3A_207 : vector<16xf32>
      %lt3A_578 = vector.broadcast %scan3A_420 : i32 to vector<16xi32>
      %lt3A_579 = arith.cmpi slt, %add3A_576, %lt3A_578 : vector<16xi32>
      %and3A_580 = arith.andi %gt3A_577, %lt3A_579 : vector<16xi1>
      %eq3A_581 = arith.cmpf oeq, %get3A_573, %gather3A_207 : vector<16xf32>
      %lt3A_582 = arith.cmpi slt, %add3A_576, %gather3A_180 : vector<16xi32>
      %and3A_583 = arith.andi %eq3A_581, %lt3A_582 : vector<16xi1>
      %or3A_584 = arith.ori %and3A_580, %and3A_583 : vector<16xi1>
      %jit3A_585 = arith.constant 1 : i32
      %jit3A_586 = arith.constant 0 : i32
      %broadcast_in_dim3A_587 = vector.broadcast %jit3A_585 : i32 to vector<16xi32>
      %broadcast_in_dim3A_588 = vector.broadcast %jit3A_586 : i32 to vector<16xi32>
      %select_n3A_589 = arith.select %or3A_584, %broadcast_in_dim3A_587, %broadcast_in_dim3A_588 : vector<16xi1>, vector<16xi32>
      %add3A_590 = arith.addi %add3A_563, %select_n3A_589 : vector<16xi32>
      scf.yield %add3A_590 : vector<16xi32>
    }
    %scan3A_426 = arith.constant 94 : i32
    %reduce_sum3A_427 = arith.constant true
    %reduce_sum3A_428 = vector.broadcast %reduce_sum3A_427 : i1 to vector<16xi1>
    %reduce_sum3A_429 = tpu.scan <sum>, %scan3A_425 masked %reduce_sum3A_428 : vector<16xi32>, vector<16xi1> -> vector<16xi32>
    %reduce_sum3A_430 = vector.extract %reduce_sum3A_429[15] : i32 from vector<16xi32>
    %lt3A_431 = arith.constant 1 : i32
    %lt3A_432 = arith.cmpi slt, %reduce_sum3A_430, %lt3A_431 : i32
    %jit3A_433 = arith.constant 1 : i32
    %jit3A_434 = arith.constant 0 : i32
    %select_n3A_435 = arith.select %lt3A_432, %jit3A_433, %jit3A_434 : i32
    %add3A_436 = arith.addi %add3A_412, %select_n3A_435 : i32
    %lt3A_437 = arith.constant 5 : i32
    %lt3A_438 = arith.cmpi slt, %reduce_sum3A_430, %lt3A_437 : i32
    %jit3A_439 = arith.constant 1 : i32
    %jit3A_440 = arith.constant 0 : i32
    %select_n3A_441 = arith.select %lt3A_438, %jit3A_439, %jit3A_440 : i32
    %add3A_442 = arith.addi %add3A_418, %select_n3A_441 : i32
    %iota3A_443 = tpu.iota {dimensions = array<i32: 0>} : vector<16xi32>
    %scan3A_444 = arith.constant 100000 : i32
    %scan3A_445 = arith.constant 0 : i32
    %scan3A_446 = arith.constant 94 : i32
    %scan3A_447 = arith.addi %scan3A_445, %scan3A_446 : i32
    %scan3A_448 = arith.constant 1 : i32
    %scan3A_449 = scf.for %scan3A_485 = %scan3A_445 to %scan3A_447 step %scan3A_448 iter_args(%scan3A_486 = %scan3A_257#7) -> (vector<16xi32>)  : i32 {
      %mul3A_487 = arith.constant 4 : i32
      %mul3A_488 = arith.muli %scan3A_485, %mul3A_487 : i32
      %add3A_489 = arith.constant 0 : i32
      %add3A_490 = arith.addi %mul3A_488, %add3A_489 : i32
      %mul3A_491 = arith.constant 16 : i32
      %mul3A_492 = arith.muli %add3A_490, %mul3A_491 : i32
      %get3A = arith.constant 7 : i32
      %get3A_493 = arith.index_cast %get3A : i32 to index
      %get3A_494 = arith.index_cast %mul3A_492 : i32 to index
      %get3A_495 = tpu.vector_load %arg7[%get3A_493, %get3A_494] {strides = array<i32>} : memref<8x6272xf32, #tpu.memory_space<vmem>>, vector<16xf32>,
      %add3A_496 = arith.addi %multiple_of3A_260, %mul3A_492 : i32
      %add3A_497 = vector.broadcast %add3A_496 : i32 to vector<16xi32>
      %add3A_498 = arith.addi %add3A_497, %iota3A_443 : vector<16xi32>
      %gt3A = arith.cmpf ogt, %get3A_495, %gather3A_237 : vector<16xf32>
      %lt3A_499 = vector.broadcast %scan3A_444 : i32 to vector<16xi32>
      %lt3A_500 = arith.cmpi slt, %add3A_498, %lt3A_499 : vector<16xi32>
      %and3A = arith.andi %gt3A, %lt3A_500 : vector<16xi1>
      %eq3A_501 = arith.cmpf oeq, %get3A_495, %gather3A_237 : vector<16xf32>
      %lt3A_502 = arith.cmpi slt, %add3A_498, %gather3A_210 : vector<16xi32>
      %and3A_503 = arith.andi %eq3A_501, %lt3A_502 : vector<16xi1>
      %or3A = arith.ori %and3A, %and3A_503 : vector<16xi1>
      %jit3A_504 = arith.constant 1 : i32
      %jit3A_505 = arith.constant 0 : i32
      %broadcast_in_dim3A_506 = vector.broadcast %jit3A_504 : i32 to vector<16xi32>
      %broadcast_in_dim3A_507 = vector.broadcast %jit3A_505 : i32 to vector<16xi32>
      %select_n3A_508 = arith.select %or3A, %broadcast_in_dim3A_506, %broadcast_in_dim3A_507 : vector<16xi1>, vector<16xi32>
      %add3A_509 = arith.addi %scan3A_486, %select_n3A_508 : vector<16xi32>
      %mul3A_510 = arith.constant 4 : i32
      %mul3A_511 = arith.muli %scan3A_485, %mul3A_510 : i32
      %add3A_512 = arith.constant 1 : i32
      %add3A_513 = arith.addi %mul3A_511, %add3A_512 : i32
      %mul3A_514 = arith.constant 16 : i32
      %mul3A_515 = arith.muli %add3A_513, %mul3A_514 : i32
      %get3A_516 = arith.constant 7 : i32
      %get3A_517 = arith.index_cast %get3A_516 : i32 to index
      %get3A_518 = arith.index_cast %mul3A_515 : i32 to index
      %get3A_519 = tpu.vector_load %arg7[%get3A_517, %get3A_518] {strides = array<i32>} : memref<8x6272xf32, #tpu.memory_space<vmem>>, vector<16xf32>,
      %add3A_520 = arith.addi %multiple_of3A_260, %mul3A_515 : i32
      %add3A_521 = vector.broadcast %add3A_520 : i32 to vector<16xi32>
      %add3A_522 = arith.addi %add3A_521, %iota3A_443 : vector<16xi32>
      %gt3A_523 = arith.cmpf ogt, %get3A_519, %gather3A_237 : vector<16xf32>
      %lt3A_524 = vector.broadcast %scan3A_444 : i32 to vector<16xi32>
      %lt3A_525 = arith.cmpi slt, %add3A_522, %lt3A_524 : vector<16xi32>
      %and3A_526 = arith.andi %gt3A_523, %lt3A_525 : vector<16xi1>
      %eq3A_527 = arith.cmpf oeq, %get3A_519, %gather3A_237 : vector<16xf32>
      %lt3A_528 = arith.cmpi slt, %add3A_522, %gather3A_210 : vector<16xi32>
      %and3A_529 = arith.andi %eq3A_527, %lt3A_528 : vector<16xi1>
      %or3A_530 = arith.ori %and3A_526, %and3A_529 : vector<16xi1>
      %jit3A_531 = arith.constant 1 : i32
      %jit3A_532 = arith.constant 0 : i32
      %broadcast_in_dim3A_533 = vector.broadcast %jit3A_531 : i32 to vector<16xi32>
      %broadcast_in_dim3A_534 = vector.broadcast %jit3A_532 : i32 to vector<16xi32>
      %select_n3A_535 = arith.select %or3A_530, %broadcast_in_dim3A_533, %broadcast_in_dim3A_534 : vector<16xi1>, vector<16xi32>
      %add3A_536 = arith.addi %add3A_509, %select_n3A_535 : vector<16xi32>
      %mul3A_537 = arith.constant 4 : i32
      %mul3A_538 = arith.muli %scan3A_485, %mul3A_537 : i32
      %add3A_539 = arith.constant 2 : i32
      %add3A_540 = arith.addi %mul3A_538, %add3A_539 : i32
      %mul3A_541 = arith.constant 16 : i32
      %mul3A_542 = arith.muli %add3A_540, %mul3A_541 : i32
      %get3A_543 = arith.constant 7 : i32
      %get3A_544 = arith.index_cast %get3A_543 : i32 to index
      %get3A_545 = arith.index_cast %mul3A_542 : i32 to index
      %get3A_546 = tpu.vector_load %arg7[%get3A_544, %get3A_545] {strides = array<i32>} : memref<8x6272xf32, #tpu.memory_space<vmem>>, vector<16xf32>,
      %add3A_547 = arith.addi %multiple_of3A_260, %mul3A_542 : i32
      %add3A_548 = vector.broadcast %add3A_547 : i32 to vector<16xi32>
      %add3A_549 = arith.addi %add3A_548, %iota3A_443 : vector<16xi32>
      %gt3A_550 = arith.cmpf ogt, %get3A_546, %gather3A_237 : vector<16xf32>
      %lt3A_551 = vector.broadcast %scan3A_444 : i32 to vector<16xi32>
      %lt3A_552 = arith.cmpi slt, %add3A_549, %lt3A_551 : vector<16xi32>
      %and3A_553 = arith.andi %gt3A_550, %lt3A_552 : vector<16xi1>
      %eq3A_554 = arith.cmpf oeq, %get3A_546, %gather3A_237 : vector<16xf32>
      %lt3A_555 = arith.cmpi slt, %add3A_549, %gather3A_210 : vector<16xi32>
      %and3A_556 = arith.andi %eq3A_554, %lt3A_555 : vector<16xi1>
      %or3A_557 = arith.ori %and3A_553, %and3A_556 : vector<16xi1>
      %jit3A_558 = arith.constant 1 : i32
      %jit3A_559 = arith.constant 0 : i32
      %broadcast_in_dim3A_560 = vector.broadcast %jit3A_558 : i32 to vector<16xi32>
      %broadcast_in_dim3A_561 = vector.broadcast %jit3A_559 : i32 to vector<16xi32>
      %select_n3A_562 = arith.select %or3A_557, %broadcast_in_dim3A_560, %broadcast_in_dim3A_561 : vector<16xi1>, vector<16xi32>
      %add3A_563 = arith.addi %add3A_536, %select_n3A_562 : vector<16xi32>
      %mul3A_564 = arith.constant 4 : i32
      %mul3A_565 = arith.muli %scan3A_485, %mul3A_564 : i32
      %add3A_566 = arith.constant 3 : i32
      %add3A_567 = arith.addi %mul3A_565, %add3A_566 : i32
      %mul3A_568 = arith.constant 16 : i32
      %mul3A_569 = arith.muli %add3A_567, %mul3A_568 : i32
      %get3A_570 = arith.constant 7 : i32
      %get3A_571 = arith.index_cast %get3A_570 : i32 to index
      %get3A_572 = arith.index_cast %mul3A_569 : i32 to index
      %get3A_573 = tpu.vector_load %arg7[%get3A_571, %get3A_572] {strides = array<i32>} : memref<8x6272xf32, #tpu.memory_space<vmem>>, vector<16xf32>,
      %add3A_574 = arith.addi %multiple_of3A_260, %mul3A_569 : i32
      %add3A_575 = vector.broadcast %add3A_574 : i32 to vector<16xi32>
      %add3A_576 = arith.addi %add3A_575, %iota3A_443 : vector<16xi32>
      %gt3A_577 = arith.cmpf ogt, %get3A_573, %gather3A_237 : vector<16xf32>
      %lt3A_578 = vector.broadcast %scan3A_444 : i32 to vector<16xi32>
      %lt3A_579 = arith.cmpi slt, %add3A_576, %lt3A_578 : vector<16xi32>
      %and3A_580 = arith.andi %gt3A_577, %lt3A_579 : vector<16xi1>
      %eq3A_581 = arith.cmpf oeq, %get3A_573, %gather3A_237 : vector<16xf32>
      %lt3A_582 = arith.cmpi slt, %add3A_576, %gather3A_210 : vector<16xi32>
      %and3A_583 = arith.andi %eq3A_581, %lt3A_582 : vector<16xi1>
      %or3A_584 = arith.ori %and3A_580, %and3A_583 : vector<16xi1>
      %jit3A_585 = arith.constant 1 : i32
      %jit3A_586 = arith.constant 0 : i32
      %broadcast_in_dim3A_587 = vector.broadcast %jit3A_585 : i32 to vector<16xi32>
      %broadcast_in_dim3A_588 = vector.broadcast %jit3A_586 : i32 to vector<16xi32>
      %select_n3A_589 = arith.select %or3A_584, %broadcast_in_dim3A_587, %broadcast_in_dim3A_588 : vector<16xi1>, vector<16xi32>
      %add3A_590 = arith.addi %add3A_563, %select_n3A_589 : vector<16xi32>
      scf.yield %add3A_590 : vector<16xi32>
    }
    %scan3A_450 = arith.constant 94 : i32
    %reduce_sum3A_451 = arith.constant true
    %reduce_sum3A_452 = vector.broadcast %reduce_sum3A_451 : i1 to vector<16xi1>
    %reduce_sum3A_453 = tpu.scan <sum>, %scan3A_449 masked %reduce_sum3A_452 : vector<16xi32>, vector<16xi1> -> vector<16xi32>
    %reduce_sum3A_454 = vector.extract %reduce_sum3A_453[15] : i32 from vector<16xi32>
    %lt3A_455 = arith.constant 1 : i32
    %lt3A_456 = arith.cmpi slt, %reduce_sum3A_454, %lt3A_455 : i32
    %jit3A_457 = arith.constant 1 : i32
    %jit3A_458 = arith.constant 0 : i32
    %select_n3A_459 = arith.select %lt3A_456, %jit3A_457, %jit3A_458 : i32
    %add3A_460 = arith.addi %add3A_436, %select_n3A_459 : i32
    %lt3A_461 = arith.constant 5 : i32
    %lt3A_462 = arith.cmpi slt, %reduce_sum3A_454, %lt3A_461 : i32
    %jit3A_463 = arith.constant 1 : i32
    %jit3A_464 = arith.constant 0 : i32
    %select_n3A_465 = arith.select %lt3A_462, %jit3A_463, %jit3A_464 : i32
    %add3A_466 = arith.addi %add3A_442, %select_n3A_465 : i32
    %eq3A = arith.constant 0 : i32
    %eq3A_467 = vector.broadcast %eq3A : i32 to vector<16xi32>
    %eq3A_468 = arith.cmpi eq, %iota3A, %eq3A_467 : vector<16xi32>
    %convert_element_type3A = arith.sitofp %add3A_460 : i32 to f32
    %jit3A_469 = arith.constant 0.000000e+00 : f32
    %broadcast_in_dim3A_470 = vector.broadcast %convert_element_type3A : f32 to vector<16xf32>
    %broadcast_in_dim3A_471 = vector.broadcast %jit3A_469 : f32 to vector<16xf32>
    %select_n3A_472 = arith.select %eq3A_468, %broadcast_in_dim3A_470, %broadcast_in_dim3A_471 : vector<16xi1>, vector<16xf32>
    %eq3A_473 = arith.constant 1 : i32
    %eq3A_474 = vector.broadcast %eq3A_473 : i32 to vector<16xi32>
    %eq3A_475 = arith.cmpi eq, %iota3A, %eq3A_474 : vector<16xi32>
    %convert_element_type3A_476 = arith.sitofp %add3A_466 : i32 to f32
    %jit3A_477 = arith.constant 0.000000e+00 : f32
    %broadcast_in_dim3A_478 = vector.broadcast %convert_element_type3A_476 : f32 to vector<16xf32>
    %broadcast_in_dim3A_479 = vector.broadcast %jit3A_477 : f32 to vector<16xf32>
    %select_n3A_480 = arith.select %eq3A_475, %broadcast_in_dim3A_478, %broadcast_in_dim3A_479 : vector<16xi1>, vector<16xf32>
    %add3A_481 = arith.addf %select_n3A_472, %select_n3A_480 : vector<16xf32>
    %swap3A = arith.constant 0 : index
    %swap3A_482 = tpu.vector_load %arg8[%swap3A] {strides = array<i32>} : memref<16xf32, #tpu.memory_space<vmem>>, vector<16xf32>,
    tpu.vector_store %arg8[%swap3A], %add3A_481 {strides = array<i32>} : memref<16xf32, #tpu.memory_space<vmem>>, vector<16xf32>,
    %mul3A_483 = arith.constant 16 : i32
    %mul3A_484 = arith.muli %add3A, %mul3A_483 : i32
    "tpu.region"() ({
      %run_scoped3A = tpu.sem_alloc : memref<!tpu.dma_semaphore, #tpu.memory_space<semaphore_mem>>
      %dma_start3A_485 = tpu.memref_slice %arg4[%mul3A_484] : memref<512xf32, #tpu.memory_space<hbm>> -> memref<16xf32, #tpu.memory_space<hbm>>
      %dma_start3A_486 = tpu.memref_slice %arg4[%mul3A_484] : memref<512xf32, #tpu.memory_space<hbm>> -> memref<16xf32, #tpu.memory_space<hbm>>
      tpu.enqueue_dma source(%arg8 : memref<16xf32, #tpu.memory_space<vmem>>) target(%dma_start3A_486 : memref<16xf32, #tpu.memory_space<hbm>>) target_semaphore(%run_scoped3A : memref<!tpu.dma_semaphore, #tpu.memory_space<semaphore_mem>>)
      %dma_wait3A_487 = tpu.memref_slice %arg4[%mul3A_484] : memref<512xf32, #tpu.memory_space<hbm>> -> memref<16xf32, #tpu.memory_space<hbm>>
      %dma_wait3A_488 = tpu.memref_slice %arg4[%mul3A_484] : memref<512xf32, #tpu.memory_space<hbm>> -> memref<16xf32, #tpu.memory_space<hbm>>
      tpu.wait_dma2 semaphore(%run_scoped3A : memref<!tpu.dma_semaphore, #tpu.memory_space<semaphore_mem>>) src(%arg8 : memref<16xf32, #tpu.memory_space<vmem>>) dst(%dma_wait3A_488 : memref<16xf32, #tpu.memory_space<hbm>>)
      tpu.yield
    }) : () -> ()
    return
  }
}

module attributes {stable_mosaic.version = 14 : i64} {
  func.func @_tc_body(%arg0: i32, %arg1: memref<16x100000xf32, #tpu.memory_space<vmem>>, %arg2: memref<16x1xi32, #tpu.memory_space<vmem>>, %arg3: memref<1x2xf32, #tpu.memory_space<vmem>>) attributes {dimension_semantics = [#tpu.dimension_semantics<arbitrary>], iteration_bounds = array<i64: 48>, scalar_prefetch = 0 : i64, scratch_operands = 0 : i64, tpu.core_type = #tpu.core_type<tc>, window_params = [{transform_indices = @transform_0, window_bounds = array<i64: 16, 100000>}, {transform_indices = @transform_1, window_bounds = array<i64: 16, 1>}, {pipeline_mode = #tpu.pipeline_mode<synchronous>, transform_indices = @transform_2, window_bounds = array<i64: 1, 2>}]} {
    %get3A = arith.constant 0 : index
    %get3A_0 = arith.constant 0 : index
    %get3A_1 = vector.load %arg1[%get3A, %get3A_0] : memref<16x100000xf32, #tpu.memory_space<vmem>>, vector<16x100000xf32>
    %get3A_2 = arith.constant 0 : index
    %get3A_3 = arith.constant 0 : index
    %get3A_4 = vector.load %arg2[%get3A_2, %get3A_3] : memref<16x1xi32, #tpu.memory_space<vmem>>, vector<16x1xi32>
    %iota3A = tpu.iota {dimensions = array<i32: 1>} : vector<16x100000xi32>
    %eq3A = vector.broadcast %get3A_4 : vector<16x1xi32> to vector<16x100000xi32>
    %eq3A_5 = arith.cmpi eq, %iota3A, %eq3A : vector<16x100000xi32>
    %jit3A = arith.constant 0xFF800000 : f32
    %broadcast_in_dim3A = vector.broadcast %jit3A : f32 to vector<16x100000xf32>
    %select_n3A = arith.select %eq3A_5, %get3A_1, %broadcast_in_dim3A : vector<16x100000xi1>, vector<16x100000xf32>
    %reduce_max3A = arith.constant dense<0xFF800000> : vector<16xf32>
    %reduce_max3A_6 = vector.multi_reduction <maximumf>, %select_n3A, %reduce_max3A [1] : vector<16x100000xf32> to vector<16xf32>
    %broadcast_in_dim3A_7 = vector.shape_cast %reduce_max3A_6 : vector<16xf32> to vector<16x1xf32>
    %gt3A = vector.broadcast %broadcast_in_dim3A_7 : vector<16x1xf32> to vector<16x100000xf32>
    %gt3A_8 = arith.cmpf ogt, %get3A_1, %gt3A : vector<16x100000xf32>
    %eq3A_9 = vector.broadcast %broadcast_in_dim3A_7 : vector<16x1xf32> to vector<16x100000xf32>
    %eq3A_10 = arith.cmpf oeq, %get3A_1, %eq3A_9 : vector<16x100000xf32>
    %lt3A = vector.broadcast %get3A_4 : vector<16x1xi32> to vector<16x100000xi32>
    %lt3A_11 = arith.cmpi slt, %iota3A, %lt3A : vector<16x100000xi32>
    %and3A = arith.andi %eq3A_10, %lt3A_11 : vector<16x100000xi1>
    %or3A = arith.ori %gt3A_8, %and3A : vector<16x100000xi1>
    %convert_element_type3A = arith.extui %or3A : vector<16x100000xi1> to vector<16x100000xi32>
    %convert_element_type3A_12 = arith.sitofp %convert_element_type3A : vector<16x100000xi32> to vector<16x100000xf32>
    %reduce_sum3A = arith.constant dense<0.000000e+00> : vector<16xf32>
    %reduce_sum3A_13 = vector.multi_reduction <add>, %convert_element_type3A_12, %reduce_sum3A [1] : vector<16x100000xf32> to vector<16xf32>
    %broadcast_in_dim3A_14 = vector.shape_cast %reduce_sum3A_13 : vector<16xf32> to vector<16x1xf32>
    %lt3A_15 = arith.constant 5.000000e-01 : f32
    %lt3A_16 = vector.broadcast %lt3A_15 : f32 to vector<16x1xf32>
    %lt3A_17 = arith.cmpf olt, %broadcast_in_dim3A_14, %lt3A_16 : vector<16x1xf32>
    %convert_element_type3A_18 = arith.extui %lt3A_17 : vector<16x1xi1> to vector<16x1xi32>
    %convert_element_type3A_19 = arith.sitofp %convert_element_type3A_18 : vector<16x1xi32> to vector<16x1xf32>
    %reduce_sum3A_20 = vector.shape_cast %convert_element_type3A_19 : vector<16x1xf32> to vector<1x16x1xf32>
    %reduce_sum3A_21 = arith.constant dense<0.000000e+00> : vector<1xf32>
    %reduce_sum3A_22 = vector.multi_reduction <add>, %reduce_sum3A_20, %reduce_sum3A_21 [1, 2] : vector<1x16x1xf32> to vector<1xf32>
    %reduce_sum3A_23 = vector.shape_cast %reduce_sum3A_22 : vector<1xf32> to vector<1x1x1xf32>
    %reduce_sum3A_24 = vector.extract %reduce_sum3A_23[0, 0, 0] : f32 from vector<1x1x1xf32>
    %lt3A_25 = arith.constant 4.500000e+00 : f32
    %lt3A_26 = vector.broadcast %lt3A_25 : f32 to vector<16x1xf32>
    %lt3A_27 = arith.cmpf olt, %broadcast_in_dim3A_14, %lt3A_26 : vector<16x1xf32>
    %convert_element_type3A_28 = arith.extui %lt3A_27 : vector<16x1xi1> to vector<16x1xi32>
    %convert_element_type3A_29 = arith.sitofp %convert_element_type3A_28 : vector<16x1xi32> to vector<16x1xf32>
    %reduce_sum3A_30 = vector.shape_cast %convert_element_type3A_29 : vector<16x1xf32> to vector<1x16x1xf32>
    %reduce_sum3A_31 = arith.constant dense<0.000000e+00> : vector<1xf32>
    %reduce_sum3A_32 = vector.multi_reduction <add>, %reduce_sum3A_30, %reduce_sum3A_31 [1, 2] : vector<1x16x1xf32> to vector<1xf32>
    %reduce_sum3A_33 = vector.shape_cast %reduce_sum3A_32 : vector<1xf32> to vector<1x1x1xf32>
    %reduce_sum3A_34 = vector.extract %reduce_sum3A_33[0, 0, 0] : f32 from vector<1x1x1xf32>
    %reshape3A = vector.broadcast %reduce_sum3A_24 : f32 to vector<1x1xf32>
    %reshape3A_35 = vector.broadcast %reduce_sum3A_34 : f32 to vector<1x1xf32>
    %concatenate3A = tpu.concatenate %reshape3A, %reshape3A_35 in 1 : vector<1x1xf32>, vector<1x1xf32> -> vector<1x2xf32>
    %eq3A_36 = arith.constant 0 : i32
    %eq3A_37 = arith.cmpi eq, %arg0, %eq3A_36 : i32
    %convert_element_type3A_38 = arith.extui %eq3A_37 : i1 to i32
    %cond3A = arith.constant 0 : i32
    %cond3A_39 = arith.cmpi ne, %convert_element_type3A_38, %cond3A : i32
    scf.if %cond3A_39 {
      %swap3A = arith.constant 0 : index
      %swap3A_45 = arith.constant 0 : index
      %swap3A_46 = vector.load %arg3[%swap3A, %swap3A_45] : memref<1x2xf32, #tpu.memory_space<vmem>>, vector<1x2xf32>
      tpu.vector_store %arg3[%swap3A, %swap3A_45], %concatenate3A {strides = array<i32>} : memref<1x2xf32, #tpu.memory_space<vmem>>, vector<1x2xf32>,
    } else {
    }
    %gt3A_40 = arith.constant 0 : i32
    %gt3A_41 = arith.cmpi sgt, %arg0, %gt3A_40 : i32
    %convert_element_type3A_42 = arith.extui %gt3A_41 : i1 to i32
    %cond3A_43 = arith.constant 0 : i32
    %cond3A_44 = arith.cmpi ne, %convert_element_type3A_42, %cond3A_43 : i32
    scf.if %cond3A_44 {
      %get3A_45 = arith.constant 0 : index
      %get3A_46 = arith.constant 0 : index
      %get3A_47 = vector.load %arg3[%get3A_45, %get3A_46] : memref<1x2xf32, #tpu.memory_space<vmem>>, vector<1x2xf32>
      %add3A = arith.addf %get3A_47, %concatenate3A : vector<1x2xf32>
      %swap3A = arith.constant 0 : index
      %swap3A_48 = arith.constant 0 : index
      %swap3A_49 = vector.load %arg3[%swap3A, %swap3A_48] : memref<1x2xf32, #tpu.memory_space<vmem>>, vector<1x2xf32>
      tpu.vector_store %arg3[%swap3A, %swap3A_48], %add3A {strides = array<i32>} : memref<1x2xf32, #tpu.memory_space<vmem>>, vector<1x2xf32>,
    } else {
    }
    return
  }
  func.func @transform_0(%arg0: i32) -> (i32, i32) {
    %c0_i32 = arith.constant 0 : i32
    %c0_i32_0 = arith.constant 0 : i32
    return %arg0, %c0_i32 : i32, i32
  }
  func.func @transform_1(%arg0: i32) -> (i32, i32) {
    %c0_i32 = arith.constant 0 : i32
    %c0_i32_0 = arith.constant 0 : i32
    return %arg0, %c0_i32 : i32, i32
  }
  func.func @transform_2(%arg0: i32) -> (i32, i32) {
    %c0_i32 = arith.constant 0 : i32
    %c0_i32_0 = arith.constant 0 : i32
    %c0_i32_1 = arith.constant 0 : i32
    return %c0_i32, %c0_i32_0 : i32, i32
  }
}

</mosaic_0001>

<sc_bundles>
// kernel: kernel.4.cloned.1.call-start
scs
__scs_entry_jumppad:
0x0: {  	(pc) =	sbr.rel $0x88, $3  }
0x1: {  	(tag) =	ssettag $0x0;
	lr =	simm.s32 $0x1  }
0x2: {  	[smem:$0x3F9F] =	sst lr;
	_ =	strace $0xD0000000  }
0x3: {  	_ = 	snop  }
0x4: {  	_ = 	snop  }
0x5: {  	_ = 	snop  }
0x6: {  	_ = 	snop  }
0x7: {  	_ = 	snop  }
__scs_overlays_trampoline_lowered:
0x8: {  	[smem:$0x3FAE] =	sst s0  }
0x9: {  	[smem:$0x3FAF] =	sst s1  }
0xa: {  	[smem:$0x3FB0] =	sst s2  }
0xb: {  	[smem:$0x3FB1] =	sst s3  }
0xc: {  	[smem:$0x3FB2] =	sst s4  }
0xd: {  	[smem:$0x3FB3] =	sst s5  }
0xe: {  	[smem:$0x3FB4] =	sst s6  }
0xf: {  	[smem:$0x3FB5] =	sst s7  }
0x10: {  	[smem:$0x3FB6] =	sst s8  }
0x11: {  	[smem:$0x3FB7] =	sst s9;
	s0 =	simm.s32 @!p0 $0x0  }
0x12: {  	s1 =	sld [smem:$0x3F9D];
	s0 =	simm.s32 @p0 $0x1  }
0x13: {  	[smem:$0x3FB8] =	sst s0;
	s0 =	simm.s32 @!p1 $0x0  }
0x14: {  	s2 =	sld [smem:$0x3F9C];
	s0 =	simm.s32 @p1 $0x1  }
0x15: {  	[smem:$0x3FB9] =	sst s0;
	s0 =	simm.s32 @!p2 $0x0  }
0x16: {  	s3 =	sld [smem:$0x3FDB];
	s0 =	simm.s32 @p2 $0x1  }
0x17: {  	s4 =	simm.s32 $0x1BF5;
	[smem:$0x3FBB] =	sst s0  }
0x18: {  	s0 =	sld [smem:$0x3F9E];
	_ =	swait.ge [sflag:s4], $0x0  }
0x19: {  	s7 =	sld [smem:$0x3F9F]  }
0x1a: {  	s8 =	sadd.s32 $0xFFFFE003, lr  }
0x1b: {  	s9 =	sadd.s32 $0xFFFFFEF7, lr;
	s5 =	simm.s32 $0xFFFFFFFF;
	p2 =	slt.u32 s8, $0xFFFFF086  }
0x1c: {  	p1 =	slt.u32 s9, $0xF7A;
	s5 =	simm.s32 @!p2 $0x0  }
0x1d: {  	s5 =	simm.s32 @p1 $0x1;
	p0 =	seq.s32 s7, s2  }
0x1e: {  	s7 =	smul.u32 @!p0 $0xF7A, s2;
	p2 =	seq.s32 @!p0 s5, $0x0  }
0x1f: {  	s9 =	smul.u32 $0xF7A, s1;
	s8 =	simm.s32 @!p0 $0x1BF5;
	p2 =	por !p2, p0  }
0x20: {  	[sflag:s8] =	ssyncset.s32 @!p0 $0xFFFFF086;
	s6 =	sadd.s32 @!p0 s3, s7;
	s7 =	simm.s32 @!p0 $0x108  }
0x21: {  	s3 =	sadd.s32 s3, s9;
	s6 =	sadd.s32 @!p0 $0x88, s6;
	s7 =	simm.s32 @p2 $0x1082  }
0x22: {  	[simem:s7], [sflag:s8] =	dma.local @!p0 [hbm:s6], $0xF7A  }
0x23: {  	s9 =	sor.u32 $0xD0000000, s2;
	s6 =	simm.s32 $0x108;
	_ =	swait.ge @!p0 [sflag:s8], $0x0  }
0x24: {  	s3 =	sadd.s32 $0x88, s3;
	s6 =	simm.s32 @!p1 $0x1082;
	[sflag:s4] =	ssyncset.s32 $0xFFFFF086  }
0x25: {  	[simem:s6], [sflag:s4] =	dma.local [hbm:s3], $0xF7A  }
0x26: {  	[smem:$0x3F9F] =	sst s1;
	(tag) =	ssettag s2;
	_ =	strace s9  }
0x27: {  	s1 =	sld [smem:$0x3FAF]  }
0x28: {  	s2 =	sld [smem:$0x3FB0]  }
0x29: {  	s4 =	sld [smem:$0x3FB2]  }
0x2a: {  	p0 =	seq.s32 s5, $0x0;
	s5 =	sld [smem:$0x3FB3]  }
0x2b: {  	s6 =	sld [smem:$0x3FB4]  }
0x2c: {  	s7 =	sld [smem:$0x3FB5]  }
0x2d: {  	s3 =	simm.s32 $0x108;
	s8 =	sld [smem:$0x3FB6]  }
0x2e: {  	s3 =	simm.s32 @!p0 $0x1082;
	s9 =	sld [smem:$0x3FB7]  }
0x2f: {  	lr =	sadd.s32 s0, s3;
	s0 =	sld [smem:$0x3FAE]  }
0x30: {  	s3 =	sld [smem:$0x3FB1]  }
0x31: {  	[smem:$0x3FBA] =	sst s10  }
0x32: {  	s10 =	sld [smem:$0x3FB8];
	_ =	sdelay $0x3  }
0x33: {  	p0 =	seq.s32 s10, $0x1;
	s10 =	sld [smem:$0x3FBA];
	_ =	sdelay $0x3  }
0x34: {  	[smem:$0x3FBA] =	sst s10  }
0x35: {  	s10 =	sld [smem:$0x3FB9];
	_ =	sdelay $0x3  }
0x36: {  	p1 =	seq.s32 s10, $0x1;
	s10 =	sld [smem:$0x3FBA];
	_ =	sdelay $0x3  }
0x37: {  	[smem:$0x3FBA] =	sst s10  }
0x38: {  	s10 =	sld [smem:$0x3FBB]  }
0x39: {  	_ = 	snop;
	(pc) =	sbr.ind lr, $3  }
0x3a: {  	_ = 	snop  }
0x3b: {  	_ = 	snop  }
0x3c: {  	p2 =	seq.s32 s10, $0x1;
	s10 =	sld [smem:$0x3FBA]  }
0x3d: {  	_ =	shalt  }
0x3e: {  	_ =	shalt  }
0x3f: {  	_ =	shalt  }
0x40: {  	_ =	shalt  }
0x41: {  	_ =	shalt  }
0x42: {  	_ =	shalt  }
0x43: {  	_ =	shalt  }
0x44: {  	_ =	shalt  }
0x45: {  	_ =	shalt  }
0x46: {  	_ =	shalt  }
0x47: {  	_ =	shalt  }
0x48: {  	_ =	shalt  }
0x49: {  	_ =	shalt  }
0x4a: {  	_ =	shalt  }
0x4b: {  	_ =	shalt  }
0x4c: {  	_ =	shalt  }
0x4d: {  	_ =	shalt  }
0x4e: {  	_ =	shalt  }
0x4f: {  	_ =	shalt  }
0x50: {  	_ =	shalt  }
0x51: {  	_ =	shalt  }
0x52: {  	_ =	shalt  }
0x53: {  	_ =	shalt  }
0x54: {  	_ =	shalt  }
0x55: {  	_ =	shalt  }
0x56: {  	_ =	shalt  }
0x57: {  	_ =	shalt  }
0x58: {  	_ =	shalt  }
0x59: {  	_ =	shalt  }
0x5a: {  	_ =	shalt  }
0x5b: {  	_ =	shalt  }
0x5c: {  	_ =	shalt  }
0x5d: {  	_ =	shalt  }
0x5e: {  	_ =	shalt  }
0x5f: {  	_ =	shalt  }
0x60: {  	_ =	shalt  }
0x61: {  	_ =	shalt  }
0x62: {  	_ =	shalt  }
0x63: {  	_ =	shalt  }
0x64: {  	_ =	shalt  }
0x65: {  	_ =	shalt  }
0x66: {  	_ =	shalt  }
0x67: {  	_ =	shalt  }
0x68: {  	_ =	shalt  }
0x69: {  	_ =	shalt  }
0x6a: {  	_ =	shalt  }
0x6b: {  	_ =	shalt  }
0x6c: {  	_ =	shalt  }
0x6d: {  	_ =	shalt  }
0x6e: {  	_ =	shalt  }
0x6f: {  	_ =	shalt  }
0x70: {  	_ =	shalt  }
0x71: {  	_ =	shalt  }
0x72: {  	_ =	shalt  }
0x73: {  	_ =	shalt  }
0x74: {  	_ =	shalt  }
0x75: {  	_ =	shalt  }
0x76: {  	_ =	shalt  }
0x77: {  	_ =	shalt  }
0x78: {  	_ =	shalt  }
0x79: {  	_ =	shalt  }
0x7a: {  	_ =	shalt  }
0x7b: {  	_ =	shalt  }
0x7c: {  	_ =	shalt  }
0x7d: {  	_ =	shalt  }
0x7e: {  	_ =	shalt  }
0x7f: {  	_ =	shalt  }
0x80: {  	_ =	shalt  }
0x81: {  	_ =	shalt  }
0x82: {  	_ =	shalt  }
0x83: {  	_ =	shalt  }
0x84: {  	_ =	shalt  }
0x85: {  	_ =	shalt  }
0x86: {  	_ =	shalt  }
0x87: {  	_ =	shalt  }
.Lfunc_end0:
.L_simem_size_0:
called_computation_lowered:
.L_overlay_start_0:
0x88: {  	s2 =	sld [smem:$0x3FD9]  }
0x89: {  	s3 =	sld [smem:$0x3FFE];
	_ =	sdelay $0x1  }
0x8a: {  	s1 =	srdreg.scid  }
0x8b: {  	s0 =	sand.u32 $0x1, s1  }
0x8c: {  	s17 =	sshll.u32 s0, $0xA;
	s2 =	sadd.s32 s3, s2  }
0x8d: {  	s2 =	sadd.s32 s2, s17  }
0x8e: {  	[smem:$0x3FC6] =	sst s2  }
0x8f: {  	_ = 	snop  }
0x90: {  	s2 =	sld [smem:$0x3FC8];
	(tm) =	ssettm $0x1  }
0x91: {  	s18 =	sld [smem:$0x3FFB];
	_ =	sdelay $0x3  }
0x92: {  	_ =	strace s18  }
0x93: {  	s3 =	sld [smem:$0x3FFC];
	_ =	sdelay $0x3  }
0x94: {  	_ =	strace s3  }
0x95: {  	s3 =	sld [smem:$0x3FFD];
	_ =	sdelay $0x3  }
0x96: {  	_ =	strace s3  }
0x97: {  	_ =	strace $0x8FFFFFFF  }
0x98: {  	s19 =	sld [smem:$0x3FDB];
	_ =	sdelay $0x1  }
0x99: {  	s4 =	simm.s32 $_scs_section_size  }
0x9a: {  	s5 =	simm.s32 $_size__tile_overlayer_lowered;
	s6 =	simm.s32 $_tile_overlayer_lowered  }
0x9b: {  	s22 =	simm.s32 $0x1BFF;
	s21 =	sshll.u32 s6, $0x1;
	s3 =	sadd.s32 s4, s19  }
0x9c: {  	s7 =	simm.s32 $0x0;
	s20 =	sshll.u32 s5, $0x1;
	s5 =	sadd.s32 s21, s3  }
0x9d: {  	[timem:s7], [sflag:s22] =	dma.local [hbm:s5], s20  }
0x9e: {  	_ =	swait.ge [sflag:s22], s20  }
0x9f: {  	s4 =	ssub.s32 $0x0, s20;
	[sflag:s22] =	ssyncset.done $0x0  }
0xa0: {  	[sflag:s22] =	ssyncadd.s32 s4;
	_ =	sdelay $0x1  }
0xa1: {  	s23 =	simm.s32 $0x1B8B  }
0xa2: {  	_ =	swait.ge [sflag:s23], $0x1  }
0xa3: {  	[sflag:s23] =	ssyncset.done $0x0  }
0xa4: {  	s25 =	simm.s32 $0x1B8E;
	s24 =	sld [smem:$0x3FFE];
	[sflag:s23] =	ssyncadd.s32 $0xFFFFFFFF  }
0xa5: {  	s26 =	simm.s32 $execute0_lowered;
	[smem:$0x3FD2] =	sst s25  }
0xa6: {  	s5 =	sshll.u32 s26, $0x1;
	_ =	strace $0x80000046;
	[dreg:$0x1] =	wrdreg $0xFFFFFFFF  }
0xa7: {  	s28 =	simm.s32 $_size_execute0_lowered;
	s3 =	sadd.s32 s3, s5;
	[dreg:$0x0] =	wrdreg $0x0  }
0xa8: {  	s5 =	sshll.u32 s28, $0x1;
	[dreg:$0x2] =	wrdreg s3  }
0xa9: {  	[dreg:$0x3] =	wrdreg s5  }
0xaa: {  	[dreg:$0x4] =	wrdreg $0xC0  }
0xab: {  	_ =	task [dreg:s7], $0x5FFFF  }
0xac: {  	[dreg:$0x1] =	wrdreg $0xFFFFFFFF  }
0xad: {  	[dreg:$0x0] =	wrdreg $0x60  }
0xae: {  	[dreg:$0x2] =	wrdreg s24  }
0xaf: {  	[dreg:$0x3] =	wrdreg s2  }
0xb0: {  	[dreg:$0x4] =	wrdreg $0x9  }
0xb1: {  	_ =	task.clear_ibuf [dreg:s7], $0x5FFFF;
	_ =	strace $0x90000046  }
0xb2: {  	s29 =	simm.s32 $0x9;
	_ =	strace $0x80000048  }
0xb3: {  	_ =	swait.ge [sflag:s29], $0x1  }
0xb4: {  	[sflag:s29] =	ssyncadd.s32 $0xFFFFFFFF  }
0xb5: {  	_ =	strace $0x90000048  }
0xb6: {  	_ =	sfence  }
0xb7: {  	s30 =	sld [smem:$0x0];
	_ =	sdelay $0x2  }
0xb8: {  	s31 =	sshll.u32 s1, $0xD;
	s1 =	sshrl.u32 s1, $0x2  }
0xb9: {  	s3 =	sand.u32 $0x4000, s31;
	s1 =	sadd.s32 s1, s30  }
0xba: {  	s0 =	sor.u32 s3, s0;
	s1 =	sshll.u32 s1, $0x11  }
0xbb: {  	s0 =	sor.u32 s1, s0  }
0xbc: {  	s0 =	sadd.s32 $0x8F2B, s0  }
0xbd: {  	[sflag:s0] =	ssyncadd.remote.s32 $0x1  }
0xbe: {  	_ =	sfence.sel $0xFFFF  }
0xbf: {  	[dreg:$0x0] =	wrdreg $0xFFFFFFFF;
	(pc) =	sbr.abs _section_cstart, $3  }
0xc0: {  	[dreg:$0x1] =	wrdreg $0xFFFFFFFF  }
0xc1: {  	_ =	task.clear_ibuf [dreg:s7], $0x2FFFF;
	_ =	strace $0x9FFFFFFF  }
0xc2: {  	(tm) =	ssettm $0x7FFFFFFF  }
0xc3: {  	_ =	shalt  }
tec
execute0_lowered:
.L_overlay_start_1:
0x0: {  	(tag) =	ssettag $0x1  }
0x1: {  	s1 =	srdreg.scid;
	s2 =	rddreg [dreg:$0x0]  }
0x2: {  	s0 =	stileid.u32;
	s5 =	rddreg [dreg:$0x1];
	s10 =	simm.s32 $0x80  }
0x3: {  	s11 =	simm.s32 $0x1;
	s1 =	sand.u32 $0x1, s1;
	s3 =	sshll.u32 s0, $0x1  }
0x4: {  	s12 =	simm.s32 $0x480;
	s14 =	simm.s32 $0x0;
	s6 =	sor.u32 s1, s3  }
0x5: {  	s3 =	simm.s32 $0x0;
	s1 =	ssub.s32 $0x2, s1;
	s7 =	sor.u32 $0x60, s6  }
0x6: {  	[smem:$0x7FF] =	sst s3;
	s6 =	sshll.u32 s6, $0x1;
	s4 =	smul.u32 $0xC3800, s7  }
0x7: {  	s29 =	sshrl.u32 s1, $0x1;
	_ =	strace $0x80000047;
	s8 =	sadd.s32 s6, s2  }
0x8: {  	v0 =	vimm.s32 $0x1;
	v1 =	vimm.s32 $0x2;
	v2 =	vimm.s32 $0x3;
	s1 =	ssub.s32 s1, s29;
	s30 =	sadd.s32 s5, s7;
	s9 =	sshrl.u32 s4, $0x3  }
0x9: {  	v3 =	vimm.s32 $0x4;
	v4 =	vimm.s32 $0x5;
	v5 =	vimm.s32 $0x6;
	[dreg:$0x3] =	wrdreg s30;
	s7 =	sadd.s32 $0xC38000, s8;
	s31 =	sadd.s32 s2, s9  }
0xa: {  	v6 =	vimm.s32 $0x7;
	v7 =	vlaneseq.u32;
	v8 =	vimm.s32 $0x0;
	s8 =	smax.u32 s1, $0x1;
	s9 =	simm.s32 $0x2;
	s6 =	sadd.s32 $0x16F80, s31  }
.LBB2_1:
0xb: {  	s0 =	rddreg [dreg:$0x3]  }
0xc: {  	[tilespmem:s3], [sflag:$0x2] =	stream.linear.gather [hbm4b:s0+s3], $0x8, $0x38;
	[tilespmem:$0xC900] =	vst v63  }
0xd: {  	_ =	swait.ge [sflag:s9], $0x8  }
0xe: {  	[sflag:s9] =	ssyncset.done $0x0  }
0xf: {  	[sflag:s9] =	ssyncadd.s32 $0xFFFFFFF8  }
0x10: {  	v29 =	vld.msk [tilespmem:s3+$0x0], $0xffff;
	_ =	sdelay $0x4  }
0x11: {  	v9 =	vxor.u32 $0x80000000, v29  }
0x12: {  	(xrf0) =	vmax.scan.msk.u32 $0xffff, v9;
	_ =	sdelay $0x5  }
0x13: {  	v9, _, _ =	vpop (xrf0)  }
0x14: {  	(v2sf) =	vpush v9, $0xF;
	_ =	sdelay $0xe  }
0x15: {  	s1 =	spop (v2sf)  }
0x16: {  	s1 =	sshll.u32 s1, $0x3  }
0x17: {  	s1 =	sand.u32 $0xFFFFFC00, s1  }
0x18: {  	s1 =	sadd.s32 s4, s1  }
0x19: {  	s1 =	sshrl.u32 s1, $0x3  }
0x1a: {  	s1 =	sadd.s32 s2, s1  }
0x1b: {  	[tilespmem:s10], [sflag:$0x1] =	stream.linear.gather [hbm4b:s1+s3], $0x400, $0x38;
	[tilespmem:$0xC900] =	vst v63  }
0x1c: {  	_ =	swait.ge [sflag:s11], $0x400  }
0x1d: {  	[sflag:s11] =	ssyncset.done $0x0  }
0x1e: {  	[sflag:s11] =	ssyncadd.s32 $0xFFFFFC00  }
0x1f: {  	v26 =	vld.idx.msk [tilespmem:v0+s3+$0x0], $0xffff;
	_ =	sdelay $0x4  }
0x20: {  	v9 =	vxor.u32 $0x80000000, v26  }
0x21: {  	(xrf0) =	vmax.scan.msk.u32 $0xffff, v9;
	_ =	sdelay $0x5  }
0x22: {  	v9, _, _ =	vpop (xrf0)  }
0x23: {  	(v2sf) =	vpush v9, $0xF;
	_ =	sdelay $0xe  }
0x24: {  	s24 =	spop (v2sf)  }
0x25: {  	v9 =	vand.u32 $0x7F, v29;
	s1 =	sshll.u32 s24, $0x3  }
0x26: {  	s1 =	sand.u32 $0xFFFFFC00, s1  }
0x27: {  	s1 =	sadd.s32 s4, s1  }
0x28: {  	s1 =	sshrl.u32 s1, $0x3  }
0x29: {  	s1 =	sadd.s32 s2, s1  }
0x2a: {  	v30 =	vld.idx.msk [tilespmem:v9+s10+$0x0], $0xffff;
	[tilespmem:s10], [sflag:$0x1] =	stream.linear.gather [hbm4b:s1+s3], $0x400, $0x38  }
0x2b: {  	_ =	swait.ge [sflag:s11], $0x400  }
0x2c: {  	[sflag:s11] =	ssyncset.done $0x0  }
0x2d: {  	[sflag:s11] =	ssyncadd.s32 $0xFFFFFC00  }
0x2e: {  	v23 =	vld.idx.msk [tilespmem:v1+s3+$0x0], $0xffff;
	_ =	sdelay $0x4  }
0x2f: {  	v9 =	vxor.u32 $0x80000000, v23  }
0x30: {  	(xrf0) =	vmax.scan.msk.u32 $0xffff, v9;
	_ =	sdelay $0x5  }
0x31: {  	v9, _, _ =	vpop (xrf0)  }
0x32: {  	(v2sf) =	vpush v9, $0xF;
	_ =	sdelay $0xe  }
0x33: {  	v9 =	vand.u32 $0x7F, v26;
	s25 =	spop (v2sf)  }
0x34: {  	v9 =	vor.u32 $0x80, v9;
	s1 =	sshll.u32 s25, $0x3  }
0x35: {  	s1 =	sand.u32 $0xFFFFFC00, s1  }
0x36: {  	s1 =	sadd.s32 s4, s1  }
0x37: {  	s1 =	sshrl.u32 s1, $0x3  }
0x38: {  	s1 =	sadd.s32 s2, s1  }
0x39: {  	v27 =	vld.idx.msk [tilespmem:v9+s10+$0x0], $0xffff;
	[tilespmem:s10], [sflag:$0x1] =	stream.linear.gather [hbm4b:s1+s3], $0x400, $0x38  }
0x3a: {  	_ =	swait.ge [sflag:s11], $0x400  }
0x3b: {  	[sflag:s11] =	ssyncset.done $0x0  }
0x3c: {  	[sflag:s11] =	ssyncadd.s32 $0xFFFFFC00  }
0x3d: {  	v20 =	vld.idx.msk [tilespmem:v2+s3+$0x0], $0xffff;
	_ =	sdelay $0x4  }
0x3e: {  	v9 =	vxor.u32 $0x80000000, v20  }
0x3f: {  	(xrf0) =	vmax.scan.msk.u32 $0xffff, v9;
	_ =	sdelay $0x5  }
0x40: {  	v9, _, _ =	vpop (xrf0)  }
0x41: {  	(v2sf) =	vpush v9, $0xF;
	_ =	sdelay $0xe  }
0x42: {  	v9 =	vand.u32 $0x7F, v23;
	s26 =	spop (v2sf)  }
0x43: {  	v9 =	vor.u32 $0x100, v9;
	s1 =	sshll.u32 s26, $0x3  }
0x44: {  	s1 =	sand.u32 $0xFFFFFC00, s1  }
0x45: {  	s1 =	sadd.s32 s4, s1  }
0x46: {  	s1 =	sshrl.u32 s1, $0x3  }
0x47: {  	s1 =	sadd.s32 s2, s1  }
0x48: {  	v24 =	vld.idx.msk [tilespmem:v9+s10+$0x0], $0xffff;
	[tilespmem:s10], [sflag:$0x1] =	stream.linear.gather [hbm4b:s1+s3], $0x400, $0x38  }
0x49: {  	_ =	swait.ge [sflag:s11], $0x400  }
0x4a: {  	[sflag:s11] =	ssyncset.done $0x0  }
0x4b: {  	[sflag:s11] =	ssyncadd.s32 $0xFFFFFC00  }
0x4c: {  	v17 =	vld.idx.msk [tilespmem:v3+s3+$0x0], $0xffff;
	_ =	sdelay $0x4  }
0x4d: {  	v9 =	vxor.u32 $0x80000000, v17  }
0x4e: {  	(xrf0) =	vmax.scan.msk.u32 $0xffff, v9;
	_ =	sdelay $0x5  }
0x4f: {  	v9, _, _ =	vpop (xrf0)  }
0x50: {  	(v2sf) =	vpush v9, $0xF;
	_ =	sdelay $0xe  }
0x51: {  	v9 =	vand.u32 $0x7F, v20;
	s28 =	spop (v2sf)  }
0x52: {  	v9 =	vor.u32 $0x180, v9;
	s1 =	sshll.u32 s28, $0x3  }
0x53: {  	s1 =	sand.u32 $0xFFFFFC00, s1  }
0x54: {  	s1 =	sadd.s32 s4, s1  }
0x55: {  	s1 =	sshrl.u32 s1, $0x3  }
0x56: {  	s1 =	sadd.s32 s2, s1  }
0x57: {  	v21 =	vld.idx.msk [tilespmem:v9+s10+$0x0], $0xffff;
	[tilespmem:s10], [sflag:$0x1] =	stream.linear.gather [hbm4b:s1+s3], $0x400, $0x38  }
0x58: {  	_ =	swait.ge [sflag:s11], $0x400  }
0x59: {  	[sflag:s11] =	ssyncset.done $0x0  }
0x5a: {  	[sflag:s11] =	ssyncadd.s32 $0xFFFFFC00  }
0x5b: {  	v15 =	vld.idx.msk [tilespmem:v4+s3+$0x0], $0xffff;
	_ =	sdelay $0x4  }
0x5c: {  	v9 =	vxor.u32 $0x80000000, v15  }
0x5d: {  	(xrf0) =	vmax.scan.msk.u32 $0xffff, v9;
	_ =	sdelay $0x5  }
0x5e: {  	v9, _, _ =	vpop (xrf0)  }
0x5f: {  	(v2sf) =	vpush v9, $0xF;
	_ =	sdelay $0xe  }
0x60: {  	v9 =	vand.u32 $0x7F, v17;
	s29 =	spop (v2sf)  }
0x61: {  	v9 =	vor.u32 $0x200, v9;
	s1 =	sshll.u32 s29, $0x3  }
0x62: {  	s1 =	sand.u32 $0xFFFFFC00, s1  }
0x63: {  	s1 =	sadd.s32 s4, s1  }
0x64: {  	s1 =	sshrl.u32 s1, $0x3  }
0x65: {  	s1 =	sadd.s32 s2, s1  }
0x66: {  	v18 =	vld.idx.msk [tilespmem:v9+s10+$0x0], $0xffff;
	[tilespmem:s10], [sflag:$0x1] =	stream.linear.gather [hbm4b:s1+s3], $0x400, $0x38  }
0x67: {  	_ =	swait.ge [sflag:s11], $0x400  }
0x68: {  	[sflag:s11] =	ssyncset.done $0x0  }
0x69: {  	[sflag:s11] =	ssyncadd.s32 $0xFFFFFC00  }
0x6a: {  	v12 =	vld.idx.msk [tilespmem:v5+s3+$0x0], $0xffff;
	_ =	sdelay $0x4  }
0x6b: {  	v9 =	vxor.u32 $0x80000000, v12  }
0x6c: {  	(xrf0) =	vmax.scan.msk.u32 $0xffff, v9;
	_ =	sdelay $0x5  }
0x6d: {  	v9, _, _ =	vpop (xrf0)  }
0x6e: {  	(v2sf) =	vpush v9, $0xF;
	_ =	sdelay $0xe  }
0x6f: {  	v9 =	vand.u32 $0x7F, v15;
	s30 =	spop (v2sf)  }
0x70: {  	v9 =	vor.u32 $0x280, v9;
	s1 =	sshll.u32 s30, $0x3  }
0x71: {  	s1 =	sand.u32 $0xFFFFFC00, s1  }
0x72: {  	s1 =	sadd.s32 s4, s1  }
0x73: {  	s1 =	sshrl.u32 s1, $0x3  }
0x74: {  	s1 =	sadd.s32 s2, s1  }
0x75: {  	v16 =	vld.idx.msk [tilespmem:v9+s10+$0x0], $0xffff;
	[tilespmem:s10], [sflag:$0x1] =	stream.linear.gather [hbm4b:s1+s3], $0x400, $0x38  }
0x76: {  	_ =	swait.ge [sflag:s11], $0x400  }
0x77: {  	[sflag:s11] =	ssyncset.done $0x0  }
0x78: {  	[sflag:s11] =	ssyncadd.s32 $0xFFFFFC00  }
0x79: {  	v9 =	vld.idx.msk [tilespmem:v6+s3+$0x0], $0xffff;
	_ =	sdelay $0x4  }
0x7a: {  	v10 =	vxor.u32 $0x80000000, v9  }
0x7b: {  	(xrf0) =	vmax.scan.msk.u32 $0xffff, v10;
	_ =	sdelay $0x5  }
0x7c: {  	v10, _, _ =	vpop (xrf0)  }
0x7d: {  	(v2sf) =	vpush v10, $0xF;
	_ =	sdelay $0xd  }
0x7e: {  	v10 =	vand.u32 $0x7F, v12  }
0x7f: {  	v10 =	vor.u32 $0x300, v10;
	s31 =	spop (v2sf)  }
0x80: {  	s1 =	sshll.u32 s31, $0x3  }
0x81: {  	s1 =	sand.u32 $0xFFFFFC00, s1  }
0x82: {  	s1 =	sadd.s32 s4, s1  }
0x83: {  	v11 =	vand.u32 $0x7F, v9;
	s1 =	sshrl.u32 s1, $0x3  }
0x84: {  	v13 =	vld.idx.msk [tilespmem:v10+s10+$0x0], $0xffff;
	v10 =	vor.u32 $0x380, v11;
	s1 =	sadd.s32 s2, s1  }
0x85: {  	[tilespmem:s10], [sflag:$0x1] =	stream.linear.gather [hbm4b:s1+s3], $0x400, $0x38;
	[tilespmem:$0xC900] =	vst v63  }
0x86: {  	_ =	swait.ge [sflag:s11], $0x400  }
0x87: {  	v14 =	vimm.s32 $0x0;
	v19 =	vimm.s32 $0x0;
	[sflag:s11] =	ssyncset.done $0x0  }
0x88: {  	v22 =	vimm.s32 $0x0;
	v25 =	vimm.s32 $0x0;
	v28 =	vimm.s32 $0x0;
	[sflag:s11] =	ssyncadd.s32 $0xFFFFFC00  }
0x89: {  	s15 =	simm.s32 $0x0;
	v31 =	vimm.s32 $0x0;
	v32 =	vimm.s32 $0x0;
	s16 =	simm.s32 $0x0;
	v11 =	vimm.s32 $0x0;
	v10 =	vld.idx.msk [tilespmem:v10+s10+$0x0], $0xffff  }
.LBB2_2:
0x8a: {  	s1 =	smul.u32 $0xC400, s16;
	_ =	sdelay $0x1  }
0x8b: {  	s1 =	sadd.s32 s4, s1  }
0x8c: {  	s17 =	simm.s32 $0x0;
	s1 =	sshrl.u32 s1, $0x3  }
0x8d: {  	s5 =	simm.s32 $0x30;
	s18 =	simm.s32 $0x20;
	s1 =	sadd.s32 s2, s1  }
0x8e: {  	[tilespmem:s12], [sflag:$0x1] =	stream.linear.gather [hbm4b:s1+s17], $0xC400, $0x38;
	[tilespmem:$0xC900] =	vst v63  }
0x8f: {  	s19 =	simm.s32 $0x10;
	s17 =	sand.u32 $0xFC00, s17;
	_ =	swait.ge [sflag:s11], $0xC400  }
0x90: {  	s1 =	sand.u32 $0x70, s5;
	s17 =	sadd.s32 $0x480, s17;
	[sflag:s11] =	ssyncset.done $0x0  }
0x91: {  	s18 =	sand.u32 $0x60, s18;
	s23 =	sor.u32 s1, s17;
	[sflag:s11] =	ssyncadd.s32 $0xFFFF3C00  }
0x92: {  	s13 =	simm.s32 $0x0;
	s19 =	sand.u32 $0x50, s19;
	s22 =	sor.u32 s18, s17;
	v37 =	vld [tilespmem:s23+$0x0]  }
0x93: {  	s1 =	sand.u32 $0x40, s13;
	s21 =	sor.u32 s19, s17;
	v38 =	vld [tilespmem:s22+$0x0]  }
0x94: {  	s18 =	sor.u32 s1, s17;
	s17 =	sadd.s32 $0x30, s15;
	v39 =	vld [tilespmem:s21+$0x0]  }
0x95: {  	v40 =	vld [tilespmem:s18+$0x0];
	v33 =	vor.u32 s17, v7  }
0x96: {  	s19 =	sadd.s32 $0xFFFFFFD0, s17;
	s20 =	sadd.s32 $0xFFFFFFE0, s17;
	s1 =	sadd.s32 $0xFFFFFFF0, s17;
	vm4 =	vlt.s32 v33, v29  }
0x97: {  	v34 =	vor.u32 s19, v7;
	v35 =	vor.u32 s20, v7;
	v36 =	vor.u32 s1, v7  }
0x98: {  	vm5 =	vlt.s32 v34, v29;
	vm6 =	vlt.s32 v35, v29;
	vm7 =	vlt.s32 v36, v29  }
0x99: {  	s25 =	simm.s32 $0x200;
	s26 =	simm.s32 $0x60;
	vm3 =	vgt.f32 v38, v30;
	vm2 =	vgt.f32 v37, v30;
	vm8 =	veq.f32 v37, v30  }
0x9a: {  	s30 =	simm.s32 $0x40;
	s24 =	sand.u32 $0xFC00, s25;
	s17 =	simm.s32 $0x70;
	vm9 =	veq.f32 v40, v30;
	vm10 =	vgt.f32 v39, v30;
	vm11 =	veq.f32 v38, v30  }
0x9b: {  	s28 =	simm.s32 $0x70;
	s29 =	sadd.s32 $0x480, s24;
	s19 =	sand.u32 $0x70, s17;
	vm12 =	vgt.f32 v40, v30;
	vm15 =	veq.f32 v39, v30;
	vm5 =	vmand vm5, vm9  }
0x9c: {  	s24 =	sand.u32 $0x60, s26;
	s20 =	simm.s32 $0x50;
	s26 =	sor.u32 s19, s29;
	vm6 =	vmand vm6, vm15;
	vm4 =	vmand vm4, vm8;
	vm5 =	vmor vm12, vm5  }
0x9d: {  	s1 =	sor.u32 s24, s29;
	s31 =	sand.u32 $0x50, s20;
	v37 =	vld [tilespmem:s26+$0x0];
	s26 =	simm.s32 $0xB0;
	vm6 =	vmor vm10, vm6;
	v38 =	vsel vm5, $0x1, v8;
	vm5 =	vmand vm7, vm11  }
.LBB2_3:
0x9e: {  	p0 =	sne.s32 s26, $0x1870;
	s30 =	sand.u32 $0x40, s30;
	s31 =	sor.u32 s31, s29;
	v39 =	vld [tilespmem:s1+$0x0];
	v32 =	vadd.s32 v38, v32;
	v38 =	vsel vm6, $0x1, v8;
	vm3 =	vmor vm3, vm5  }
0x9f: {  	vm2 =	vmor vm2, vm4;
	s1 =	sor.u32 s30, s29;
	s29 =	sadd.s32 s28, s15;
	v40 =	vld [tilespmem:s31+$0x0];
	v32 =	vadd.s32 v38, v32;
	v38 =	vsel vm3, $0x1, v8;
	s28 =	smov.u32 s26  }
0xa0: {  	v41 =	vld [tilespmem:s1+$0x0];
	v42 =	vor.u32 s29, v7;
	v32 =	vadd.s32 v38, v32;
	v38 =	vsel vm2, $0x1, v8  }
0xa1: {  	s1 =	sadd.s32 $0xFFFFFFD0, s29;
	s30 =	sadd.s32 $0xFFFFFFE0, s29;
	s29 =	sadd.s32 $0xFFFFFFF0, s29;
	vm4 =	vlt.s32 v42, v29;
	v32 =	vadd.s32 v38, v32  }
0xa2: {  	v38 =	vor.u32 s1, v7;
	v42 =	vor.u32 s30, v7;
	v43 =	vor.u32 s29, v7  }
0xa3: {  	vm6 =	vlt.s32 v38, v29;
	vm7 =	vlt.s32 v42, v29;
	vm5 =	vlt.s32 v43, v29  }
.Ltmp0:
0xa4: {  	s25 =	sadd.s32 $0x200, s25;
	vm2 =	vgt.f32 v37, v30;
	vm8 =	veq.f32 v37, v30;
	vm3 =	vgt.f32 v39, v30;
	(pc) =	sbr.rel @p0 .LBB2_3-.Ltmp0, $4  }
0xa5: {  	s31 =	sand.u32 $0x70, s26;
	s1 =	sand.u32 $0xFC00, s25;
	vm11 =	veq.f32 v39, v30;
	vm10 =	vgt.f32 v40, v30;
	vm9 =	veq.f32 v41, v30  }
0xa6: {  	s0 =	sadd.s32 $0xFFFFFFF0, s26;
	s29 =	sadd.s32 $0x480, s1;
	s1 =	sadd.s32 $0xFFFFFFE0, s26;
	vm12 =	vgt.f32 v41, v30;
	vm6 =	vmand vm6, vm9;
	vm9 =	veq.f32 v40, v30  }
0xa7: {  	s0 =	sand.u32 $0x60, s0;
	s30 =	sadd.s32 $0xFFFFFFD0, s26;
	s13 =	sor.u32 s31, s29;
	vm4 =	vmand vm4, vm8;
	vm6 =	vmor vm12, vm6;
	vm7 =	vmand vm7, vm9  }
0xa8: {  	s26 =	sadd.s32 $0x40, s26;
	s31 =	sand.u32 $0x50, s1;
	s1 =	sor.u32 s0, s29;
	vm5 =	vmand vm5, vm11;
	v37 =	vld [tilespmem:s13+$0x0];
	v38 =	vsel vm6, $0x1, v8;
	vm6 =	vmor vm10, vm7  }
0xa9: {  	v39 =	vld [tilespmem:s1+$0x0];
	v32 =	vadd.s32 v38, v32;
	v51 =	vsel vm6, $0x1, v8;
	vm3 =	vmor vm3, vm5  }
0xaa: {  	s0 =	sand.u32 $0x40, s30;
	s13 =	sor.u32 s31, s29;
	s28 =	sadd.s32 s28, s15;
	vm2 =	vmor vm2, vm4;
	v56 =	vld [tilespmem:s23+$0x80];
	v32 =	vadd.s32 v51, v32;
	v52 =	vsel vm3, $0x1, v8  }
0xab: {  	v60 =	vld [tilespmem:s21+$0x80];
	s0 =	sor.u32 s0, s29;
	v42 =	vor.u32 s28, v7;
	v53 =	vsel vm2, $0x1, v8;
	s29 =	sadd.s32 $0xFFFFFFD0, s28;
	s30 =	sadd.s32 $0xFFFFFFE0, s28;
	v32 =	vadd.s32 v52, v32  }
0xac: {  	v40 =	vld [tilespmem:s13+$0x0];
	s1 =	sadd.s32 $0xFFFFFFF0, s28;
	vm2 =	vlt.s32 v42, v29;
	v54 =	vor.u32 s29, v7;
	v55 =	vor.u32 s30, v7  }
0xad: {  	v41 =	vld [tilespmem:s0+$0x0];
	v43 =	vor.u32 s1, v7;
	v32 =	vadd.s32 v53, v32;
	vm3 =	vlt.s32 v54, v29  }
0xae: {  	vm4 =	vlt.s32 v55, v29;
	vm5 =	vlt.s32 v43, v29;
	vm7 =	vgt.f32 v37, v30  }
0xaf: {  	v62 =	vld [tilespmem:s18+$0x80];
	vm8 =	veq.f32 v37, v30;
	vm6 =	vgt.f32 v39, v30;
	vm11 =	veq.f32 v39, v30  }
0xb0: {  	vm2 =	vmand vm2, vm8;
	vm8 =	veq.f32 v56, v27;
	vm15 =	veq.f32 v60, v27  }
0xb1: {  	vm10 =	vgt.f32 v40, v30;
	vm14 =	veq.f32 v40, v30;
	vm2 =	vmor vm7, vm2  }
0xb2: {  	v58 =	vld [tilespmem:s22+$0x80];
	vm7 =	vlt.s32 v36, v26;
	vm9 =	veq.f32 v41, v30;
	vm12 =	vgt.f32 v41, v30  }
0xb3: {  	vm4 =	vmand vm4, vm14;
	v63 =	vsel vm2, $0x1, v8;
	vm3 =	vmand vm3, vm9  }
0xb4: {  	vm2 =	vgt.f32 v56, v27;
	vm9 =	veq.f32 v62, v27;
	vm3 =	vmor vm12, vm3  }
0xb5: {  	vm12 =	vgt.f32 v62, v27;
	v57 =	vsel vm3, $0x1, v8;
	vm3 =	vmor vm10, vm4  }
0xb6: {  	vm4 =	vmand vm5, vm11;
	vm5 =	vlt.s32 v34, v26;
	vm10 =	vgt.f32 v60, v27  }
0xb7: {  	vm11 =	veq.f32 v58, v27;
	v32 =	vadd.s32 v57, v32;
	v59 =	vsel vm3, $0x1, v8  }
0xb8: {  	s18 =	simm.s32 $0x200;
	vm3 =	vmor vm6, vm4;
	vm4 =	vlt.s32 v33, v26;
	vm6 =	vlt.s32 v35, v26  }
0xb9: {  	s31 =	sand.u32 $0xFC00, s18;
	vm5 =	vmand vm5, vm9;
	v32 =	vadd.s32 v59, v32;
	v61 =	vsel vm3, $0x1, v8  }
0xba: {  	s21 =	sadd.s32 $0x480, s31;
	vm3 =	vgt.f32 v58, v27;
	vm5 =	vmor vm12, vm5;
	vm6 =	vmand vm6, vm15  }
0xbb: {  	s22 =	simm.s32 $0x40;
	s0 =	sor.u32 s19, s21;
	vm4 =	vmand vm4, vm8;
	v32 =	vadd.s32 v61, v32;
	v34 =	vsel vm5, $0x1, v8  }
0xbc: {  	s1 =	sand.u32 $0x50, s20;
	s20 =	sor.u32 s24, s21;
	s19 =	simm.s32 $0xB0;
	v33 =	vld [tilespmem:s0+$0x80];
	vm6 =	vmor vm10, vm6;
	vm5 =	vmand vm7, vm11;
	v32 =	vadd.s32 v63, v32  }
.LBB2_5:
0xbd: {  	p0 =	sne.s32 s19, $0x1870;
	s0 =	sand.u32 $0x40, s22;
	s1 =	sor.u32 s1, s21;
	v35 =	vld [tilespmem:s20+$0x80];
	v31 =	vadd.s32 v34, v31;
	v34 =	vsel vm6, $0x1, v8;
	vm3 =	vmor vm3, vm5  }
0xbe: {  	s13 =	sadd.s32 s17, s15;
	vm2 =	vmor vm2, vm4;
	s17 =	smov.u32 s19;
	s0 =	sor.u32 s0, s21;
	v36 =	vld [tilespmem:s1+$0x80];
	v31 =	vadd.s32 v34, v31;
	v34 =	vsel vm3, $0x1, v8  }
0xbf: {  	v38 =	vor.u32 s13, v7;
	v37 =	vld [tilespmem:s0+$0x80];
	v31 =	vadd.s32 v34, v31;
	v34 =	vsel vm2, $0x1, v8  }
0xc0: {  	s1 =	sadd.s32 $0xFFFFFFE0, s13;
	s0 =	sadd.s32 $0xFFFFFFD0, s13;
	s13 =	sadd.s32 $0xFFFFFFF0, s13;
	vm4 =	vlt.s32 v38, v26;
	v31 =	vadd.s32 v34, v31  }
0xc1: {  	v38 =	vor.u32 s1, v7;
	v34 =	vor.u32 s0, v7;
	v39 =	vor.u32 s13, v7  }
0xc2: {  	vm7 =	vlt.s32 v38, v26;
	vm6 =	vlt.s32 v34, v26;
	vm5 =	vlt.s32 v39, v26  }
.Ltmp1:
0xc3: {  	s18 =	sadd.s32 $0x200, s18;
	vm2 =	vgt.f32 v33, v27;
	vm8 =	veq.f32 v33, v27;
	vm3 =	vgt.f32 v35, v27;
	(pc) =	sbr.rel @p0 .LBB2_5-.Ltmp1, $4  }
0xc4: {  	s1 =	sand.u32 $0x70, s19;
	s0 =	sand.u32 $0xFC00, s18;
	vm11 =	veq.f32 v35, v27;
	vm10 =	vgt.f32 v36, v27;
	vm9 =	veq.f32 v37, v27  }
0xc5: {  	s13 =	sadd.s32 $0xFFFFFFF0, s19;
	s21 =	sadd.s32 $0x480, s0;
	s0 =	sadd.s32 $0xFFFFFFE0, s19;
	vm12 =	vgt.f32 v37, v27;
	vm6 =	vmand vm6, vm9;
	vm9 =	veq.f32 v36, v27  }
0xc6: {  	s22 =	sadd.s32 $0xFFFFFFD0, s19;
	s13 =	sand.u32 $0x60, s13;
	s23 =	sor.u32 s1, s21;
	vm4 =	vmand vm4, vm8;
	vm6 =	vmor vm12, vm6;
	vm7 =	vmand vm7, vm9  }
0xc7: {  	s19 =	sadd.s32 $0x40, s19;
	s1 =	sand.u32 $0x50, s0;
	s20 =	sor.u32 s13, s21;
	vm5 =	vmand vm5, vm11;
	v33 =	vld [tilespmem:s23+$0x80];
	v34 =	vsel vm6, $0x1, v8;
	vm6 =	vmor vm10, vm7  }
0xc8: {  	v31 =	vadd.s32 v34, v31  }
0xc9: {  	s0 =	sand.u32 $0x40, s22;
	v52 =	vsel vm6, $0x1, v8;
	vm3 =	vmor vm3, vm5;
	s13 =	sadd.s32 s17, s15;
	vm2 =	vmor vm2, vm4  }
0xca: {  	s1 =	sor.u32 s1, s21;
	v35 =	vld [tilespmem:s20+$0x80];
	s23 =	simm.s32 $0x0;
	s0 =	sor.u32 s0, s21;
	v31 =	vadd.s32 v52, v31;
	v53 =	vsel vm3, $0x1, v8;
	v38 =	vor.u32 s13, v7  }
0xcb: {  	v36 =	vld [tilespmem:s1+$0x80];
	v54 =	vsel vm2, $0x1, v8;
	s21 =	sadd.s32 $0xFFFFFFD0, s13;
	s22 =	sadd.s32 $0xFFFFFFE0, s13;
	s13 =	sadd.s32 $0xFFFFFFF0, s13;
	v31 =	vadd.s32 v53, v31;
	vm3 =	vlt.s32 v38, v26  }
0xcc: {  	s24 =	simm.s32 $0x30;
	v37 =	vld [tilespmem:s0+$0x80];
	v55 =	vor.u32 s21, v7;
	v56 =	vor.u32 s22, v7;
	v39 =	vor.u32 s13, v7;
	s0 =	sand.u32 $0xFC00, s23  }
0xcd: {  	s25 =	simm.s32 $0x20;
	s1 =	sand.u32 $0x70, s24;
	v31 =	vadd.s32 v54, v31;
	vm4 =	vlt.s32 v55, v26;
	vm5 =	vlt.s32 v56, v26;
	s0 =	sadd.s32 $0x480, s0  }
0xce: {  	s26 =	simm.s32 $0x10;
	s13 =	sand.u32 $0x60, s25;
	vm6 =	vlt.s32 v39, v26;
	vm2 =	vgt.f32 v33, v27;
	vm8 =	veq.f32 v33, v27;
	s18 =	sor.u32 s1, s0  }
0xcf: {  	s17 =	sand.u32 $0x50, s26;
	s19 =	sor.u32 s13, s0;
	s13 =	sadd.s32 $0x30, s15;
	vm7 =	vgt.f32 v35, v27;
	vm11 =	veq.f32 v35, v27;
	vm3 =	vmand vm3, vm8;
	v58 =	vld [tilespmem:s18+$0x100]  }
0xd0: {  	s5 =	simm.s32 $0x0;
	s20 =	sor.u32 s17, s0;
	v60 =	vld [tilespmem:s19+$0x100];
	v33 =	vor.u32 s13, v7;
	s17 =	sadd.s32 $0xFFFFFFD0, s13;
	vm10 =	vgt.f32 v36, v27;
	vm14 =	veq.f32 v36, v27  }
0xd1: {  	s1 =	sand.u32 $0x40, s5;
	v62 =	vld [tilespmem:s20+$0x100];
	s22 =	sadd.s32 $0xFFFFFFE0, s13;
	vm2 =	vmor vm2, vm3;
	v34 =	vor.u32 s17, v7;
	vm9 =	veq.f32 v37, v27  }
0xd2: {  	s21 =	sor.u32 s1, s0;
	s0 =	sadd.s32 $0xFFFFFFF0, s13;
	v35 =	vor.u32 s22, v7;
	vm12 =	vgt.f32 v37, v27;
	vm4 =	vmand vm4, vm9  }
0xd3: {  	v36 =	vor.u32 s0, v7;
	vm5 =	vmand vm5, vm14;
	vm4 =	vmor vm12, vm4  }
0xd4: {  	v40 =	vld [tilespmem:s21+$0x100];
	v63 =	vsel vm2, $0x1, v8;
	v57 =	vsel vm4, $0x1, v8;
	vm4 =	vmor vm10, vm5  }
0xd5: {  	vm5 =	vmand vm6, vm11;
	vm6 =	vlt.s32 v35, v23;
	vm3 =	vgt.f32 v60, v24  }
0xd6: {  	vm2 =	vgt.f32 v58, v24;
	vm8 =	veq.f32 v58, v24;
	vm10 =	vgt.f32 v62, v24  }
0xd7: {  	vm11 =	veq.f32 v60, v24;
	vm15 =	veq.f32 v62, v24;
	v31 =	vadd.s32 v57, v31  }
0xd8: {  	v59 =	vsel vm4, $0x1, v8;
	vm4 =	vmor vm7, vm5;
	vm5 =	vlt.s32 v34, v23  }
0xd9: {  	s30 =	simm.s32 $0x40;
	s25 =	simm.s32 $0x200;
	vm7 =	vlt.s32 v36, v23;
	vm9 =	veq.f32 v40, v24;
	vm12 =	vgt.f32 v40, v24  }
0xda: {  	s28 =	simm.s32 $0x70;
	s23 =	sand.u32 $0xFC00, s25;
	s17 =	simm.s32 $0x70;
	vm6 =	vmand vm6, vm15;
	v31 =	vadd.s32 v59, v31;
	v61 =	vsel vm4, $0x1, v8  }
0xdb: {  	s24 =	simm.s32 $0x60;
	s29 =	sadd.s32 $0x480, s23;
	s22 =	sand.u32 $0x70, s17;
	vm4 =	vlt.s32 v33, v23;
	vm5 =	vmand vm5, vm9;
	vm6 =	vmor vm10, vm6  }
0xdc: {  	s24 =	sand.u32 $0x60, s24;
	s23 =	simm.s32 $0x50;
	s26 =	sor.u32 s22, s29;
	v31 =	vadd.s32 v61, v31;
	vm5 =	vmor vm12, vm5;
	vm4 =	vmand vm4, vm8  }
0xdd: {  	s1 =	sand.u32 $0x50, s23;
	s31 =	sor.u32 s24, s29;
	v37 =	vld [tilespmem:s26+$0x100];
	s26 =	simm.s32 $0xB0;
	v31 =	vadd.s32 v63, v31;
	v38 =	vsel vm5, $0x1, v8;
	vm5 =	vmand vm7, vm11  }
.LBB2_7:
0xde: {  	p0 =	sne.s32 s26, $0x1870;
	s0 =	sand.u32 $0x40, s30;
	s1 =	sor.u32 s1, s29;
	v39 =	vld [tilespmem:s31+$0x100];
	v28 =	vadd.s32 v38, v28;
	v38 =	vsel vm6, $0x1, v8;
	vm3 =	vmor vm3, vm5  }
0xdf: {  	s13 =	sadd.s32 s28, s15;
	vm2 =	vmor vm2, vm4;
	s28 =	smov.u32 s26;
	s0 =	sor.u32 s0, s29;
	v40 =	vld [tilespmem:s1+$0x100];
	v28 =	vadd.s32 v38, v28;
	v38 =	vsel vm3, $0x1, v8  }
0xe0: {  	v42 =	vor.u32 s13, v7;
	v41 =	vld [tilespmem:s0+$0x100];
	v28 =	vadd.s32 v38, v28;
	v38 =	vsel vm2, $0x1, v8  }
0xe1: {  	s1 =	sadd.s32 $0xFFFFFFE0, s13;
	s0 =	sadd.s32 $0xFFFFFFD0, s13;
	s13 =	sadd.s32 $0xFFFFFFF0, s13;
	vm4 =	vlt.s32 v42, v23;
	v28 =	vadd.s32 v38, v28  }
0xe2: {  	v42 =	vor.u32 s1, v7;
	v38 =	vor.u32 s0, v7;
	v43 =	vor.u32 s13, v7  }
0xe3: {  	vm7 =	vlt.s32 v42, v23;
	vm6 =	vlt.s32 v38, v23;
	vm5 =	vlt.s32 v43, v23  }
.Ltmp2:
0xe4: {  	s25 =	sadd.s32 $0x200, s25;
	vm2 =	vgt.f32 v37, v24;
	vm8 =	veq.f32 v37, v24;
	vm3 =	vgt.f32 v39, v24;
	(pc) =	sbr.rel @p0 .LBB2_7-.Ltmp2, $4  }
0xe5: {  	s1 =	sand.u32 $0x70, s26;
	s0 =	sand.u32 $0xFC00, s25;
	vm11 =	veq.f32 v39, v24;
	vm10 =	vgt.f32 v40, v24;
	vm9 =	veq.f32 v41, v24  }
0xe6: {  	s13 =	sadd.s32 $0xFFFFFFF0, s26;
	s29 =	sadd.s32 $0x480, s0;
	s0 =	sadd.s32 $0xFFFFFFE0, s26;
	vm12 =	vgt.f32 v41, v24;
	vm6 =	vmand vm6, vm9;
	vm9 =	veq.f32 v40, v24  }
0xe7: {  	s30 =	sadd.s32 $0xFFFFFFD0, s26;
	s13 =	sand.u32 $0x60, s13;
	s5 =	sor.u32 s1, s29;
	vm4 =	vmand vm4, vm8;
	vm6 =	vmor vm12, vm6;
	vm7 =	vmand vm7, vm9  }
0xe8: {  	s26 =	sadd.s32 $0x40, s26;
	s1 =	sand.u32 $0x50, s0;
	s31 =	sor.u32 s13, s29;
	vm5 =	vmand vm5, vm11;
	v37 =	vld [tilespmem:s5+$0x100];
	v38 =	vsel vm6, $0x1, v8;
	vm6 =	vmor vm10, vm7  }
0xe9: {  	v39 =	vld [tilespmem:s31+$0x100];
	v28 =	vadd.s32 v38, v28;
	v51 =	vsel vm6, $0x1, v8;
	vm3 =	vmor vm3, vm5  }
0xea: {  	s0 =	sand.u32 $0x40, s30;
	s1 =	sor.u32 s1, s29;
	s5 =	sadd.s32 s28, s15;
	vm2 =	vmor vm2, vm4;
	v56 =	vld [tilespmem:s18+$0x180];
	v28 =	vadd.s32 v51, v28;
	v52 =	vsel vm3, $0x1, v8  }
0xeb: {  	v60 =	vld [tilespmem:s20+$0x180];
	s0 =	sor.u32 s0, s29;
	v42 =	vor.u32 s5, v7;
	v53 =	vsel vm2, $0x1, v8;
	s29 =	sadd.s32 $0xFFFFFFD0, s5;
	s30 =	sadd.s32 $0xFFFFFFE0, s5;
	v28 =	vadd.s32 v52, v28  }
0xec: {  	v40 =	vld [tilespmem:s1+$0x100];
	s5 =	sadd.s32 $0xFFFFFFF0, s5;
	vm2 =	vlt.s32 v42, v23;
	v54 =	vor.u32 s29, v7;
	v55 =	vor.u32 s30, v7  }
0xed: {  	v41 =	vld [tilespmem:s0+$0x100];
	v43 =	vor.u32 s5, v7;
	v28 =	vadd.s32 v53, v28;
	vm3 =	vlt.s32 v54, v23  }
0xee: {  	vm4 =	vlt.s32 v55, v23;
	vm5 =	vlt.s32 v43, v23;
	vm7 =	vgt.f32 v37, v24  }
0xef: {  	v62 =	vld [tilespmem:s21+$0x180];
	vm8 =	veq.f32 v37, v24;
	vm6 =	vgt.f32 v39, v24;
	vm11 =	veq.f32 v39, v24  }
0xf0: {  	vm2 =	vmand vm2, vm8;
	vm8 =	veq.f32 v56, v21;
	vm15 =	veq.f32 v60, v21  }
0xf1: {  	vm10 =	vgt.f32 v40, v24;
	vm14 =	veq.f32 v40, v24;
	vm2 =	vmor vm7, vm2  }
0xf2: {  	v58 =	vld [tilespmem:s19+$0x180];
	vm7 =	vlt.s32 v36, v20;
	vm9 =	veq.f32 v41, v24;
	vm12 =	vgt.f32 v41, v24  }
0xf3: {  	vm4 =	vmand vm4, vm14;
	v63 =	vsel vm2, $0x1, v8;
	vm3 =	vmand vm3, vm9  }
0xf4: {  	vm2 =	vgt.f32 v56, v21;
	vm9 =	veq.f32 v62, v21;
	vm3 =	vmor vm12, vm3  }
0xf5: {  	vm12 =	vgt.f32 v62, v21;
	v57 =	vsel vm3, $0x1, v8;
	vm3 =	vmor vm10, vm4  }
0xf6: {  	vm4 =	vmand vm5, vm11;
	vm5 =	vlt.s32 v34, v20;
	vm10 =	vgt.f32 v60, v21  }
0xf7: {  	vm11 =	veq.f32 v58, v21;
	v28 =	vadd.s32 v57, v28;
	v59 =	vsel vm3, $0x1, v8  }
0xf8: {  	s18 =	simm.s32 $0x200;
	vm3 =	vmor vm6, vm4;
	vm4 =	vlt.s32 v33, v20;
	vm6 =	vlt.s32 v35, v20  }
0xf9: {  	s31 =	sand.u32 $0xFC00, s18;
	vm5 =	vmand vm5, vm9;
	v28 =	vadd.s32 v59, v28;
	v61 =	vsel vm3, $0x1, v8  }
0xfa: {  	s20 =	sadd.s32 $0x480, s31;
	vm3 =	vgt.f32 v58, v21;
	vm5 =	vmor vm12, vm5;
	vm6 =	vmand vm6, vm15  }
0xfb: {  	s21 =	simm.s32 $0x40;
	s0 =	sor.u32 s22, s20;
	vm4 =	vmand vm4, vm8;
	v28 =	vadd.s32 v61, v28;
	v34 =	vsel vm5, $0x1, v8  }
0xfc: {  	s19 =	simm.s32 $0xB0;
	s1 =	sand.u32 $0x50, s23;
	s22 =	sor.u32 s24, s20;
	v33 =	vld [tilespmem:s0+$0x180];
	vm6 =	vmor vm10, vm6;
	vm5 =	vmand vm7, vm11;
	v28 =	vadd.s32 v63, v28  }
.LBB2_9:
0xfd: {  	p1 =	sne.s32 s19, $0x1870;
	s0 =	sand.u32 $0x40, s21;
	s1 =	sor.u32 s1, s20;
	v35 =	vld [tilespmem:s22+$0x180];
	v25 =	vadd.s32 v34, v25;
	v34 =	vsel vm6, $0x1, v8;
	vm3 =	vmor vm3, vm5  }
0xfe: {  	s5 =	sadd.s32 s17, s15;
	vm2 =	vmor vm2, vm4;
	p0 =	por $0x0, $0x0;
	s0 =	sor.u32 s0, s20;
	v36 =	vld [tilespmem:s1+$0x180];
	v25 =	vadd.s32 v34, v25;
	v34 =	vsel vm3, $0x1, v8  }
0xff: {  	v38 =	vor.u32 s5, v7;
	v37 =	vld [tilespmem:s0+$0x180];
	v25 =	vadd.s32 v34, v25;
	v34 =	vsel vm2, $0x1, v8  }
0x100: {  	s1 =	sadd.s32 $0xFFFFFFE0, s5;
	s0 =	sadd.s32 $0xFFFFFFD0, s5;
	s5 =	sadd.s32 $0xFFFFFFF0, s5;
	vm4 =	vlt.s32 v38, v20;
	v25 =	vadd.s32 v34, v25  }
0x101: {  	s17 =	smov.u32 s19;
	v38 =	vor.u32 s1, v7;
	v34 =	vor.u32 s0, v7;
	v39 =	vor.u32 s5, v7  }
0x102: {  	vm7 =	vlt.s32 v38, v20;
	vm6 =	vlt.s32 v34, v20;
	vm5 =	vlt.s32 v39, v20  }
.Ltmp3:
0x103: {  	s18 =	sadd.s32 $0x200, s18;
	vm2 =	vgt.f32 v33, v21;
	vm8 =	veq.f32 v33, v21;
	vm3 =	vgt.f32 v35, v21;
	(pc) =	sbr.rel @p1 .LBB2_9-.Ltmp3, $4  }
0x104: {  	s1 =	sand.u32 $0x70, s19;
	s0 =	sand.u32 $0xFC00, s18;
	vm11 =	veq.f32 v35, v21;
	vm10 =	vgt.f32 v36, v21;
	vm9 =	veq.f32 v37, v21  }
0x105: {  	s5 =	sadd.s32 $0xFFFFFFF0, s19;
	s20 =	sadd.s32 $0x480, s0;
	s0 =	sadd.s32 $0xFFFFFFE0, s19;
	vm12 =	vgt.f32 v37, v21;
	vm6 =	vmand vm6, vm9;
	vm9 =	veq.f32 v36, v21  }
0x106: {  	s21 =	sadd.s32 $0xFFFFFFD0, s19;
	s5 =	sand.u32 $0x60, s5;
	s13 =	sor.u32 s1, s20;
	vm4 =	vmand vm4, vm8;
	vm6 =	vmor vm12, vm6;
	vm7 =	vmand vm7, vm9  }
0x107: {  	s19 =	sadd.s32 $0x40, s19;
	s1 =	sand.u32 $0x50, s0;
	s22 =	sor.u32 s5, s20;
	vm5 =	vmand vm5, vm11;
	v33 =	vld [tilespmem:s13+$0x180];
	v34 =	vsel vm6, $0x1, v8;
	vm6 =	vmor vm10, vm7  }
0x108: {  	v25 =	vadd.s32 v34, v25  }
0x109: {  	s0 =	sand.u32 $0x40, s21;
	v52 =	vsel vm6, $0x1, v8;
	vm3 =	vmor vm3, vm5;
	s5 =	sadd.s32 s17, s15;
	vm2 =	vmor vm2, vm4  }
0x10a: {  	s1 =	sor.u32 s1, s20;
	v35 =	vld [tilespmem:s22+$0x180];
	s17 =	sadd.s32 $0x30, s15;
	s0 =	sor.u32 s0, s20;
	v25 =	vadd.s32 v52, v25;
	v53 =	vsel vm3, $0x1, v8;
	v38 =	vor.u32 s5, v7  }
0x10b: {  	v36 =	vld [tilespmem:s1+$0x180];
	v54 =	vsel vm2, $0x1, v8;
	s26 =	sadd.s32 $0xFFFFFFD0, s5;
	s31 =	sadd.s32 $0xFFFFFFE0, s5;
	s5 =	sadd.s32 $0xFFFFFFF0, s5;
	v25 =	vadd.s32 v53, v25;
	vm3 =	vlt.s32 v38, v20  }
0x10c: {  	s24 =	sadd.s32 $0xFFFFFFD0, s17;
	v37 =	vld [tilespmem:s0+$0x180];
	v55 =	vor.u32 s26, v7;
	v56 =	vor.u32 s31, v7;
	v39 =	vor.u32 s5, v7  }
0x10d: {  	s1 =	simm.s32 $0x0;
	v34 =	vor.u32 s24, v7;
	v25 =	vadd.s32 v54, v25;
	vm4 =	vlt.s32 v55, v20  }
0x10e: {  	s25 =	sadd.s32 $0xFFFFFFE0, s17;
	s13 =	sand.u32 $0x3, s1;
	s5 =	simm.s32 $0x1;
	vm5 =	vlt.s32 v56, v20;
	vm6 =	vlt.s32 v39, v20;
	vm2 =	vgt.f32 v33, v21  }
0x10f: {  	s0 =	sand.u32 $0x7, s1;
	s5 =	simm.s32 @!p0 $0x0;
	s1 =	sshll.u32 s13, $0x5;
	vm8 =	veq.f32 v33, v21;
	v33 =	vor.u32 s17, v7;
	vm7 =	vgt.f32 v35, v21  }
0x110: {  	s0 =	sshll.u32 s0, $0x4;
	s5 =	sshll.u32 s5, $0x6;
	s18 =	sadd.s32 $0x20, s1;
	vm11 =	veq.f32 v35, v21;
	vm3 =	vmand vm3, vm8;
	v35 =	vor.u32 s25, v7  }
0x111: {  	s0 =	sadd.s32 $0x0, s0;
	s19 =	sadd.s32 $0x0, s5;
	s1 =	sor.u32 $0x200, s18;
	vm10 =	vgt.f32 v36, v21;
	vm2 =	vmor vm2, vm3;
	vm9 =	veq.f32 v37, v21  }
0x112: {  	s20 =	sadd.s32 $0x30, s0;
	s5 =	sor.u32 $0x200, s19;
	v59 =	vld [tilespmem:s1+$0x480];
	s1 =	sadd.s32 $0xFFFFFFF0, s17;
	vm12 =	vgt.f32 v37, v21;
	v62 =	vsel vm2, $0x1, v8;
	vm2 =	vlt.s32 v33, v17  }
0x113: {  	s21 =	sadd.s32 $0x10, s0;
	s22 =	sor.u32 $0x200, s20;
	v61 =	vld [tilespmem:s5+$0x480];
	vm4 =	vmand vm4, vm9;
	vm9 =	veq.f32 v36, v21;
	v36 =	vor.u32 s1, v7  }
0x114: {  	s23 =	sor.u32 $0x200, s21;
	v63 =	vld [tilespmem:s22+$0x480];
	vm4 =	vmor vm12, vm4;
	vm5 =	vmand vm5, vm9;
	vm9 =	vlt.s32 v35, v17  }
0x115: {  	v40 =	vld [tilespmem:s23+$0x480];
	vm3 =	vlt.s32 v36, v17;
	v57 =	vsel vm4, $0x1, v8;
	vm4 =	vmor vm10, vm5  }
0x116: {  	vm5 =	vmand vm6, vm11;
	vm6 =	vlt.s32 v34, v17;
	v25 =	vadd.s32 v57, v25  }
0x117: {  	p1 =	por !p0, !p0;
	s28 =	simm.s32 $0x70;
	v58 =	vsel vm4, $0x1, v8;
	vm4 =	vmor vm7, vm5;
	vm5 =	veq.f32 v59, v18  }
0x118: {  	s24 =	simm.s32 $0x220;
	s25 =	simm.s32 $0x2;
	s17 =	simm.s32 $0x70;
	v25 =	vadd.s32 v58, v25;
	v60 =	vsel vm4, $0x1, v8;
	vm7 =	vgt.f32 v61, v18  }
0x119: {  	s31 =	sand.u32 $0x3, s25;
	s22 =	simm.s32 $0x200;
	s23 =	simm.s32 $0x4;
	vm4 =	vgt.f32 v59, v18;
	vm8 =	veq.f32 v61, v18;
	vm5 =	vmand vm3, vm5  }
0x11a: {  	s5 =	sshll.u32 s31, $0x5;
	s26 =	sand.u32 $0x7, s23;
	s1 =	simm.s32 $0x1;
	vm3 =	vgt.f32 v63, v18;
	vm10 =	veq.f32 v40, v18;
	v25 =	vadd.s32 v60, v25  }
0x11b: {  	s1 =	simm.s32 @!p1 $0x0;
	s0 =	sshll.u32 s26, $0x4;
	s26 =	simm.s32 $0xB0;
	vm8 =	vmand vm6, vm8;
	vm6 =	veq.f32 v63, v18;
	vm9 =	vmand vm9, vm10  }
0x11c: {  	s30 =	sshll.u32 s1, $0x6;
	s29 =	sadd.s32 $0x200, s0;
	s1 =	sadd.s32 $0x220, s5;
	v25 =	vadd.s32 v62, v25;
	vm7 =	vmor vm7, vm8;
	vm8 =	vgt.f32 v40, v18  }
.LBB2_11:
0x11d: {  	p2 =	sne.s32 s26, $0x1870;
	s0 =	sadd.s32 s30, s22;
	s1 =	sor.u32 $0x200, s1;
	v37 =	vsel vm7, $0x1, v8;
	vm7 =	vmor vm8, vm9;
	vm4 =	vmor vm4, vm5  }
0x11e: {  	vm2 =	vmand vm2, vm6;
	s0 =	sor.u32 $0x200, s0;
	v38 =	vld [tilespmem:s1+$0x480];
	s1 =	sadd.s32 $0x30, s29;
	v22 =	vadd.s32 v37, v22;
	v37 =	vsel vm7, $0x1, v8  }
0x11f: {  	s5 =	sadd.s32 $0x10, s29;
	vm2 =	vmor vm3, vm2;
	v39 =	vld [tilespmem:s0+$0x480];
	s0 =	sadd.s32 s28, s15;
	s1 =	sor.u32 $0x200, s1;
	v22 =	vadd.s32 v37, v22;
	v37 =	vsel vm4, $0x1, v8  }
0x120: {  	s5 =	sor.u32 $0x200, s5;
	s28 =	smov.u32 s26;
	v40 =	vld [tilespmem:s1+$0x480];
	v41 =	vor.u32 s0, v7;
	v22 =	vadd.s32 v37, v22;
	v37 =	vsel vm2, $0x1, v8  }
0x121: {  	s1 =	sadd.s32 $0xFFFFFFD0, s0;
	v42 =	vld [tilespmem:s5+$0x480];
	s5 =	sadd.s32 $0xFFFFFFE0, s0;
	s0 =	sadd.s32 $0xFFFFFFF0, s0;
	vm2 =	vlt.s32 v41, v17;
	v22 =	vadd.s32 v37, v22  }
0x122: {  	s22 =	sadd.s32 $0x200, s22;
	v37 =	vor.u32 s1, v7;
	v41 =	vor.u32 s5, v7;
	v43 =	vor.u32 s0, v7  }
.Ltmp4:
0x123: {  	s23 =	sadd.s32 $0x4, s23;
	s24 =	sadd.s32 $0x200, s24;
	vm6 =	vlt.s32 v37, v17;
	vm9 =	vlt.s32 v41, v17;
	vm3 =	vlt.s32 v43, v17;
	(pc) =	sbr.rel @p2 .LBB2_11-.Ltmp4, $4  }
0x124: {  	s25 =	sadd.s32 $0x2, s25;
	p1 =	por !p1, !p1;
	s5 =	simm.s32 $0x1;
	vm4 =	vgt.f32 v38, v18;
	vm5 =	veq.f32 v38, v18;
	vm7 =	vgt.f32 v39, v18  }
0x125: {  	s1 =	sand.u32 $0x3, s25;
	s0 =	sand.u32 $0x7, s23;
	s5 =	simm.s32 @!p1 $0x0;
	vm8 =	veq.f32 v39, v18;
	vm5 =	vmand vm3, vm5;
	vm3 =	vgt.f32 v40, v18  }
0x126: {  	s1 =	sshll.u32 s1, $0x5;
	s0 =	sshll.u32 s0, $0x4;
	s30 =	sshll.u32 s5, $0x6;
	vm8 =	vmand vm6, vm8;
	vm6 =	veq.f32 v40, v18;
	vm10 =	veq.f32 v42, v18  }
0x127: {  	s26 =	sadd.s32 $0x40, s26;
	s1 =	sadd.s32 s1, s24;
	s29 =	sadd.s32 s0, s22;
	vm7 =	vmor vm7, vm8;
	vm8 =	vgt.f32 v42, v18;
	vm9 =	vmand vm9, vm10  }
0x128: {  	s0 =	sadd.s32 s30, s22;
	s1 =	sor.u32 $0x200, s1;
	v37 =	vsel vm7, $0x1, v8;
	vm7 =	vmor vm8, vm9;
	vm4 =	vmor vm4, vm5  }
0x129: {  	s13 =	sadd.s32 $0x30, s29;
	vm2 =	vmand vm2, vm6;
	s22 =	sadd.s32 s28, s15;
	s0 =	sor.u32 $0x200, s0;
	v38 =	vld [tilespmem:s1+$0x480];
	v22 =	vadd.s32 v37, v22;
	v51 =	vsel vm7, $0x1, v8  }
0x12a: {  	s5 =	sadd.s32 $0x10, s29;
	s1 =	sor.u32 $0x200, s13;
	v52 =	vsel vm4, $0x1, v8;
	vm2 =	vmor vm3, vm2;
	v41 =	vor.u32 s22, v7;
	v39 =	vld [tilespmem:s0+$0x480]  }
0x12b: {  	s5 =	sor.u32 $0x200, s5;
	s23 =	sadd.s32 $0xFFFFFFD0, s22;
	s24 =	sadd.s32 $0xFFFFFFE0, s22;
	v22 =	vadd.s32 v51, v22;
	v40 =	vld [tilespmem:s1+$0x480];
	v53 =	vsel vm2, $0x1, v8;
	vm2 =	vlt.s32 v41, v17  }
0x12c: {  	s29 =	sor.u32 $0x280, s21;
	v42 =	vld [tilespmem:s5+$0x480];
	s0 =	sadd.s32 $0xFFFFFFF0, s22;
	v54 =	vor.u32 s23, v7;
	v55 =	vor.u32 s24, v7;
	v22 =	vadd.s32 v52, v22  }
0x12d: {  	v63 =	vld [tilespmem:s29+$0x480];
	v43 =	vor.u32 s0, v7;
	vm3 =	vlt.s32 v54, v17;
	vm4 =	vlt.s32 v55, v17  }
0x12e: {  	s26 =	sor.u32 $0x280, s19;
	v22 =	vadd.s32 v53, v22;
	vm5 =	vlt.s32 v43, v17;
	vm7 =	vgt.f32 v38, v18  }
0x12f: {  	v59 =	vld [tilespmem:s26+$0x480];
	vm8 =	veq.f32 v38, v18;
	vm6 =	vgt.f32 v39, v18;
	vm9 =	veq.f32 v39, v18  }
0x130: {  	s25 =	sor.u32 $0x280, s18;
	vm5 =	vmand vm5, vm8;
	vm8 =	vgt.f32 v40, v18;
	vm10 =	veq.f32 v40, v18  }
0x131: {  	v57 =	vld [tilespmem:s25+$0x480];
	vm3 =	vmand vm3, vm9;
	vm9 =	veq.f32 v42, v18;
	vm2 =	vmand vm2, vm10  }
0x132: {  	vm10 =	veq.f32 v63, v16;
	vm3 =	vmor vm6, vm3;
	vm6 =	vgt.f32 v42, v18  }
0x133: {  	s28 =	sor.u32 $0x280, s20;
	vm4 =	vmand vm4, vm9;
	vm2 =	vmor vm8, vm2;
	vm9 =	vlt.s32 v35, v15  }
0x134: {  	v61 =	vld [tilespmem:s28+$0x480];
	vm8 =	veq.f32 v59, v16;
	v56 =	vsel vm3, $0x1, v8;
	vm3 =	vmor vm6, vm4  }
0x135: {  	vm4 =	vmor vm7, vm5;
	v62 =	vsel vm2, $0x1, v8;
	vm2 =	vlt.s32 v33, v15  }
0x136: {  	vm6 =	vlt.s32 v34, v15;
	vm7 =	vgt.f32 v59, v16;
	vm5 =	veq.f32 v57, v16  }
0x137: {  	s18 =	simm.s32 $0x200;
	s19 =	simm.s32 $0x4;
	s20 =	simm.s32 $0x220;
	vm9 =	vmand vm9, vm10;
	v22 =	vadd.s32 v56, v22;
	v58 =	vsel vm3, $0x1, v8  }
0x138: {  	s21 =	simm.s32 $0x2;
	p0 =	por !p0, !p0;
	s30 =	sand.u32 $0x7, s19;
	v60 =	vsel vm4, $0x1, v8;
	vm3 =	vlt.s32 v36, v15;
	vm4 =	vgt.f32 v57, v16  }
0x139: {  	s31 =	sand.u32 $0x3, s21;
	s1 =	sshll.u32 s30, $0x4;
	s0 =	simm.s32 $0x1;
	vm8 =	vmand vm6, vm8;
	vm6 =	veq.f32 v61, v16;
	v22 =	vadd.s32 v58, v22  }
0x13a: {  	s5 =	sshll.u32 s31, $0x5;
	s22 =	simm.s32 $0xB0;
	s0 =	simm.s32 @!p0 $0x0;
	vm5 =	vmand vm3, vm5;
	vm3 =	vgt.f32 v61, v16;
	v22 =	vadd.s32 v60, v22  }
0x13b: {  	s23 =	sadd.s32 $0x200, s1;
	s1 =	sadd.s32 $0x220, s5;
	s24 =	sshll.u32 s0, $0x6;
	vm7 =	vmor vm7, vm8;
	vm8 =	vgt.f32 v63, v16;
	v22 =	vadd.s32 v62, v22  }
.LBB2_13:
0x13c: {  	p1 =	sne.s32 s22, $0x1870;
	s0 =	sadd.s32 s24, s18;
	s1 =	sor.u32 $0x280, s1;
	v33 =	vsel vm7, $0x1, v8;
	vm7 =	vmor vm8, vm9;
	vm4 =	vmor vm4, vm5  }
0x13d: {  	vm2 =	vmand vm2, vm6;
	s0 =	sor.u32 $0x280, s0;
	v34 =	vld [tilespmem:s1+$0x480];
	s1 =	sadd.s32 $0x30, s23;
	v19 =	vadd.s32 v33, v19;
	v33 =	vsel vm7, $0x1, v8  }
0x13e: {  	s5 =	sadd.s32 $0x10, s23;
	vm2 =	vmor vm3, vm2;
	v35 =	vld [tilespmem:s0+$0x480];
	s0 =	sadd.s32 s17, s15;
	s1 =	sor.u32 $0x280, s1;
	v19 =	vadd.s32 v33, v19;
	v33 =	vsel vm4, $0x1, v8  }
0x13f: {  	s5 =	sor.u32 $0x280, s5;
	v36 =	vld [tilespmem:s1+$0x480];
	v37 =	vor.u32 s0, v7;
	v19 =	vadd.s32 v33, v19;
	v33 =	vsel vm2, $0x1, v8  }
0x140: {  	s1 =	sadd.s32 $0xFFFFFFD0, s0;
	v38 =	vld [tilespmem:s5+$0x480];
	s5 =	sadd.s32 $0xFFFFFFE0, s0;
	s0 =	sadd.s32 $0xFFFFFFF0, s0;
	vm2 =	vlt.s32 v37, v15;
	v19 =	vadd.s32 v33, v19  }
0x141: {  	s18 =	sadd.s32 $0x200, s18;
	s17 =	smov.u32 s22;
	v33 =	vor.u32 s1, v7;
	v37 =	vor.u32 s5, v7;
	v39 =	vor.u32 s0, v7  }
.Ltmp5:
0x142: {  	s19 =	sadd.s32 $0x4, s19;
	s20 =	sadd.s32 $0x200, s20;
	vm6 =	vlt.s32 v33, v15;
	vm9 =	vlt.s32 v37, v15;
	vm3 =	vlt.s32 v39, v15;
	(pc) =	sbr.rel @p1 .LBB2_13-.Ltmp5, $4  }
0x143: {  	s21 =	sadd.s32 $0x2, s21;
	p0 =	por !p0, !p0;
	s5 =	simm.s32 $0x1;
	vm4 =	vgt.f32 v34, v16;
	vm5 =	veq.f32 v34, v16;
	vm7 =	vgt.f32 v35, v16  }
0x144: {  	s1 =	sand.u32 $0x3, s21;
	s0 =	sand.u32 $0x7, s19;
	s5 =	simm.s32 @!p0 $0x0;
	vm8 =	veq.f32 v35, v16;
	vm5 =	vmand vm3, vm5;
	vm3 =	vgt.f32 v36, v16  }
0x145: {  	s1 =	sshll.u32 s1, $0x5;
	s0 =	sshll.u32 s0, $0x4;
	s24 =	sshll.u32 s5, $0x6;
	vm8 =	vmand vm6, vm8;
	vm6 =	veq.f32 v36, v16;
	vm10 =	veq.f32 v38, v16  }
0x146: {  	s22 =	sadd.s32 $0x40, s22;
	s1 =	sadd.s32 s1, s20;
	s23 =	sadd.s32 s0, s18;
	vm7 =	vmor vm7, vm8;
	vm8 =	vgt.f32 v38, v16;
	vm9 =	vmand vm9, vm10  }
0x147: {  	v33 =	vsel vm7, $0x1, v8  }
0x148: {  	s0 =	sadd.s32 s24, s18;
	s1 =	sor.u32 $0x280, s1;
	vm7 =	vmor vm8, vm9;
	vm4 =	vmor vm4, vm5;
	s24 =	sadd.s32 $0x30, s23;
	vm2 =	vmand vm2, vm6  }
0x149: {  	s25 =	sadd.s32 s17, s15;
	s17 =	sadd.s32 $0x30, s15;
	s0 =	sor.u32 $0x280, s0;
	v34 =	vld [tilespmem:s1+$0x480];
	v19 =	vadd.s32 v33, v19;
	v52 =	vsel vm7, $0x1, v8;
	v53 =	vsel vm4, $0x1, v8  }
0x14a: {  	s1 =	sor.u32 $0x280, s24;
	vm2 =	vmor vm3, vm2;
	v37 =	vor.u32 s25, v7;
	v33 =	vor.u32 s17, v7;
	v35 =	vld [tilespmem:s0+$0x480]  }
0x14b: {  	s5 =	sadd.s32 $0x10, s23;
	s26 =	sadd.s32 $0xFFFFFFD0, s25;
	s31 =	sadd.s32 $0xFFFFFFE0, s25;
	v19 =	vadd.s32 v52, v19;
	v36 =	vld [tilespmem:s1+$0x480];
	v54 =	vsel vm2, $0x1, v8;
	vm2 =	vlt.s32 v37, v15  }
0x14c: {  	s5 =	sor.u32 $0x280, s5;
	s0 =	sadd.s32 $0xFFFFFFF0, s25;
	v55 =	vor.u32 s26, v7;
	v56 =	vor.u32 s31, v7;
	s1 =	simm.s32 $0x0;
	v19 =	vadd.s32 v53, v19  }
0x14d: {  	p0 =	por $0x0, $0x0;
	s24 =	sadd.s32 $0xFFFFFFD0, s17;
	v38 =	vld [tilespmem:s5+$0x480];
	v39 =	vor.u32 s0, v7;
	vm3 =	vlt.s32 v55, v15;
	vm4 =	vlt.s32 v56, v15;
	s13 =	sand.u32 $0x3, s1  }
0x14e: {  	s5 =	simm.s32 $0x1;
	s0 =	sand.u32 $0x7, s1;
	v19 =	vadd.s32 v54, v19;
	vm5 =	vlt.s32 v39, v15;
	s1 =	sshll.u32 s13, $0x5;
	vm7 =	vgt.f32 v34, v16  }
0x14f: {  	s5 =	simm.s32 @!p0 $0x0;
	s18 =	sadd.s32 $0x20, s1;
	vm8 =	veq.f32 v34, v16;
	v34 =	vor.u32 s24, v7;
	vm6 =	vgt.f32 v35, v16  }
0x150: {  	s25 =	sadd.s32 $0xFFFFFFE0, s17;
	s5 =	sshll.u32 s5, $0x6;
	s1 =	sor.u32 $0x300, s18;
	vm9 =	veq.f32 v35, v16;
	vm5 =	vmand vm5, vm8;
	vm8 =	vgt.f32 v36, v16  }
0x151: {  	s0 =	sshll.u32 s0, $0x4;
	s19 =	sadd.s32 $0x0, s5;
	vm10 =	veq.f32 v36, v16;
	v59 =	vld [tilespmem:s1+$0x480];
	s1 =	sadd.s32 $0xFFFFFFF0, s17;
	v35 =	vor.u32 s25, v7;
	vm3 =	vmand vm3, vm9  }
0x152: {  	s0 =	sadd.s32 $0x0, s0;
	s5 =	sor.u32 $0x300, s19;
	vm9 =	veq.f32 v38, v16;
	vm2 =	vmand vm2, vm10;
	v36 =	vor.u32 s1, v7  }
0x153: {  	s20 =	sadd.s32 $0x30, s0;
	v61 =	vld [tilespmem:s5+$0x480];
	vm3 =	vmor vm6, vm3;
	vm6 =	vgt.f32 v38, v16;
	vm4 =	vmand vm4, vm9  }
0x154: {  	s21 =	sadd.s32 $0x10, s0;
	s22 =	sor.u32 $0x300, s20;
	vm2 =	vmor vm8, vm2;
	vm9 =	vlt.s32 v35, v12;
	v57 =	vsel vm3, $0x1, v8  }
0x155: {  	s23 =	sor.u32 $0x300, s21;
	v63 =	vld [tilespmem:s22+$0x480];
	vm3 =	vmor vm6, vm4;
	vm4 =	vmor vm7, vm5;
	v62 =	vsel vm2, $0x1, v8  }
0x156: {  	v40 =	vld [tilespmem:s23+$0x480];
	vm2 =	vlt.s32 v33, v12;
	vm6 =	vlt.s32 v34, v12;
	v19 =	vadd.s32 v57, v19  }
0x157: {  	s28 =	simm.s32 $0x70;
	p1 =	por !p0, !p0;
	v58 =	vsel vm3, $0x1, v8;
	v60 =	vsel vm4, $0x1, v8;
	vm3 =	vlt.s32 v36, v12  }
0x158: {  	s24 =	simm.s32 $0x220;
	s17 =	simm.s32 $0x70;
	s25 =	simm.s32 $0x2;
	v19 =	vadd.s32 v58, v19;
	vm7 =	vgt.f32 v61, v13;
	vm4 =	vgt.f32 v59, v13  }
0x159: {  	s22 =	simm.s32 $0x200;
	s23 =	simm.s32 $0x4;
	s1 =	simm.s32 $0x1;
	vm5 =	veq.f32 v59, v13;
	vm8 =	veq.f32 v61, v13;
	v19 =	vadd.s32 v60, v19  }
0x15a: {  	s31 =	sand.u32 $0x3, s25;
	s26 =	sand.u32 $0x7, s23;
	s1 =	simm.s32 @!p1 $0x0;
	vm5 =	vmand vm3, vm5;
	vm3 =	vgt.f32 v63, v13;
	vm8 =	vmand vm6, vm8  }
0x15b: {  	s5 =	sshll.u32 s31, $0x5;
	s0 =	sshll.u32 s26, $0x4;
	s30 =	sshll.u32 s1, $0x6;
	vm10 =	veq.f32 v40, v13;
	vm6 =	veq.f32 v63, v13;
	v19 =	vadd.s32 v62, v19  }
0x15c: {  	s1 =	sadd.s32 $0x220, s5;
	s26 =	simm.s32 $0xB0;
	s29 =	sadd.s32 $0x200, s0;
	vm7 =	vmor vm7, vm8;
	vm8 =	vgt.f32 v40, v13;
	vm9 =	vmand vm9, vm10  }
.LBB2_15:
0x15d: {  	p2 =	sne.s32 s26, $0x1870;
	s0 =	sadd.s32 s30, s22;
	s1 =	sor.u32 $0x300, s1;
	v37 =	vsel vm7, $0x1, v8;
	vm7 =	vmor vm8, vm9;
	vm4 =	vmor vm4, vm5  }
0x15e: {  	vm2 =	vmand vm2, vm6;
	s0 =	sor.u32 $0x300, s0;
	v38 =	vld [tilespmem:s1+$0x480];
	s1 =	sadd.s32 $0x30, s29;
	v14 =	vadd.s32 v37, v14;
	v37 =	vsel vm7, $0x1, v8  }
0x15f: {  	s5 =	sadd.s32 $0x10, s29;
	vm2 =	vmor vm3, vm2;
	v39 =	vld [tilespmem:s0+$0x480];
	s0 =	sadd.s32 s28, s15;
	s1 =	sor.u32 $0x300, s1;
	v14 =	vadd.s32 v37, v14;
	v37 =	vsel vm4, $0x1, v8  }
0x160: {  	s5 =	sor.u32 $0x300, s5;
	s28 =	smov.u32 s26;
	v40 =	vld [tilespmem:s1+$0x480];
	v41 =	vor.u32 s0, v7;
	v14 =	vadd.s32 v37, v14;
	v37 =	vsel vm2, $0x1, v8  }
0x161: {  	s1 =	sadd.s32 $0xFFFFFFD0, s0;
	v42 =	vld [tilespmem:s5+$0x480];
	s5 =	sadd.s32 $0xFFFFFFE0, s0;
	s0 =	sadd.s32 $0xFFFFFFF0, s0;
	vm2 =	vlt.s32 v41, v12;
	v14 =	vadd.s32 v37, v14  }
0x162: {  	s22 =	sadd.s32 $0x200, s22;
	v37 =	vor.u32 s1, v7;
	v41 =	vor.u32 s5, v7;
	v43 =	vor.u32 s0, v7  }
.Ltmp6:
0x163: {  	s23 =	sadd.s32 $0x4, s23;
	s24 =	sadd.s32 $0x200, s24;
	vm6 =	vlt.s32 v37, v12;
	vm9 =	vlt.s32 v41, v12;
	vm3 =	vlt.s32 v43, v12;
	(pc) =	sbr.rel @p2 .LBB2_15-.Ltmp6, $4  }
0x164: {  	s25 =	sadd.s32 $0x2, s25;
	p1 =	por !p1, !p1;
	s5 =	simm.s32 $0x1;
	vm4 =	vgt.f32 v38, v13;
	vm5 =	veq.f32 v38, v13;
	vm7 =	vgt.f32 v39, v13  }
0x165: {  	s1 =	sand.u32 $0x3, s25;
	s0 =	sand.u32 $0x7, s23;
	s5 =	simm.s32 @!p1 $0x0;
	vm8 =	veq.f32 v39, v13;
	vm5 =	vmand vm3, vm5;
	vm3 =	vgt.f32 v40, v13  }
0x166: {  	s1 =	sshll.u32 s1, $0x5;
	s0 =	sshll.u32 s0, $0x4;
	s30 =	sshll.u32 s5, $0x6;
	vm8 =	vmand vm6, vm8;
	vm6 =	veq.f32 v40, v13;
	vm10 =	veq.f32 v42, v13  }
0x167: {  	s26 =	sadd.s32 $0x40, s26;
	s1 =	sadd.s32 s1, s24;
	s29 =	sadd.s32 s0, s22;
	vm7 =	vmor vm7, vm8;
	vm8 =	vgt.f32 v42, v13;
	vm9 =	vmand vm9, vm10  }
0x168: {  	s0 =	sadd.s32 s30, s22;
	s1 =	sor.u32 $0x300, s1;
	v37 =	vsel vm7, $0x1, v8;
	vm7 =	vmor vm8, vm9;
	vm4 =	vmor vm4, vm5  }
0x169: {  	s13 =	sadd.s32 $0x30, s29;
	vm2 =	vmand vm2, vm6;
	s22 =	sadd.s32 s28, s15;
	s0 =	sor.u32 $0x300, s0;
	v38 =	vld [tilespmem:s1+$0x480];
	v14 =	vadd.s32 v37, v14;
	v51 =	vsel vm7, $0x1, v8  }
0x16a: {  	s5 =	sadd.s32 $0x10, s29;
	s1 =	sor.u32 $0x300, s13;
	v52 =	vsel vm4, $0x1, v8;
	vm2 =	vmor vm3, vm2;
	v41 =	vor.u32 s22, v7;
	v39 =	vld [tilespmem:s0+$0x480]  }
0x16b: {  	s5 =	sor.u32 $0x300, s5;
	s23 =	sadd.s32 $0xFFFFFFD0, s22;
	s24 =	sadd.s32 $0xFFFFFFE0, s22;
	v14 =	vadd.s32 v51, v14;
	v40 =	vld [tilespmem:s1+$0x480];
	v53 =	vsel vm2, $0x1, v8;
	vm2 =	vlt.s32 v41, v12  }
0x16c: {  	s29 =	sor.u32 $0x380, s21;
	v42 =	vld [tilespmem:s5+$0x480];
	s0 =	sadd.s32 $0xFFFFFFF0, s22;
	v54 =	vor.u32 s23, v7;
	v55 =	vor.u32 s24, v7;
	v14 =	vadd.s32 v52, v14  }
0x16d: {  	v63 =	vld [tilespmem:s29+$0x480];
	v43 =	vor.u32 s0, v7;
	vm3 =	vlt.s32 v54, v12;
	vm4 =	vlt.s32 v55, v12  }
0x16e: {  	s26 =	sor.u32 $0x380, s19;
	v14 =	vadd.s32 v53, v14;
	vm5 =	vlt.s32 v43, v12;
	vm7 =	vgt.f32 v38, v13  }
0x16f: {  	v59 =	vld [tilespmem:s26+$0x480];
	vm8 =	veq.f32 v38, v13;
	vm6 =	vgt.f32 v39, v13;
	vm9 =	veq.f32 v39, v13  }
0x170: {  	s25 =	sor.u32 $0x380, s18;
	vm5 =	vmand vm5, vm8;
	vm8 =	vgt.f32 v40, v13;
	vm10 =	veq.f32 v40, v13  }
0x171: {  	v57 =	vld [tilespmem:s25+$0x480];
	vm3 =	vmand vm3, vm9;
	vm9 =	veq.f32 v42, v13;
	vm2 =	vmand vm2, vm10  }
0x172: {  	vm10 =	veq.f32 v63, v10;
	vm3 =	vmor vm6, vm3;
	vm6 =	vgt.f32 v42, v13  }
0x173: {  	s28 =	sor.u32 $0x380, s20;
	vm4 =	vmand vm4, vm9;
	vm2 =	vmor vm8, vm2;
	vm9 =	vlt.s32 v35, v9  }
0x174: {  	v61 =	vld [tilespmem:s28+$0x480];
	vm8 =	veq.f32 v59, v10;
	v56 =	vsel vm3, $0x1, v8;
	vm3 =	vmor vm6, vm4  }
0x175: {  	vm4 =	vmor vm7, vm5;
	v62 =	vsel vm2, $0x1, v8;
	vm2 =	vlt.s32 v33, v9  }
0x176: {  	vm6 =	vlt.s32 v34, v9;
	vm7 =	vgt.f32 v59, v10;
	vm5 =	veq.f32 v57, v10  }
0x177: {  	s18 =	simm.s32 $0x200;
	s19 =	simm.s32 $0x4;
	s20 =	simm.s32 $0x220;
	vm9 =	vmand vm9, vm10;
	v14 =	vadd.s32 v56, v14;
	v58 =	vsel vm3, $0x1, v8  }
0x178: {  	s21 =	simm.s32 $0x2;
	p0 =	por !p0, !p0;
	s30 =	sand.u32 $0x7, s19;
	v60 =	vsel vm4, $0x1, v8;
	vm3 =	vlt.s32 v36, v9;
	vm4 =	vgt.f32 v57, v10  }
0x179: {  	s31 =	sand.u32 $0x3, s21;
	s1 =	sshll.u32 s30, $0x4;
	s0 =	simm.s32 $0x1;
	vm8 =	vmand vm6, vm8;
	vm6 =	veq.f32 v61, v10;
	v14 =	vadd.s32 v58, v14  }
0x17a: {  	s5 =	sshll.u32 s31, $0x5;
	s22 =	simm.s32 $0xB0;
	s0 =	simm.s32 @!p0 $0x0;
	vm5 =	vmand vm3, vm5;
	vm3 =	vgt.f32 v61, v10;
	v14 =	vadd.s32 v60, v14  }
0x17b: {  	s23 =	sadd.s32 $0x200, s1;
	s1 =	sadd.s32 $0x220, s5;
	s24 =	sshll.u32 s0, $0x6;
	vm7 =	vmor vm7, vm8;
	vm8 =	vgt.f32 v63, v10;
	v14 =	vadd.s32 v62, v14  }
.LBB2_17:
0x17c: {  	p1 =	sne.s32 s22, $0x1870;
	s0 =	sadd.s32 s24, s18;
	s1 =	sor.u32 $0x380, s1;
	v33 =	vsel vm7, $0x1, v8;
	vm7 =	vmor vm8, vm9;
	vm4 =	vmor vm4, vm5  }
0x17d: {  	vm2 =	vmand vm2, vm6;
	s0 =	sor.u32 $0x380, s0;
	v34 =	vld [tilespmem:s1+$0x480];
	s1 =	sadd.s32 $0x30, s23;
	v11 =	vadd.s32 v33, v11;
	v33 =	vsel vm7, $0x1, v8  }
0x17e: {  	s5 =	sadd.s32 $0x10, s23;
	vm2 =	vmor vm3, vm2;
	v35 =	vld [tilespmem:s0+$0x480];
	s0 =	sadd.s32 s17, s15;
	s1 =	sor.u32 $0x380, s1;
	v11 =	vadd.s32 v33, v11;
	v33 =	vsel vm4, $0x1, v8  }
0x17f: {  	s5 =	sor.u32 $0x380, s5;
	s17 =	smov.u32 s22;
	v36 =	vld [tilespmem:s1+$0x480];
	v37 =	vor.u32 s0, v7;
	v11 =	vadd.s32 v33, v11;
	v33 =	vsel vm2, $0x1, v8  }
0x180: {  	s1 =	sadd.s32 $0xFFFFFFD0, s0;
	v38 =	vld [tilespmem:s5+$0x480];
	s5 =	sadd.s32 $0xFFFFFFE0, s0;
	s0 =	sadd.s32 $0xFFFFFFF0, s0;
	vm2 =	vlt.s32 v37, v9;
	v11 =	vadd.s32 v33, v11  }
0x181: {  	s18 =	sadd.s32 $0x200, s18;
	v33 =	vor.u32 s1, v7;
	v37 =	vor.u32 s5, v7;
	v39 =	vor.u32 s0, v7  }
.Ltmp7:
0x182: {  	s19 =	sadd.s32 $0x4, s19;
	s20 =	sadd.s32 $0x200, s20;
	vm6 =	vlt.s32 v33, v9;
	vm9 =	vlt.s32 v37, v9;
	vm3 =	vlt.s32 v39, v9;
	(pc) =	sbr.rel @p1 .LBB2_17-.Ltmp7, $4  }
0x183: {  	s21 =	sadd.s32 $0x2, s21;
	p0 =	por !p0, !p0;
	s5 =	simm.s32 $0x1;
	vm4 =	vgt.f32 v34, v10;
	vm5 =	veq.f32 v34, v10;
	vm7 =	vgt.f32 v35, v10  }
0x184: {  	s1 =	sand.u32 $0x3, s21;
	s0 =	sand.u32 $0x7, s19;
	s5 =	simm.s32 @!p0 $0x0;
	vm8 =	veq.f32 v35, v10;
	vm5 =	vmand vm3, vm5;
	vm3 =	vgt.f32 v36, v10  }
0x185: {  	s1 =	sshll.u32 s1, $0x5;
	s0 =	sshll.u32 s0, $0x4;
	s24 =	sshll.u32 s5, $0x6;
	vm8 =	vmand vm6, vm8;
	vm6 =	veq.f32 v36, v10;
	vm10 =	veq.f32 v38, v10  }
0x186: {  	s22 =	sadd.s32 $0x40, s22;
	s1 =	sadd.s32 s1, s20;
	s23 =	sadd.s32 s0, s18;
	vm7 =	vmor vm7, vm8;
	vm8 =	vgt.f32 v38, v10;
	vm9 =	vmand vm9, vm10  }
0x187: {  	s0 =	sadd.s32 s24, s18;
	s1 =	sor.u32 $0x380, s1;
	v33 =	vsel vm7, $0x1, v8;
	vm11 =	vmor vm8, vm9  }
0x188: {  	vm4 =	vmor vm4, vm5;
	s28 =	sadd.s32 $0x30, s23;
	vm2 =	vmand vm2, vm6;
	s0 =	sor.u32 $0x380, s0;
	v34 =	vld [tilespmem:s1+$0x480];
	v11 =	vadd.s32 v33, v11  }
0x189: {  	s29 =	sadd.s32 s17, s15;
	s5 =	sadd.s32 $0x10, s23;
	v55 =	vsel vm11, $0x1, v8;
	s1 =	sor.u32 $0x380, s28;
	v56 =	vsel vm4, $0x1, v8;
	vm2 =	vmor vm3, vm2;
	v35 =	vld [tilespmem:s0+$0x480]  }
0x18a: {  	s5 =	sor.u32 $0x380, s5;
	v37 =	vor.u32 s29, v7;
	s30 =	sadd.s32 $0xFFFFFFD0, s29;
	s31 =	sadd.s32 $0xFFFFFFE0, s29;
	v11 =	vadd.s32 v55, v11;
	v36 =	vld [tilespmem:s1+$0x480];
	v57 =	vsel vm2, $0x1, v8  }
0x18b: {  	v38 =	vld [tilespmem:s5+$0x480];
	s0 =	sadd.s32 $0xFFFFFFF0, s29;
	vm2 =	vlt.s32 v37, v9;
	v58 =	vor.u32 s30, v7;
	v59 =	vor.u32 s31, v7  }
0x18c: {  	v11 =	vadd.s32 v56, v11;
	v39 =	vor.u32 s0, v7;
	vm12 =	vlt.s32 v58, v9  }
0x18d: {  	vm4 =	vlt.s32 v59, v9;
	v11 =	vadd.s32 v57, v11;
	vm13 =	vlt.s32 v39, v9  }
0x18e: {  	vm15 =	vgt.f32 v34, v10;
	vm0 =	veq.f32 v34, v10;
	vm14 =	vgt.f32 v35, v10  }
0x18f: {  	vm1 =	veq.f32 v35, v10;
	vm5 =	vmand vm13, vm0;
	vm8 =	vgt.f32 v36, v10  }
0x190: {  	s16 =	sadd.s32 $0x1, s16;
	vm10 =	veq.f32 v36, v10;
	vm3 =	vmand vm12, vm1;
	vm12 =	veq.f32 v38, v10  }
0x191: {  	p0 =	sne.s32 s16, $0xF;
	vm13 =	vgt.f32 v38, v10;
	vm3 =	vmor vm14, vm3;
	vm4 =	vmand vm4, vm12  }
.Ltmp8:
0x192: {  	vm15 =	vmor vm15, vm5;
	v60 =	vsel vm3, $0x1, v8;
	vm14 =	vmor vm13, vm4;
	(pc) =	sbr.rel @p0 .LBB2_2-.Ltmp8, $4  }
0x193: {  	vm2 =	vmand vm2, vm10;
	v11 =	vadd.s32 v60, v11;
	v61 =	vsel vm14, $0x1, v8  }
0x194: {  	v62 =	vsel vm15, $0x1, v8;
	vm2 =	vmor vm8, vm2;
	v11 =	vadd.s32 v61, v11  }
0x195: {  	v63 =	vsel vm2, $0x1, v8;
	v11 =	vadd.s32 v62, v11  }
0x196: {  	s15 =	sadd.s32 $0x1880, s15;
	v11 =	vadd.s32 v63, v11  }
0x197: {  	s15 =	simm.s32 $0x0  }
0x198: {  	[tilespmem:s12], [sflag:$0x1] =	stream.linear.gather [hbm4b:s6+s15], $0xBC00, $0x38;
	[tilespmem:$0xC900] =	vst v63  }
0x199: {  	_ =	swait.ge [sflag:s11], $0xBC00  }
0x19a: {  	s18 =	sand.u32 $0x40, s15;
	s19 =	sand.u32 $0xFC00, s15;
	[sflag:s11] =	ssyncset.done $0x0  }
0x19b: {  	s22 =	sor.u32 s18, s19;
	[sflag:s11] =	ssyncadd.s32 $0xFFFF4400  }
0x19c: {  	s17 =	simm.s32 $0x16FB0;
	v33 =	vld [tilespmem:s22+$0x4B0]  }
0x19d: {  	s23 =	simm.s32 $0x16F90;
	s16 =	simm.s32 $0x16FA0;
	v36 =	vmov s17;
	v37 =	vor.u32 s17, v7;
	v34 =	vld [tilespmem:s22+$0x4A0]  }
0x19e: {  	s1 =	simm.s32 $0x16F80;
	s20 =	simm.s32 $0x40;
	s21 =	simm.s32 $0x0;
	v38 =	vmov s23;
	v40 =	vmov s16;
	v39 =	vor.u32 s16, v7;
	v35 =	vld [tilespmem:s22+$0x490]  }
.LBB2_20:
0x19f: {  	p0 =	sne.s32 s20, $0x1740;
	v41 =	vld [tilespmem:s22+$0x480];
	v42 =	vmov s1;
	v43 =	vor.u32 s1, v7;
	v44 =	vor.u32 s23, v7  }
0x1a0: {  	vm2 =	vlt.u32 v40, $0x186A0;
	vm3 =	vlt.u32 v36, $0x186A0;
	vm4 =	vlt.s32 v37, v29  }
0x1a1: {  	vm5 =	vlt.u32 v38, $0x186A0;
	vm7 =	vlt.s32 v39, v29;
	vm6 =	vlt.s32 v44, v29  }
0x1a2: {  	vm8 =	vlt.u32 v42, $0x186A0;
	vm9 =	vlt.s32 v43, v29;
	vm10 =	vgt.f32 v33, v30  }
0x1a3: {  	vm13 =	veq.f32 v33, v30;
	vm11 =	vgt.f32 v34, v30;
	vm12 =	veq.f32 v34, v30  }
0x1a4: {  	vm15 =	vgt.f32 v35, v30;
	vm0 =	veq.f32 v35, v30;
	vm14 =	vgt.f32 v41, v30  }
0x1a5: {  	vm3 =	vmand vm3, vm10;
	vm4 =	vmand vm4, vm13;
	vm1 =	veq.f32 v41, v30  }
0x1a6: {  	vm2 =	vmand vm2, vm11;
	vm8 =	vmand vm8, vm14;
	vm1 =	vmand vm9, vm1  }
0x1a7: {  	vm5 =	vmand vm5, vm15;
	vm0 =	vmand vm6, vm0;
	vm1 =	vmor vm8, vm1  }
0x1a8: {  	s21 =	sadd.s32 $0x200, s21;
	vm0 =	vmor vm5, vm0;
	v33 =	vsel vm1, $0x1, v8;
	vm1 =	vmand vm7, vm12  }
.Ltmp9:
0x1a9: {  	s0 =	sand.u32 $0x40, s20;
	s1 =	sand.u32 $0xFC00, s21;
	v32 =	vadd.s32 v33, v32;
	v33 =	vsel vm0, $0x1, v8;
	vm0 =	vmor vm2, vm1;
	(pc) =	sbr.rel @p0 .LBB2_20-.Ltmp9, $4  }
0x1aa: {  	s22 =	sor.u32 s0, s1;
	v32 =	vadd.s32 v33, v32;
	v34 =	vsel vm0, $0x1, v8;
	vm0 =	vmor vm3, vm4  }
0x1ab: {  	s0 =	sadd.s32 $0x16FB0, s20;
	v32 =	vadd.s32 v34, v32;
	v35 =	vsel vm0, $0x1, v8;
	v33 =	vld [tilespmem:s22+$0x4B0]  }
0x1ac: {  	s23 =	sadd.s32 $0x16F90, s20;
	s5 =	sadd.s32 $0x16FA0, s20;
	v36 =	vmov s0;
	v37 =	vor.u32 s0, v7;
	v32 =	vadd.s32 v35, v32;
	v34 =	vld [tilespmem:s22+$0x4A0]  }
0x1ad: {  	v38 =	vmov s23;
	v40 =	vmov s5;
	v39 =	vor.u32 s5, v7;
	s1 =	sadd.s32 $0x16F80, s20;
	s20 =	sadd.s32 $0x40, s20;
	v35 =	vld [tilespmem:s22+$0x490]  }
0x1ae: {  	v42 =	vmov s1;
	v43 =	vor.u32 s1, v7  }
0x1af: {  	v44 =	vor.u32 s23, v7;
	vm0 =	vlt.u32 v40, $0x186A0;
	vm1 =	vlt.u32 v36, $0x186A0  }
0x1b0: {  	v41 =	vld [tilespmem:s22+$0x480];
	vm2 =	vlt.s32 v37, v29;
	vm3 =	vlt.u32 v38, $0x186A0;
	vm5 =	vlt.s32 v39, v29  }
0x1b1: {  	v38 =	vmov s16;
	v37 =	vor.u32 s16, v7;
	vm4 =	vlt.s32 v44, v29  }
0x1b2: {  	vm6 =	vlt.u32 v42, $0x186A0;
	vm7 =	vlt.s32 v43, v29;
	vm8 =	vgt.f32 v33, v30  }
0x1b3: {  	vm11 =	veq.f32 v33, v30;
	vm9 =	vgt.f32 v34, v30;
	vm10 =	veq.f32 v34, v30  }
0x1b4: {  	vm1 =	vmand vm1, vm8;
	vm2 =	vmand vm2, vm11;
	vm13 =	vgt.f32 v35, v30  }
0x1b5: {  	vm14 =	veq.f32 v35, v30;
	vm12 =	vgt.f32 v41, v30;
	vm15 =	veq.f32 v41, v30  }
0x1b6: {  	vm0 =	vmand vm0, vm9;
	vm6 =	vmand vm6, vm12;
	vm7 =	vmand vm7, vm15  }
0x1b7: {  	vm3 =	vmand vm3, vm13;
	vm4 =	vmand vm4, vm14;
	vm6 =	vmor vm6, vm7  }
0x1b8: {  	vm14 =	vmand vm5, vm10;
	vm3 =	vmor vm3, vm4;
	v29 =	vsel vm6, $0x1, v8  }
0x1b9: {  	s18 =	sor.u32 s18, s19;
	vm0 =	vmor vm0, vm14;
	v30 =	vsel vm3, $0x1, v8;
	v29 =	vadd.s32 v29, v32  }
0x1ba: {  	s19 =	simm.s32 $0x16F90;
	v33 =	vld [tilespmem:s18+$0x510];
	vm15 =	vmor vm1, vm2;
	v29 =	vadd.s32 v30, v29;
	v30 =	vsel vm0, $0x1, v8  }
0x1bb: {  	v36 =	vmov s19;
	v63 =	vsel vm15, $0x1, v8;
	v29 =	vadd.s32 v30, v29;
	v30 =	vld [tilespmem:s18+$0x530]  }
0x1bc: {  	s1 =	simm.s32 $0x16F80;
	s16 =	simm.s32 $0x40;
	v34 =	vmov s17;
	v35 =	vor.u32 s17, v7;
	v32 =	vld [tilespmem:s18+$0x520];
	v29 =	vadd.s32 v63, v29  }
.LBB2_22:
0x1bd: {  	p0 =	sne.s32 s16, $0x1740;
	v39 =	vld [tilespmem:s18+$0x500];
	v40 =	vmov s1;
	v41 =	vor.u32 s1, v7;
	v42 =	vor.u32 s19, v7  }
0x1be: {  	vm0 =	vlt.u32 v38, $0x186A0;
	vm1 =	vlt.u32 v34, $0x186A0;
	vm2 =	vlt.s32 v35, v26  }
0x1bf: {  	vm3 =	vlt.u32 v36, $0x186A0;
	vm5 =	vlt.s32 v37, v26;
	vm4 =	vlt.s32 v42, v26  }
0x1c0: {  	vm6 =	vlt.u32 v40, $0x186A0;
	vm7 =	vlt.s32 v41, v26;
	vm8 =	vgt.f32 v30, v27  }
0x1c1: {  	vm11 =	veq.f32 v30, v27;
	vm9 =	vgt.f32 v32, v27;
	vm10 =	veq.f32 v32, v27  }
0x1c2: {  	vm13 =	vgt.f32 v33, v27;
	vm14 =	veq.f32 v33, v27;
	vm12 =	vgt.f32 v39, v27  }
0x1c3: {  	vm1 =	vmand vm1, vm8;
	vm2 =	vmand vm2, vm11;
	vm15 =	veq.f32 v39, v27  }
0x1c4: {  	vm0 =	vmand vm0, vm9;
	vm6 =	vmand vm6, vm12;
	vm7 =	vmand vm7, vm15  }
0x1c5: {  	vm3 =	vmand vm3, vm13;
	vm4 =	vmand vm4, vm14;
	vm6 =	vmor vm6, vm7  }
0x1c6: {  	s15 =	sadd.s32 $0x200, s15;
	vm3 =	vmor vm3, vm4;
	vm4 =	vmand vm5, vm10;
	v30 =	vsel vm6, $0x1, v8  }
.Ltmp10:
0x1c7: {  	s0 =	sand.u32 $0x40, s16;
	s1 =	sand.u32 $0xFC00, s15;
	vm0 =	vmor vm0, vm4;
	v30 =	vadd.s32 v30, v31;
	v31 =	vsel vm3, $0x1, v8;
	(pc) =	sbr.rel @p0 .LBB2_22-.Ltmp10, $4  }
0x1c8: {  	s18 =	sor.u32 s0, s1;
	v32 =	vsel vm0, $0x1, v8;
	vm0 =	vmor vm1, vm2;
	v31 =	vadd.s32 v31, v30  }
0x1c9: {  	s0 =	sadd.s32 $0x16FB0, s16;
	v33 =	vsel vm0, $0x1, v8;
	v31 =	vadd.s32 v32, v31;
	v30 =	vld [tilespmem:s18+$0x530]  }
0x1ca: {  	s19 =	sadd.s32 $0x16F90, s16;
	s5 =	sadd.s32 $0x16FA0, s16;
	v34 =	vmov s0;
	v35 =	vor.u32 s0, v7;
	v31 =	vadd.s32 v33, v31;
	v32 =	vld [tilespmem:s18+$0x520]  }
0x1cb: {  	v36 =	vmov s19;
	v38 =	vmov s5;
	v37 =	vor.u32 s5, v7;
	s1 =	sadd.s32 $0x16F80, s16;
	s16 =	sadd.s32 $0x40, s16;
	v33 =	vld [tilespmem:s18+$0x510]  }
0x1cc: {  	v40 =	vmov s1;
	v41 =	vor.u32 s1, v7  }
0x1cd: {  	v42 =	vor.u32 s19, v7;
	vm0 =	vlt.u32 v38, $0x186A0;
	vm1 =	vlt.u32 v34, $0x186A0  }
0x1ce: {  	v39 =	vld [tilespmem:s18+$0x500];
	vm2 =	vlt.s32 v35, v26;
	vm3 =	vlt.u32 v36, $0x186A0;
	vm5 =	vlt.s32 v37, v26  }
0x1cf: {  	s23 =	simm.s32 $0x16F90;
	s17 =	simm.s32 $0x16FA0;
	vm4 =	vlt.s32 v42, v26;
	vm6 =	vlt.u32 v40, $0x186A0;
	vm7 =	vlt.s32 v41, v26  }
0x1d0: {  	v34 =	vmov s23;
	v36 =	vmov s17;
	vm8 =	vgt.f32 v30, v27  }
0x1d1: {  	vm11 =	veq.f32 v30, v27;
	vm9 =	vgt.f32 v32, v27;
	vm10 =	veq.f32 v32, v27  }
0x1d2: {  	vm1 =	vmand vm1, vm8;
	vm2 =	vmand vm2, vm11;
	vm13 =	vgt.f32 v33, v27  }
0x1d3: {  	vm14 =	veq.f32 v33, v27;
	vm12 =	vgt.f32 v39, v27;
	vm15 =	veq.f32 v39, v27  }
0x1d4: {  	vm0 =	vmand vm0, vm9;
	vm6 =	vmand vm6, vm12;
	vm7 =	vmand vm7, vm15  }
0x1d5: {  	s15 =	simm.s32 $0x0;
	vm3 =	vmand vm3, vm13;
	vm4 =	vmand vm4, vm14;
	vm6 =	vmor vm6, vm7  }
0x1d6: {  	s16 =	sand.u32 $0x40, s15;
	s18 =	sand.u32 $0xFC00, s15;
	vm14 =	vmand vm5, vm10;
	vm3 =	vmor vm3, vm4;
	v26 =	vsel vm6, $0x1, v8  }
0x1d7: {  	s22 =	sor.u32 s16, s18;
	vm0 =	vmor vm0, vm14;
	v27 =	vsel vm3, $0x1, v8;
	v26 =	vadd.s32 v26, v31  }
0x1d8: {  	vm15 =	vmor vm1, vm2;
	v31 =	vld [tilespmem:s22+$0x590];
	v26 =	vadd.s32 v27, v26;
	v27 =	vsel vm0, $0x1, v8  }
0x1d9: {  	s19 =	simm.s32 $0x16FB0;
	v35 =	vor.u32 s17, v7;
	v30 =	vsel vm15, $0x1, v8;
	v26 =	vadd.s32 v27, v26;
	v27 =	vld [tilespmem:s22+$0x5B0]  }
0x1da: {  	s1 =	simm.s32 $0x16F80;
	s20 =	simm.s32 $0x40;
	s21 =	simm.s32 $0x0;
	v32 =	vmov s19;
	v33 =	vor.u32 s19, v7;
	v26 =	vadd.s32 v30, v26;
	v30 =	vld [tilespmem:s22+$0x5A0]  }
.LBB2_24:
0x1db: {  	p0 =	sne.s32 s20, $0x1740;
	v37 =	vld [tilespmem:s22+$0x580];
	v38 =	vmov s1;
	v39 =	vor.u32 s1, v7;
	v40 =	vor.u32 s23, v7  }
0x1dc: {  	vm0 =	vlt.u32 v36, $0x186A0;
	vm1 =	vlt.u32 v32, $0x186A0;
	vm2 =	vlt.s32 v33, v23  }
0x1dd: {  	vm3 =	vlt.u32 v34, $0x186A0;
	vm5 =	vlt.s32 v35, v23;
	vm4 =	vlt.s32 v40, v23  }
0x1de: {  	vm6 =	vlt.u32 v38, $0x186A0;
	vm7 =	vlt.s32 v39, v23;
	vm8 =	vgt.f32 v27, v24  }
0x1df: {  	vm11 =	veq.f32 v27, v24;
	vm9 =	vgt.f32 v30, v24;
	vm10 =	veq.f32 v30, v24  }
0x1e0: {  	vm13 =	vgt.f32 v31, v24;
	vm14 =	veq.f32 v31, v24;
	vm12 =	vgt.f32 v37, v24  }
0x1e1: {  	vm1 =	vmand vm1, vm8;
	vm2 =	vmand vm2, vm11;
	vm15 =	veq.f32 v37, v24  }
0x1e2: {  	vm0 =	vmand vm0, vm9;
	vm6 =	vmand vm6, vm12;
	vm7 =	vmand vm7, vm15  }
0x1e3: {  	vm3 =	vmand vm3, vm13;
	vm4 =	vmand vm4, vm14;
	vm6 =	vmor vm6, vm7  }
0x1e4: {  	s21 =	sadd.s32 $0x200, s21;
	vm3 =	vmor vm3, vm4;
	vm4 =	vmand vm5, vm10;
	v27 =	vsel vm6, $0x1, v8  }
.Ltmp11:
0x1e5: {  	s0 =	sand.u32 $0x40, s20;
	s1 =	sand.u32 $0xFC00, s21;
	vm0 =	vmor vm0, vm4;
	v27 =	vadd.s32 v27, v28;
	v28 =	vsel vm3, $0x1, v8;
	(pc) =	sbr.rel @p0 .LBB2_24-.Ltmp11, $4  }
0x1e6: {  	s22 =	sor.u32 s0, s1;
	v30 =	vsel vm0, $0x1, v8;
	vm0 =	vmor vm1, vm2;
	v28 =	vadd.s32 v28, v27  }
0x1e7: {  	s0 =	sadd.s32 $0x16FB0, s20;
	v31 =	vsel vm0, $0x1, v8;
	v28 =	vadd.s32 v30, v28;
	v27 =	vld [tilespmem:s22+$0x5B0]  }
0x1e8: {  	s23 =	sadd.s32 $0x16F90, s20;
	s5 =	sadd.s32 $0x16FA0, s20;
	v32 =	vmov s0;
	v33 =	vor.u32 s0, v7;
	v28 =	vadd.s32 v31, v28;
	v30 =	vld [tilespmem:s22+$0x5A0]  }
0x1e9: {  	v34 =	vmov s23;
	v36 =	vmov s5;
	v35 =	vor.u32 s5, v7;
	s1 =	sadd.s32 $0x16F80, s20;
	s20 =	sadd.s32 $0x40, s20;
	v31 =	vld [tilespmem:s22+$0x590]  }
0x1ea: {  	v38 =	vmov s1;
	v39 =	vor.u32 s1, v7  }
0x1eb: {  	v40 =	vor.u32 s23, v7;
	vm0 =	vlt.u32 v36, $0x186A0;
	vm1 =	vlt.u32 v32, $0x186A0  }
0x1ec: {  	v37 =	vld [tilespmem:s22+$0x580];
	vm2 =	vlt.s32 v33, v23;
	vm3 =	vlt.u32 v34, $0x186A0;
	vm5 =	vlt.s32 v35, v23  }
0x1ed: {  	v34 =	vmov s17;
	v33 =	vor.u32 s17, v7;
	vm4 =	vlt.s32 v40, v23  }
0x1ee: {  	vm6 =	vlt.u32 v38, $0x186A0;
	vm7 =	vlt.s32 v39, v23;
	vm8 =	vgt.f32 v27, v24  }
0x1ef: {  	vm11 =	veq.f32 v27, v24;
	vm9 =	vgt.f32 v30, v24;
	vm10 =	veq.f32 v30, v24  }
0x1f0: {  	vm1 =	vmand vm1, vm8;
	vm2 =	vmand vm2, vm11;
	vm13 =	vgt.f32 v31, v24  }
0x1f1: {  	vm14 =	veq.f32 v31, v24;
	vm12 =	vgt.f32 v37, v24;
	vm15 =	veq.f32 v37, v24  }
0x1f2: {  	vm0 =	vmand vm0, vm9;
	vm6 =	vmand vm6, vm12;
	vm7 =	vmand vm7, vm15  }
0x1f3: {  	vm3 =	vmand vm3, vm13;
	vm4 =	vmand vm4, vm14;
	vm6 =	vmor vm6, vm7  }
0x1f4: {  	vm14 =	vmand vm5, vm10;
	vm3 =	vmor vm3, vm4;
	v23 =	vsel vm6, $0x1, v8  }
0x1f5: {  	s18 =	sor.u32 s16, s18;
	vm0 =	vmor vm0, vm14;
	v24 =	vsel vm3, $0x1, v8;
	v23 =	vadd.s32 v23, v28  }
0x1f6: {  	s20 =	simm.s32 $0x16F90;
	vm15 =	vmor vm1, vm2;
	v28 =	vld [tilespmem:s18+$0x610];
	v23 =	vadd.s32 v24, v23;
	v24 =	vsel vm0, $0x1, v8  }
0x1f7: {  	v32 =	vmov s20;
	v27 =	vsel vm15, $0x1, v8;
	v23 =	vadd.s32 v24, v23;
	v24 =	vld [tilespmem:s18+$0x630]  }
0x1f8: {  	s1 =	simm.s32 $0x16F80;
	s16 =	simm.s32 $0x40;
	v30 =	vmov s19;
	v31 =	vor.u32 s19, v7;
	v23 =	vadd.s32 v27, v23;
	v27 =	vld [tilespmem:s18+$0x620]  }
.LBB2_26:
0x1f9: {  	p0 =	sne.s32 s16, $0x1740;
	v35 =	vld [tilespmem:s18+$0x600];
	v36 =	vmov s1;
	v37 =	vor.u32 s1, v7;
	v38 =	vor.u32 s20, v7  }
0x1fa: {  	vm0 =	vlt.u32 v34, $0x186A0;
	vm1 =	vlt.u32 v30, $0x186A0;
	vm2 =	vlt.s32 v31, v20  }
0x1fb: {  	vm3 =	vlt.u32 v32, $0x186A0;
	vm5 =	vlt.s32 v33, v20;
	vm4 =	vlt.s32 v38, v20  }
0x1fc: {  	vm6 =	vlt.u32 v36, $0x186A0;
	vm7 =	vlt.s32 v37, v20;
	vm8 =	vgt.f32 v24, v21  }
0x1fd: {  	vm11 =	veq.f32 v24, v21;
	vm9 =	vgt.f32 v27, v21;
	vm10 =	veq.f32 v27, v21  }
0x1fe: {  	vm13 =	vgt.f32 v28, v21;
	vm14 =	veq.f32 v28, v21;
	vm12 =	vgt.f32 v35, v21  }
0x1ff: {  	vm1 =	vmand vm1, vm8;
	vm2 =	vmand vm2, vm11;
	vm15 =	veq.f32 v35, v21  }
0x200: {  	vm0 =	vmand vm0, vm9;
	vm6 =	vmand vm6, vm12;
	vm7 =	vmand vm7, vm15  }
0x201: {  	vm3 =	vmand vm3, vm13;
	vm4 =	vmand vm4, vm14;
	vm6 =	vmor vm6, vm7  }
0x202: {  	s15 =	sadd.s32 $0x200, s15;
	vm3 =	vmor vm3, vm4;
	vm4 =	vmand vm5, vm10;
	v24 =	vsel vm6, $0x1, v8  }
.Ltmp12:
0x203: {  	s0 =	sand.u32 $0x40, s16;
	s1 =	sand.u32 $0xFC00, s15;
	vm0 =	vmor vm0, vm4;
	v24 =	vadd.s32 v24, v25;
	v25 =	vsel vm3, $0x1, v8;
	(pc) =	sbr.rel @p0 .LBB2_26-.Ltmp12, $4  }
0x204: {  	s18 =	sor.u32 s0, s1;
	v27 =	vsel vm0, $0x1, v8;
	vm0 =	vmor vm1, vm2;
	v25 =	vadd.s32 v25, v24  }
0x205: {  	s0 =	sadd.s32 $0x16FB0, s16;
	v28 =	vsel vm0, $0x1, v8;
	v25 =	vadd.s32 v27, v25;
	v24 =	vld [tilespmem:s18+$0x630]  }
0x206: {  	s20 =	sadd.s32 $0x16F90, s16;
	s5 =	sadd.s32 $0x16FA0, s16;
	v30 =	vmov s0;
	v31 =	vor.u32 s0, v7;
	v25 =	vadd.s32 v28, v25;
	v27 =	vld [tilespmem:s18+$0x620]  }
0x207: {  	v32 =	vmov s20;
	v34 =	vmov s5;
	v33 =	vor.u32 s5, v7;
	s1 =	sadd.s32 $0x16F80, s16;
	s16 =	sadd.s32 $0x40, s16;
	v28 =	vld [tilespmem:s18+$0x610]  }
0x208: {  	v36 =	vmov s1;
	v37 =	vor.u32 s1, v7;
	v38 =	vor.u32 s20, v7  }
0x209: {  	vm0 =	vlt.u32 v34, $0x186A0;
	vm1 =	vlt.u32 v30, $0x186A0;
	vm2 =	vlt.s32 v31, v20  }
0x20a: {  	vm3 =	vlt.u32 v32, $0x186A0;
	vm5 =	vlt.s32 v33, v20;
	s28 =	simm.s32 $0x16FB0;
	vm4 =	vlt.s32 v38, v20  }
0x20b: {  	v35 =	vld [tilespmem:s18+$0x600];
	s29 =	simm.s32 $0x16FA0;
	s15 =	simm.s32 $0x16F90;
	s31 =	simm.s32 $0x16F80;
	vm6 =	vlt.u32 v36, $0x186A0;
	vm7 =	vlt.s32 v37, v20;
	v58 =	vmov s28  }
0x20c: {  	v60 =	vmov s15;
	v61 =	vmov s29;
	v63 =	vmov s31  }
0x20d: {  	vm8 =	vgt.f32 v24, v21;
	vm11 =	veq.f32 v24, v21;
	v24 =	vor.u32 s28, v7  }
0x20e: {  	p0 =	por $0x0, $0x0;
	s0 =	simm.s32 $0x1;
	vm9 =	vgt.f32 v27, v21;
	vm10 =	veq.f32 v27, v21;
	vm1 =	vmand vm1, vm8  }
0x20f: {  	s0 =	simm.s32 @!p0 $0x0;
	vm2 =	vmand vm2, vm11;
	v27 =	vor.u32 s15, v7;
	vm13 =	vgt.f32 v28, v21  }
0x210: {  	s0 =	sshll.u32 s0, $0x6;
	vm14 =	veq.f32 v28, v21;
	vm0 =	vmand vm0, vm9;
	vm12 =	vgt.f32 v35, v21  }
0x211: {  	s16 =	sadd.s32 $0x0, s0;
	vm15 =	veq.f32 v35, v21;
	vm3 =	vmand vm3, vm13;
	vm4 =	vmand vm4, vm14  }
0x212: {  	s0 =	sor.u32 $0x230, s16;
	vm13 =	vmand vm5, vm10;
	vm14 =	vmor vm1, vm2;
	vm2 =	vlt.u32 v61, $0x186A0  }
0x213: {  	s5 =	sor.u32 $0x220, s16;
	v28 =	vld [tilespmem:s0+$0x480];
	vm1 =	vlt.s32 v27, v17;
	vm6 =	vmand vm6, vm12;
	vm7 =	vmand vm7, vm15  }
0x214: {  	s30 =	sor.u32 $0x200, s16;
	v31 =	vld [tilespmem:s5+$0x480];
	vm5 =	vlt.u32 v63, $0x186A0;
	vm3 =	vmor vm3, vm4;
	vm6 =	vmor vm6, vm7  }
0x215: {  	s13 =	sor.u32 $0x210, s16;
	v62 =	vld [tilespmem:s30+$0x480];
	vm0 =	vmor vm0, vm13;
	v30 =	vsel vm14, $0x1, v8;
	v20 =	vsel vm6, $0x1, v8  }
0x216: {  	v59 =	vld [tilespmem:s13+$0x480];
	vm4 =	vlt.u32 v58, $0x186A0;
	v21 =	vsel vm3, $0x1, v8;
	v20 =	vadd.s32 v20, v25  }
0x217: {  	vm3 =	vlt.u32 v60, $0x186A0;
	v25 =	vor.u32 s31, v7;
	v20 =	vadd.s32 v21, v20  }
0x218: {  	v21 =	vsel vm0, $0x1, v8;
	vm0 =	vlt.s32 v24, v17;
	vm7 =	vlt.s32 v25, v17  }
0x219: {  	vm8 =	vgt.f32 v28, v18;
	vm9 =	vgt.f32 v31, v18;
	vm10 =	veq.f32 v31, v18  }
0x21a: {  	vm11 =	veq.f32 v28, v18;
	vm12 =	vgt.f32 v62, v18;
	v28 =	vimm.s32 $0x0  }
0x21b: {  	vm13 =	veq.f32 v59, v18;
	vm14 =	veq.f32 v62, v18;
	v28 =	vsel vm4, $0xFFFFFFFF, v28  }
0x21c: {  	v20 =	vadd.s32 v21, v20;
	v21 =	vor.u32 s29, v7;
	[tilespmem:$0x1FFC0] =	vst v28;
	v28 =	vimm.s32 $0x0  }
0x21d: {  	vm0 =	vmand vm0, vm11;
	vm11 =	vgt.f32 v59, v18;
	v28 =	vsel vm5, $0xFFFFFFFF, v28  }
0x21e: {  	vm8 =	vmand vm4, vm8;
	vm12 =	vmand vm5, vm12;
	[tilespmem:$0x1FFD0] =	vst v28;
	v28 =	vimm.s32 $0x0  }
0x21f: {  	vm7 =	vmand vm7, vm14;
	vm9 =	vmand vm2, vm9;
	v28 =	vsel vm2, $0xFFFFFFFF, v28  }
0x220: {  	p1 =	por !p0, !p0;
	s0 =	simm.s32 $0x1;
	vm1 =	vmand vm1, vm13;
	vm6 =	vlt.s32 v21, v17;
	[tilespmem:$0x1FFE0] =	vst v28;
	v28 =	vimm.s32 $0x0  }
0x221: {  	s0 =	simm.s32 @!p1 $0x0;
	vm7 =	vmor vm12, vm7;
	vm11 =	vmand vm3, vm11;
	v28 =	vsel vm3, $0xFFFFFFFF, v28  }
0x222: {  	s0 =	sshll.u32 s0, $0x6;
	vm1 =	vmor vm11, vm1;
	vm6 =	vmand vm6, vm10;
	[tilespmem:$0x1FFF0] =	vst v28;
	v28 =	vsel vm7, $0x1, v8  }
0x223: {  	s17 =	simm.s32 $0x200;
	s22 =	simm.s32 $0x16FF0;
	s20 =	sadd.s32 $0x200, s0;
	vm15 =	vmor vm9, vm6;
	v22 =	vadd.s32 v28, v22;
	v28 =	vsel vm1, $0x1, v8  }
0x224: {  	s21 =	simm.s32 $0x16FE0;
	s18 =	simm.s32 $0x80;
	s0 =	sor.u32 $0x230, s20;
	vm0 =	vmor vm8, vm0;
	v22 =	vadd.s32 v28, v22;
	v28 =	vsel vm15, $0x1, v8  }
0x225: {  	s19 =	simm.s32 $0x40;
	s15 =	simm.s32 $0x40;
	s23 =	sor.u32 $0x220, s20;
	v20 =	vadd.s32 v30, v20;
	v30 =	vld [tilespmem:s0+$0x480];
	v22 =	vadd.s32 v28, v22;
	v28 =	vsel vm0, $0x1, v8  }
.LBB2_28:
0x226: {  	p2 =	sne.s32 s18, $0x1740;
	s0 =	sor.u32 $0x210, s20;
	s1 =	sadd.s32 $0x16F90, s19;
	v31 =	vld [tilespmem:s23+$0x480];
	v32 =	vmov s22;
	v33 =	vor.u32 s22, v7;
	v22 =	vadd.s32 v28, v22  }
0x227: {  	s5 =	sor.u32 $0x200, s20;
	s13 =	sadd.s32 $0x16F80, s19;
	v35 =	vmov s21;
	v36 =	vor.u32 s21, v7;
	s19 =	smov.u32 s18;
	v28 =	vld [tilespmem:s0+$0x480];
	v34 =	vmov s1  }
0x228: {  	v38 =	vmov s13;
	v39 =	vor.u32 s13, v7;
	v40 =	vor.u32 s1, v7;
	v37 =	vld [tilespmem:s5+$0x480]  }
0x229: {  	vm0 =	vlt.u32 v35, $0x186A0;
	vm1 =	vlt.u32 v32, $0x186A0;
	vm6 =	vlt.s32 v33, v17  }
0x22a: {  	vm9 =	vlt.s32 v36, v17;
	vm7 =	vlt.u32 v34, $0x186A0;
	vm8 =	vlt.s32 v40, v17  }
0x22b: {  	vm10 =	vlt.u32 v38, $0x186A0;
	vm11 =	vlt.s32 v39, v17;
	vm12 =	vgt.f32 v30, v18  }
0x22c: {  	vm15 =	veq.f32 v30, v18;
	vm13 =	vgt.f32 v31, v18;
	vm14 =	veq.f32 v31, v18  }
0x22d: {  	vm3 =	vgt.f32 v28, v18;
	vm4 =	veq.f32 v28, v18;
	vm2 =	vgt.f32 v37, v18  }
0x22e: {  	vm1 =	vmand vm1, vm12;
	vm6 =	vmand vm6, vm15;
	vm5 =	veq.f32 v37, v18  }
0x22f: {  	p1 =	por !p1, !p1;
	s0 =	simm.s32 $0x1;
	vm0 =	vmand vm0, vm13;
	vm2 =	vmand vm10, vm2;
	vm5 =	vmand vm11, vm5  }
.Ltmp13:
0x230: {  	s0 =	simm.s32 @!p1 $0x0;
	vm3 =	vmand vm7, vm3;
	vm4 =	vmand vm8, vm4;
	vm2 =	vmor vm2, vm5;
	(pc) =	sbr.rel @p2 .LBB2_28-.Ltmp13, $4  }
0x231: {  	s17 =	sadd.s32 $0x200, s17;
	s0 =	sshll.u32 s0, $0x6;
	v28 =	vsel vm2, $0x1, v8;
	vm2 =	vmor vm3, vm4;
	vm3 =	vmand vm9, vm14  }
0x232: {  	s20 =	sadd.s32 s0, s17;
	v22 =	vadd.s32 v28, v22;
	v28 =	vsel vm2, $0x1, v8;
	vm0 =	vmor vm0, vm3  }
0x233: {  	s22 =	sadd.s32 $0x16FB0, s18;
	s0 =	sor.u32 $0x230, s20;
	v22 =	vadd.s32 v28, v22;
	v28 =	vsel vm0, $0x1, v8;
	vm0 =	vmor vm1, vm6  }
0x234: {  	s18 =	sadd.s32 $0x40, s18;
	s21 =	sadd.s32 $0x16FA0, s19;
	s23 =	sor.u32 $0x220, s20;
	v22 =	vadd.s32 v28, v22;
	v28 =	vsel vm0, $0x1, v8;
	v30 =	vld [tilespmem:s0+$0x480]  }
0x235: {  	_ =	sdelay $0x1  }
0x236: {  	s0 =	sadd.s32 $0x16F90, s19;
	v31 =	vmov s22;
	v32 =	vor.u32 s22, v7;
	s5 =	sadd.s32 $0x16F80, s19;
	v36 =	vor.u32 s21, v7  }
0x237: {  	v38 =	vor.u32 s5, v7;
	v40 =	vor.u32 s0, v7;
	vm1 =	vlt.u32 v31, $0x186A0  }
0x238: {  	s28 =	sor.u32 $0x2B0, s16;
	vm2 =	vlt.s32 v32, v17;
	vm4 =	vlt.s32 v40, v17;
	vm7 =	vgt.f32 v30, v18  }
0x239: {  	vm6 =	vlt.s32 v38, v17;
	vm1 =	vmand vm1, vm7;
	vm7 =	vlt.s32 v36, v17;
	v17 =	vld [tilespmem:s28+$0x480];
	_ =	sdelay $0x3  }
0x23a: {  	vm8 =	veq.f32 v30, v18  }
0x23b: {  	vm2 =	vmand vm2, vm8;
	vm8 =	vgt.f32 v17, v16;
	vm10 =	veq.f32 v17, v16;
	v17 =	vld [tilespmem:$0x1FFC0]  }
0x23c: {  	s1 =	sor.u32 $0x200, s20;
	v39 =	vld [tilespmem:s23+$0x480]  }
0x23d: {  	v35 =	vld [tilespmem:s1+$0x480]  }
0x23e: {  	s26 =	sor.u32 $0x210, s20  }
0x23f: {  	v34 =	vmov s21;
	v31 =	vld [tilespmem:s26+$0x480]  }
0x240: {  	vm9 =	vlt.s32 v25, v15;
	v33 =	vmov s0;
	vm11 =	vnez.u8 v17;
	v17 =	vld [tilespmem:$0x1FFD0]  }
0x241: {  	v37 =	vmov s5;
	vm0 =	vlt.u32 v34, $0x186A0;
	vm3 =	vlt.u32 v33, $0x186A0  }
0x242: {  	vm5 =	vlt.u32 v37, $0x186A0;
	vm14 =	vgt.f32 v39, v18;
	vm12 =	vgt.f32 v35, v18  }
0x243: {  	s29 =	sor.u32 $0x280, s16;
	vm13 =	veq.f32 v35, v18;
	vm5 =	vmand vm5, vm12;
	vm12 =	veq.f32 v39, v18  }
0x244: {  	v30 =	vld [tilespmem:s29+$0x480];
	vm0 =	vmand vm0, vm14;
	vm15 =	vgt.f32 v31, v18;
	vm14 =	vmand vm7, vm12  }
0x245: {  	vm1 =	vmor vm1, vm2;
	vm0 =	vmor vm0, vm14;
	vm14 =	vnez.u8 v17;
	v17 =	vld [tilespmem:$0x1FFE0]  }
0x246: {  	s31 =	sor.u32 $0x290, s16;
	vm6 =	vmand vm6, vm13;
	vm3 =	vmand vm3, vm15;
	vm13 =	veq.f32 v31, v18  }
0x247: {  	v63 =	vld [tilespmem:s31+$0x480];
	v62 =	vsel vm1, $0x1, v8;
	vm15 =	vlt.s32 v24, v15;
	vm4 =	vmand vm4, vm13  }
0x248: {  	s30 =	sor.u32 $0x2A0, s16;
	vm1 =	vlt.s32 v27, v15;
	vm5 =	vmor vm5, vm6;
	vm3 =	vmor vm3, vm4  }
0x249: {  	v31 =	vld [tilespmem:s30+$0x480];
	v18 =	vsel vm5, $0x1, v8;
	vm13 =	veq.f32 v30, v16;
	v60 =	vsel vm3, $0x1, v8  }
0x24a: {  	v61 =	vsel vm0, $0x1, v8;
	vm0 =	vmand vm15, vm10;
	vm10 =	vnez.u8 v17;
	v17 =	vld [tilespmem:$0x1FFF0]  }
0x24b: {  	vm3 =	vmand vm9, vm13;
	vm13 =	vlt.s32 v21, v15;
	v21 =	vadd.s32 v28, v22  }
0x24c: {  	vm12 =	vgt.f32 v30, v16;
	vm9 =	vgt.f32 v63, v16;
	v18 =	vadd.s32 v18, v21  }
0x24d: {  	v18 =	vadd.s32 v60, v18;
	vm2 =	vmand vm11, vm8;
	vm11 =	veq.f32 v63, v16  }
0x24e: {  	vm15 =	vgt.f32 v31, v16;
	v18 =	vadd.s32 v61, v18;
	vm1 =	vmand vm1, vm11  }
0x24f: {  	p0 =	por !p0, !p0;
	s0 =	simm.s32 $0x1;
	vm5 =	vmand vm14, vm12;
	vm14 =	veq.f32 v31, v16;
	vm12 =	vnez.u8 v17  }
0x250: {  	s0 =	simm.s32 @!p0 $0x0;
	vm3 =	vmor vm5, vm3;
	vm6 =	vmand vm10, vm15;
	vm4 =	vmand vm12, vm9  }
0x251: {  	s0 =	sshll.u32 s0, $0x6;
	v17 =	vsel vm3, $0x1, v8;
	vm3 =	vmand vm13, vm14;
	vm1 =	vmor vm4, vm1  }
0x252: {  	s18 =	sadd.s32 $0x200, s0;
	vm15 =	vmor vm6, vm3;
	v17 =	vadd.s32 v17, v19;
	v22 =	vsel vm1, $0x1, v8  }
0x253: {  	s16 =	simm.s32 $0x200;
	s20 =	simm.s32 $0x16FF0;
	s0 =	sor.u32 $0x2B0, s18;
	vm0 =	vmor vm2, vm0;
	v21 =	vsel vm15, $0x1, v8;
	v22 =	vadd.s32 v22, v17  }
0x254: {  	s19 =	simm.s32 $0x16FE0;
	s17 =	simm.s32 $0x80;
	s1 =	sor.u32 $0x2A0, s18;
	v19 =	vsel vm0, $0x1, v8;
	v17 =	vadd.s32 v62, v18;
	v18 =	vld [tilespmem:s0+$0x480];
	v21 =	vadd.s32 v21, v22  }
.LBB2_30:
0x255: {  	p1 =	sne.s32 s17, $0x1740;
	s0 =	sor.u32 $0x290, s18;
	s5 =	sadd.s32 $0x16F90, s15;
	v22 =	vld [tilespmem:s1+$0x480];
	v24 =	vmov s20;
	v25 =	vor.u32 s20, v7;
	v19 =	vadd.s32 v19, v21  }
0x256: {  	s1 =	sor.u32 $0x280, s18;
	s13 =	sadd.s32 $0x16F80, s15;
	v28 =	vmov s19;
	v30 =	vor.u32 s19, v7;
	s15 =	smov.u32 s17;
	v21 =	vld [tilespmem:s0+$0x480];
	v27 =	vmov s5  }
0x257: {  	v32 =	vmov s13;
	v33 =	vor.u32 s13, v7;
	v34 =	vor.u32 s5, v7;
	v31 =	vld [tilespmem:s1+$0x480]  }
0x258: {  	vm0 =	vlt.u32 v28, $0x186A0;
	vm1 =	vlt.u32 v24, $0x186A0;
	vm2 =	vlt.s32 v25, v15  }
0x259: {  	vm5 =	vlt.s32 v30, v15;
	vm3 =	vlt.u32 v27, $0x186A0;
	vm4 =	vlt.s32 v34, v15  }
0x25a: {  	vm6 =	vlt.u32 v32, $0x186A0;
	vm7 =	vlt.s32 v33, v15;
	vm8 =	vgt.f32 v18, v16  }
0x25b: {  	vm11 =	veq.f32 v18, v16;
	vm9 =	vgt.f32 v22, v16;
	vm10 =	veq.f32 v22, v16  }
0x25c: {  	vm13 =	vgt.f32 v21, v16;
	vm14 =	veq.f32 v21, v16;
	vm12 =	vgt.f32 v31, v16  }
0x25d: {  	vm1 =	vmand vm1, vm8;
	vm2 =	vmand vm2, vm11;
	vm15 =	veq.f32 v31, v16  }
0x25e: {  	p0 =	por !p0, !p0;
	s0 =	simm.s32 $0x1;
	vm0 =	vmand vm0, vm9;
	vm6 =	vmand vm6, vm12;
	vm7 =	vmand vm7, vm15  }
.Ltmp14:
0x25f: {  	s0 =	simm.s32 @!p0 $0x0;
	vm3 =	vmand vm3, vm13;
	vm4 =	vmand vm4, vm14;
	vm6 =	vmor vm6, vm7;
	(pc) =	sbr.rel @p1 .LBB2_30-.Ltmp14, $4  }
0x260: {  	s16 =	sadd.s32 $0x200, s16;
	s0 =	sshll.u32 s0, $0x6;
	vm3 =	vmor vm3, vm4;
	vm4 =	vmand vm5, vm10;
	v18 =	vsel vm6, $0x1, v8  }
0x261: {  	s18 =	sadd.s32 s0, s16;
	vm0 =	vmor vm0, vm4;
	v18 =	vadd.s32 v18, v19;
	v19 =	vsel vm3, $0x1, v8  }
0x262: {  	s20 =	sadd.s32 $0x16FB0, s17;
	s0 =	sor.u32 $0x2B0, s18;
	v21 =	vsel vm0, $0x1, v8;
	vm0 =	vmor vm1, vm2;
	v19 =	vadd.s32 v19, v18  }
0x263: {  	s17 =	sadd.s32 $0x40, s17;
	s19 =	sadd.s32 $0x16FA0, s15;
	s1 =	sor.u32 $0x2A0, s18;
	v21 =	vadd.s32 v21, v19;
	v19 =	vsel vm0, $0x1, v8;
	v18 =	vld [tilespmem:s0+$0x480]  }
0x264: {  	s5 =	sadd.s32 $0x16F90, s15;
	v24 =	vmov s20;
	v25 =	vor.u32 s20, v7;
	v19 =	vadd.s32 v19, v21  }
0x265: {  	v22 =	vld [tilespmem:s1+$0x480];
	s31 =	sor.u32 $0x280, s18;
	s13 =	sadd.s32 $0x16F80, s15;
	v28 =	vmov s19;
	v30 =	vor.u32 s19, v7;
	v27 =	vmov s5  }
0x266: {  	s0 =	sor.u32 $0x290, s18;
	v31 =	vld [tilespmem:s31+$0x480];
	v32 =	vmov s13;
	v33 =	vor.u32 s13, v7;
	v34 =	vor.u32 s5, v7  }
0x267: {  	v21 =	vld [tilespmem:s0+$0x480];
	vm0 =	vlt.u32 v28, $0x186A0;
	vm1 =	vlt.u32 v24, $0x186A0;
	vm2 =	vlt.s32 v25, v15  }
0x268: {  	vm5 =	vlt.s32 v30, v15;
	vm3 =	vlt.u32 v27, $0x186A0;
	vm4 =	vlt.s32 v34, v15  }
0x269: {  	vm6 =	vlt.u32 v32, $0x186A0;
	vm7 =	vlt.s32 v33, v15;
	vm8 =	vgt.f32 v18, v16  }
0x26a: {  	vm11 =	veq.f32 v18, v16;
	vm9 =	vgt.f32 v22, v16;
	vm10 =	veq.f32 v22, v16  }
0x26b: {  	vm1 =	vmand vm1, vm8;
	vm2 =	vmand vm2, vm11;
	vm12 =	vgt.f32 v31, v16  }
0x26c: {  	vm13 =	vgt.f32 v21, v16;
	vm14 =	veq.f32 v21, v16;
	vm15 =	veq.f32 v31, v16  }
0x26d: {  	vm0 =	vmand vm0, vm9;
	vm6 =	vmand vm6, vm12;
	vm7 =	vmand vm7, vm15  }
0x26e: {  	p0 =	por $0x0, $0x0;
	p1 =	por $0x1, $0x1;
	s0 =	simm.s32 $0x1;
	vm3 =	vmand vm3, vm13;
	vm4 =	vmand vm4, vm14;
	vm6 =	vmor vm6, vm7  }
.Ltmp15:
0x26f: {  	s0 =	simm.s32 @!p0 $0x0;
	vm14 =	vmand vm5, vm10;
	vm3 =	vmor vm3, vm4;
	v15 =	vsel vm6, $0x1, v8;
	(pc) =	sbr.rel @!p1 .LBB2_32-.Ltmp15, $4  }
0x270: {  	s0 =	sshll.u32 s0, $0x6;
	vm0 =	vmor vm0, vm14;
	v16 =	vsel vm3, $0x1, v8;
	v15 =	vadd.s32 v15, v19  }
0x271: {  	s17 =	sadd.s32 $0x0, s0;
	vm15 =	vmor vm1, vm2;
	v15 =	vadd.s32 v16, v15;
	v16 =	vsel vm0, $0x1, v8  }
0x272: {  	s19 =	simm.s32 $0x0;
	s18 =	simm.s32 $0x16FB0;
	s0 =	sor.u32 $0x330, s17;
	v15 =	vadd.s32 v16, v15;
	v16 =	vsel vm15, $0x1, v8  }
0x273: {  	s16 =	simm.s32 $0x16FA0;
	s15 =	simm.s32 $0x40;
	s26 =	sor.u32 $0x320, s17;
	v15 =	vadd.s32 v16, v15;
	v16 =	vld [tilespmem:s0+$0x480]  }
0x274: {  	s1 =	simm.s32 $0x16F90;
	v19 =	vmov s18;
	v21 =	vor.u32 s18, v7  }
0x275: {  	v18 =	vld [tilespmem:s26+$0x480];
	s5 =	sor.u32 $0x300, s17;
	s13 =	simm.s32 $0x16F80;
	v25 =	vmov s16;
	v27 =	vor.u32 s16, v7;
	v24 =	vmov s1  }
0x276: {  	s0 =	sor.u32 $0x310, s17;
	v28 =	vld [tilespmem:s5+$0x480];
	v30 =	vmov s13;
	v31 =	vor.u32 s13, v7;
	v32 =	vor.u32 s1, v7  }
0x277: {  	v22 =	vld [tilespmem:s0+$0x480];
	vm0 =	vlt.u32 v25, $0x186A0;
	vm1 =	vlt.u32 v19, $0x186A0;
	vm2 =	vlt.s32 v21, v12  }
0x278: {  	vm5 =	vlt.s32 v27, v12;
	vm3 =	vlt.u32 v24, $0x186A0;
	vm4 =	vlt.s32 v32, v12  }
0x279: {  	vm6 =	vlt.u32 v30, $0x186A0;
	vm7 =	vlt.s32 v31, v12;
	vm8 =	vgt.f32 v16, v13  }
0x27a: {  	vm11 =	veq.f32 v16, v13;
	vm9 =	vgt.f32 v18, v13;
	vm10 =	veq.f32 v18, v13  }
0x27b: {  	vm1 =	vmand vm1, vm8;
	vm2 =	vmand vm2, vm11;
	vm12 =	vgt.f32 v28, v13  }
0x27c: {  	vm13 =	vgt.f32 v22, v13;
	vm14 =	veq.f32 v22, v13;
	vm15 =	veq.f32 v28, v13  }
0x27d: {  	p3 =	por !p0, !p0;
	p4 =	por $0x1, $0x1;
	s0 =	simm.s32 $0x1;
	vm0 =	vmand vm0, vm9;
	vm6 =	vmand vm6, vm12;
	vm7 =	vmand vm7, vm15  }
.Ltmp16:
0x27e: {  	s0 =	simm.s32 @!p3 $0x0;
	vm3 =	vmand vm3, vm13;
	vm4 =	vmand vm4, vm14;
	vm6 =	vmor vm6, vm7;
	(pc) =	sbr.rel @!p4 .LBB2_34-.Ltmp16, $4  }
0x27f: {  	s0 =	sshll.u32 s0, $0x6;
	vm14 =	vmand vm5, vm10;
	vm3 =	vmor vm3, vm4;
	v16 =	vsel vm6, $0x1, v8  }
0x280: {  	s20 =	simm.s32 $0x200;
	s25 =	simm.s32 $0x16FF0;
	s23 =	sadd.s32 $0x200, s0;
	vm0 =	vmor vm0, vm14;
	v18 =	vsel vm3, $0x1, v8;
	v16 =	vadd.s32 v16, v14  }
0x281: {  	s24 =	simm.s32 $0x16FE0;
	s22 =	simm.s32 $0x80;
	s0 =	sor.u32 $0x330, s23;
	vm15 =	vmor vm1, vm2;
	v19 =	vsel vm0, $0x1, v8;
	v18 =	vadd.s32 v18, v16  }
0x282: {  	p2 =	por $0x1, $0x1;
	s21 =	simm.s32 $0x40;
	s26 =	sor.u32 $0x320, s23;
	v16 =	vld [tilespmem:s0+$0x480];
	v18 =	vadd.s32 v19, v18;
	v19 =	vsel vm15, $0x1, v8  }
.LBB2_35:
0x283: {  	p4 =	sne.s32 s22, $0x1740;
	s0 =	sor.u32 $0x310, s23;
	s1 =	sadd.s32 $0x16F90, s21;
	v21 =	vld [tilespmem:s26+$0x480];
	v22 =	vmov s25;
	v24 =	vor.u32 s25, v7;
	v18 =	vadd.s32 v19, v18  }
0x284: {  	s5 =	sor.u32 $0x300, s23;
	s13 =	sadd.s32 $0x16F80, s21;
	v27 =	vmov s24;
	v28 =	vor.u32 s24, v7;
	s21 =	smov.u32 s22;
	v19 =	vld [tilespmem:s0+$0x480];
	v25 =	vmov s1  }
0x285: {  	v31 =	vmov s13;
	v32 =	vor.u32 s13, v7;
	v33 =	vor.u32 s1, v7;
	v30 =	vld [tilespmem:s5+$0x480]  }
0x286: {  	vm0 =	vlt.u32 v27, $0x186A0;
	vm1 =	vlt.u32 v22, $0x186A0;
	vm2 =	vlt.s32 v24, v12  }
0x287: {  	vm5 =	vlt.s32 v28, v12;
	vm3 =	vlt.u32 v25, $0x186A0;
	vm4 =	vlt.s32 v33, v12  }
0x288: {  	vm6 =	vlt.u32 v31, $0x186A0;
	vm7 =	vlt.s32 v32, v12;
	vm8 =	vgt.f32 v16, v13  }
0x289: {  	vm11 =	veq.f32 v16, v13;
	vm9 =	vgt.f32 v21, v13;
	vm10 =	veq.f32 v21, v13  }
0x28a: {  	vm13 =	vgt.f32 v19, v13;
	vm14 =	veq.f32 v19, v13;
	vm12 =	vgt.f32 v30, v13  }
0x28b: {  	vm1 =	vmand vm1, vm8;
	vm2 =	vmand vm2, vm11;
	vm15 =	veq.f32 v30, v13  }
0x28c: {  	p3 =	por !p3, !p3;
	s0 =	simm.s32 $0x1;
	vm0 =	vmand vm0, vm9;
	vm6 =	vmand vm6, vm12;
	vm7 =	vmand vm7, vm15  }
.Ltmp17:
0x28d: {  	s0 =	simm.s32 @!p3 $0x0;
	vm3 =	vmand vm3, vm13;
	vm4 =	vmand vm4, vm14;
	vm6 =	vmor vm6, vm7;
	(pc) =	sbr.rel @p4 .LBB2_35-.Ltmp17, $4  }
0x28e: {  	s20 =	sadd.s32 $0x200, s20;
	s0 =	sshll.u32 s0, $0x6;
	vm3 =	vmor vm3, vm4;
	vm4 =	vmand vm5, vm10;
	v16 =	vsel vm6, $0x1, v8  }
0x28f: {  	s23 =	sadd.s32 s0, s20;
	vm0 =	vmor vm0, vm4;
	v16 =	vadd.s32 v16, v18;
	v18 =	vsel vm3, $0x1, v8  }
0x290: {  	s25 =	sadd.s32 $0x16FB0, s22;
	s0 =	sor.u32 $0x330, s23;
	v19 =	vsel vm0, $0x1, v8;
	vm0 =	vmor vm1, vm2;
	v18 =	vadd.s32 v18, v16  }
0x291: {  	s22 =	sadd.s32 $0x40, s22;
	s24 =	sadd.s32 $0x16FA0, s21;
	s26 =	sor.u32 $0x320, s23;
	v18 =	vadd.s32 v19, v18;
	v19 =	vsel vm0, $0x1, v8;
	v16 =	vld [tilespmem:s0+$0x480]  }
.LBB2_36:
0x292: {  	v21 =	vmov s25  }
0x293: {  	s0 =	sadd.s32 $0x16F90, s21;
	v22 =	vld [tilespmem:s26+$0x480];
	v24 =	vor.u32 s25, v7;
	v18 =	vadd.s32 @p2 v19, v18;
	s1 =	sor.u32 $0x300, s23;
	s5 =	sadd.s32 $0x16F80, s21;
	v25 =	vmov s24  }
0x294: {  	s13 =	sor.u32 $0x310, s23;
	v27 =	vor.u32 s24, v7;
	v19 =	vmov s0;
	v28 =	vld [tilespmem:s1+$0x480];
	v30 =	vmov s5  }
0x295: {  	v31 =	vld [tilespmem:s13+$0x480];
	v32 =	vor.u32 s5, v7;
	v33 =	vor.u32 s0, v7;
	vm0 =	vlt.u32 v25, $0x186A0  }
0x296: {  	vm1 =	vlt.u32 v21, $0x186A0;
	vm2 =	vlt.s32 v24, v12;
	vm5 =	vlt.s32 v27, v12  }
0x297: {  	vm3 =	vlt.u32 v19, $0x186A0;
	vm4 =	vlt.s32 v33, v12;
	vm6 =	vlt.u32 v30, $0x186A0  }
0x298: {  	vm7 =	vlt.s32 v32, v12;
	vm8 =	vgt.f32 v16, v13;
	vm11 =	veq.f32 v16, v13  }
0x299: {  	vm9 =	vgt.f32 v22, v13;
	vm10 =	veq.f32 v22, v13;
	vm1 =	vmand vm1, vm8  }
0x29a: {  	vm2 =	vmand vm2, vm11;
	vm12 =	vgt.f32 v28, v13;
	vm13 =	vgt.f32 v31, v13  }
0x29b: {  	vm14 =	veq.f32 v31, v13;
	vm15 =	veq.f32 v28, v13;
	vm0 =	vmand vm0, vm9  }
0x29c: {  	v13 =	vpsel p2, v18, v14;
	vm6 =	vmand vm6, vm12;
	vm7 =	vmand vm7, vm15  }
0x29d: {  	vm3 =	vmand vm3, vm13;
	vm4 =	vmand vm4, vm14;
	vm6 =	vmor vm6, vm7  }
.Ltmp18:
0x29e: {  	vm14 =	vmand vm5, vm10;
	vm3 =	vmor vm3, vm4;
	v12 =	vsel vm6, $0x1, v8;
	(pc) =	sbr.rel @!p1 .LBB2_37-.Ltmp18, $4  }
0x29f: {  	vm0 =	vmor vm0, vm14;
	v12 =	vadd.s32 v12, v13;
	v13 =	vsel vm3, $0x1, v8  }
0x2a0: {  	vm15 =	vmor vm1, vm2;
	v12 =	vadd.s32 v13, v12;
	v13 =	vsel vm0, $0x1, v8  }
0x2a1: {  	s31 =	sor.u32 $0x3B0, s17;
	v12 =	vadd.s32 v13, v12;
	v13 =	vsel vm15, $0x1, v8  }
0x2a2: {  	s21 =	sor.u32 $0x3A0, s17;
	v12 =	vadd.s32 v13, v12;
	v13 =	vld [tilespmem:s31+$0x480]  }
0x2a3: {  	s1 =	simm.s32 $0x16F90;
	v16 =	vmov s18;
	v18 =	vor.u32 s18, v7  }
0x2a4: {  	v14 =	vld [tilespmem:s21+$0x480];
	s5 =	sor.u32 $0x380, s17;
	s13 =	simm.s32 $0x16F80;
	v22 =	vmov s16;
	v24 =	vor.u32 s16, v7;
	v21 =	vmov s1  }
0x2a5: {  	s0 =	sor.u32 $0x390, s17;
	v25 =	vld [tilespmem:s5+$0x480];
	v27 =	vmov s13;
	v28 =	vor.u32 s13, v7;
	v30 =	vor.u32 s1, v7  }
0x2a6: {  	v19 =	vld [tilespmem:s0+$0x480];
	vm0 =	vlt.u32 v22, $0x186A0;
	vm1 =	vlt.u32 v16, $0x186A0;
	vm2 =	vlt.s32 v18, v9  }
0x2a7: {  	vm5 =	vlt.s32 v24, v9;
	vm3 =	vlt.u32 v21, $0x186A0;
	vm4 =	vlt.s32 v30, v9  }
0x2a8: {  	vm6 =	vlt.u32 v27, $0x186A0;
	vm7 =	vlt.s32 v28, v9;
	vm8 =	vgt.f32 v13, v10  }
0x2a9: {  	vm11 =	veq.f32 v13, v10;
	vm9 =	vgt.f32 v14, v10;
	vm10 =	veq.f32 v14, v10  }
0x2aa: {  	vm1 =	vmand vm1, vm8;
	vm2 =	vmand vm2, vm11;
	vm12 =	vgt.f32 v25, v10  }
0x2ab: {  	vm13 =	vgt.f32 v19, v10;
	vm14 =	veq.f32 v19, v10;
	vm15 =	veq.f32 v25, v10  }
0x2ac: {  	p1 =	por !p0, !p0;
	p2 =	por $0x1, $0x1;
	s0 =	simm.s32 $0x1;
	vm0 =	vmand vm0, vm9;
	vm6 =	vmand vm6, vm12;
	vm7 =	vmand vm7, vm15  }
.Ltmp19:
0x2ad: {  	s0 =	simm.s32 @!p1 $0x0;
	vm3 =	vmand vm3, vm13;
	vm4 =	vmand vm4, vm14;
	vm6 =	vmor vm6, vm7;
	(pc) =	sbr.rel @!p2 .LBB2_39-.Ltmp19, $4  }
0x2ae: {  	s0 =	sshll.u32 s0, $0x6;
	vm14 =	vmand vm5, vm10;
	vm3 =	vmor vm3, vm4;
	v13 =	vsel vm6, $0x1, v8  }
0x2af: {  	s19 =	simm.s32 $0x200;
	s17 =	sadd.s32 $0x200, s0;
	vm0 =	vmor vm0, vm14;
	v14 =	vsel vm3, $0x1, v8;
	v13 =	vadd.s32 v13, v11  }
0x2b0: {  	s18 =	simm.s32 $0x16FF0;
	s16 =	simm.s32 $0x16FE0;
	s0 =	sor.u32 $0x3B0, s17;
	vm15 =	vmor vm1, vm2;
	v16 =	vsel vm0, $0x1, v8;
	v14 =	vadd.s32 v14, v13  }
0x2b1: {  	s20 =	simm.s32 $0x80;
	p0 =	por $0x1, $0x1;
	s21 =	sor.u32 $0x3A0, s17;
	v13 =	vld [tilespmem:s0+$0x480];
	v14 =	vadd.s32 v16, v14;
	v16 =	vsel vm15, $0x1, v8  }
.LBB2_40:
0x2b2: {  	p2 =	sne.s32 s20, $0x1740;
	s0 =	sor.u32 $0x390, s17;
	s1 =	sadd.s32 $0x16F90, s15;
	v18 =	vld [tilespmem:s21+$0x480];
	v19 =	vmov s18;
	v21 =	vor.u32 s18, v7;
	v14 =	vadd.s32 v16, v14  }
0x2b3: {  	s5 =	sor.u32 $0x380, s17;
	s13 =	sadd.s32 $0x16F80, s15;
	v24 =	vmov s16;
	v25 =	vor.u32 s16, v7;
	s15 =	smov.u32 s20;
	v16 =	vld [tilespmem:s0+$0x480];
	v22 =	vmov s1  }
0x2b4: {  	v28 =	vmov s13;
	v30 =	vor.u32 s13, v7;
	v31 =	vor.u32 s1, v7;
	v27 =	vld [tilespmem:s5+$0x480]  }
0x2b5: {  	vm0 =	vlt.u32 v24, $0x186A0;
	vm1 =	vlt.u32 v19, $0x186A0;
	vm2 =	vlt.s32 v21, v9  }
0x2b6: {  	vm5 =	vlt.s32 v25, v9;
	vm3 =	vlt.u32 v22, $0x186A0;
	vm4 =	vlt.s32 v31, v9  }
0x2b7: {  	vm6 =	vlt.u32 v28, $0x186A0;
	vm7 =	vlt.s32 v30, v9;
	vm8 =	vgt.f32 v13, v10  }
0x2b8: {  	vm11 =	veq.f32 v13, v10;
	vm9 =	vgt.f32 v18, v10;
	vm10 =	veq.f32 v18, v10  }
0x2b9: {  	vm13 =	vgt.f32 v16, v10;
	vm14 =	veq.f32 v16, v10;
	vm12 =	vgt.f32 v27, v10  }
0x2ba: {  	vm1 =	vmand vm1, vm8;
	vm2 =	vmand vm2, vm11;
	vm15 =	veq.f32 v27, v10  }
0x2bb: {  	p1 =	por !p1, !p1;
	s0 =	simm.s32 $0x1;
	vm0 =	vmand vm0, vm9;
	vm6 =	vmand vm6, vm12;
	vm7 =	vmand vm7, vm15  }
.Ltmp20:
0x2bc: {  	s0 =	simm.s32 @!p1 $0x0;
	vm3 =	vmand vm3, vm13;
	vm4 =	vmand vm4, vm14;
	vm6 =	vmor vm6, vm7;
	(pc) =	sbr.rel @p2 .LBB2_40-.Ltmp20, $4  }
0x2bd: {  	s19 =	sadd.s32 $0x200, s19;
	s0 =	sshll.u32 s0, $0x6;
	vm3 =	vmor vm3, vm4;
	vm4 =	vmand vm5, vm10;
	v13 =	vsel vm6, $0x1, v8  }
0x2be: {  	s17 =	sadd.s32 s0, s19;
	vm0 =	vmor vm0, vm4;
	v13 =	vadd.s32 v13, v14;
	v14 =	vsel vm3, $0x1, v8  }
0x2bf: {  	s18 =	sadd.s32 $0x16FB0, s20;
	s0 =	sor.u32 $0x3B0, s17;
	v16 =	vsel vm0, $0x1, v8;
	vm0 =	vmor vm1, vm2;
	v14 =	vadd.s32 v14, v13  }
0x2c0: {  	s20 =	sadd.s32 $0x40, s20;
	s16 =	sadd.s32 $0x16FA0, s15;
	s21 =	sor.u32 $0x3A0, s17;
	v14 =	vadd.s32 v16, v14;
	v16 =	vsel vm0, $0x1, v8;
	v13 =	vld [tilespmem:s0+$0x480]  }
0x2c1: {  	s19 =	smov.u32 s15  }
.LBB2_42:
0x2c2: {  	(xrf0) =	vadd.scan.msk.s32 $0xffff, v29  }
0x2c3: {  	s0 =	sadd.s32 $0x16F90, s19;
	v19 =	vmov s18;
	v21 =	vor.u32 s18, v7;
	s5 =	sadd.s32 $0x16F80, s19;
	v52 =	vmov s16  }
0x2c4: {  	v18 =	vld [tilespmem:s21+$0x480];
	s1 =	sor.u32 $0x380, s17;
	v61 =	vor.u32 s16, v7;
	(xrf0) =	vadd.scan.msk.s32 $0xffff, v26;
	v22 =	vmov s0;
	v24 =	vmov s5  }
0x2c5: {  	v53 =	vld [tilespmem:s1+$0x480];
	v25 =	vor.u32 s5, v7;
	v54 =	vor.u32 s0, v7;
	vm0 =	vlt.u32 v52, $0x186A0  }
0x2c6: {  	s20 =	sor.u32 $0x390, s17;
	vm1 =	vlt.u32 v19, $0x186A0;
	vm3 =	vlt.s32 v21, v9;
	vm11 =	vlt.s32 v61, v9;
	(xrf0) =	vadd.scan.msk.s32 $0xffff, v23  }
0x2c7: {  	v57 =	vld [tilespmem:s20+$0x480];
	vm4 =	vlt.u32 v22, $0x186A0;
	vm5 =	vlt.u32 v24, $0x186A0;
	vm6 =	vlt.s32 v25, v9;
	(xrf0) =	vadd.scan.msk.s32 $0xffff, v20  }
0x2c8: {  	vm15 =	vlt.s32 v54, v9;
	vm2 =	vgt.f32 v13, v10;
	vm12 =	veq.f32 v13, v10;
	v55, _, _ =	vpop (xrf0)  }
0x2c9: {  	vm2 =	vmand vm1, vm2;
	vm3 =	vmand vm3, vm12;
	(xrf0) =	vadd.scan.msk.s32 $0xffff, v17;
	(v2sf) =	vpush v55, $0xF  }
0x2ca: {  	vm7 =	vgt.f32 v18, v10;
	vm12 =	veq.f32 v18, v10;
	vm13 =	vgt.f32 v53, v10;
	v56, _, _ =	vpop (xrf0)  }
0x2cb: {  	vm14 =	veq.f32 v53, v10;
	vm0 =	vmand vm0, vm7;
	(v2sf) =	vpush v56, $0xF  }
0x2cc: {  	vm9 =	vgt.f32 v57, v10;
	vm10 =	veq.f32 v57, v10;
	(xrf0) =	vadd.scan.msk.s32 $0xffff, v15;
	vm1 =	vmand vm5, vm13;
	v58, _, _ =	vpop (xrf0)  }
0x2cd: {  	vm5 =	vmand vm6, vm14;
	vm4 =	vmand vm4, vm9;
	(v2sf) =	vpush v58, $0xF;
	v59, _, _ =	vpop (xrf0)  }
0x2ce: {  	vm1 =	vmor vm1, vm5;
	vm5 =	vmand vm15, vm10;
	(v2sf) =	vpush v59, $0xF  }
0x2cf: {  	v62 =	vsel vm1, $0x1, v8;
	vm4 =	vmor vm4, vm5;
	v60, _, _ =	vpop (xrf0);
	(xrf0) =	vadd.scan.msk.s32 $0xffff, v12;
	v12 =	vadd.s32 @p0 v16, v14  }
0x2d0: {  	vm1 =	vmand vm11, vm12;
	(v2sf) =	vpush v60, $0xF;
	v9 =	vpsel p0, v12, v11  }
0x2d1: {  	v10 =	vsel vm4, $0x1, v8;
	vm0 =	vmor vm0, vm1;
	v9 =	vadd.s32 v62, v9  }
0x2d2: {  	vm13 =	vmor vm2, vm3;
	v15, _, _ =	vpop (xrf0);
	v11 =	vsel vm0, $0x1, v8;
	v9 =	vadd.s32 v10, v9  }
0x2d3: {  	v63 =	vsel vm13, $0x1, v8;
	(v2sf) =	vpush v15, $0xF;
	v9 =	vadd.s32 v11, v9  }
0x2d4: {  	v9 =	vadd.s32 v63, v9  }
0x2d5: {  	v10, _, _ =	vpop (xrf0);
	(xrf0) =	vadd.scan.msk.s32 $0xffff, v9;
	_ =	sdelay $0x2  }
0x2d6: {  	s15 =	simm.s32 $0x1;
	s21 =	spop (v2sf)  }
0x2d7: {  	s16 =	simm.s32 $0x1;
	s0 =	simm.s32 $0x1;
	(v2sf) =	vpush v10, $0xF;
	p0 =	slt.s32 s21, $0x1  }
0x2d8: {  	s22 =	spop (v2sf);
	s15 =	simm.s32 @!p0 $0x0;
	p0 =	slt.s32 s21, $0x5  }
0x2d9: {  	s17 =	simm.s32 $0x1;
	v9, _, _ =	vpop (xrf0);
	s0 =	simm.s32 @!p0 $0x0;
	p0 =	slt.s32 s22, $0x1  }
0x2da: {  	s1 =	simm.s32 $0x1;
	s23 =	spop (v2sf);
	(v2sf) =	vpush v9, $0xF;
	s16 =	simm.s32 @!p0 $0x0  }
0x2db: {  	s13 =	spop (v2sf);
	p0 =	slt.s32 s22, $0x5;
	s15 =	sadd.s32 s15, s16  }
0x2dc: {  	s1 =	simm.s32 @!p0 $0x0;
	p0 =	slt.s32 s23, $0x1;
	s16 =	simm.s32 $0x1  }
0x2dd: {  	s5 =	simm.s32 $0x1;
	s24 =	spop (v2sf);
	s16 =	simm.s32 @!p0 $0x0  }
0x2de: {  	s0 =	sadd.s32 s0, s1;
	p0 =	slt.s32 s23, $0x5;
	s15 =	sadd.s32 s16, s15  }
0x2df: {  	s5 =	simm.s32 @!p0 $0x0;
	p0 =	slt.s32 s13, $0x1;
	s16 =	simm.s32 $0x1  }
0x2e0: {  	s1 =	simm.s32 $0x1;
	s25 =	spop (v2sf);
	s16 =	simm.s32 @!p0 $0x0  }
0x2e1: {  	p0 =	slt.s32 s13, $0x5;
	s13 =	simm.s32 $0x1;
	s15 =	sadd.s32 s16, s15  }
0x2e2: {  	s13 =	simm.s32 @!p0 $0x0;
	p0 =	slt.s32 s24, $0x1;
	s16 =	simm.s32 $0x1  }
0x2e3: {  	s0 =	sadd.s32 s5, s0;
	s16 =	simm.s32 @!p0 $0x0;
	p0 =	slt.s32 s24, $0x5  }
0x2e4: {  	s0 =	sadd.s32 s13, s0;
	s28 =	sadd.s32 s16, s15;
	s17 =	simm.s32 @!p0 $0x0  }
0x2e5: {  	p0 =	slt.s32 s25, $0x1;
	s15 =	simm.s32 $0x1;
	s16 =	simm.s32 $0x1  }
0x2e6: {  	s26 =	spop (v2sf);
	s15 =	simm.s32 @!p0 $0x0;
	p0 =	slt.s32 s25, $0x5  }
0x2e7: {  	s0 =	sadd.s32 s17, s0;
	s1 =	simm.s32 @!p0 $0x0;
	p0 =	slt.s32 s26, $0x1  }
0x2e8: {  	s13 =	sadd.s32 s15, s28;
	s0 =	sadd.s32 s1, s0;
	s16 =	simm.s32 @!p0 $0x0  }
0x2e9: {  	p0 =	slt.s32 s26, $0x5;
	s1 =	simm.s32 $0x1;
	s29 =	spop (v2sf)  }
0x2ea: {  	s15 =	simm.s32 $0x1;
	s1 =	simm.s32 @!p0 $0x0;
	p0 =	slt.s32 s29, $0x1  }
0x2eb: {  	s5 =	simm.s32 $0x1;
	s15 =	simm.s32 @!p0 $0x0;
	p0 =	slt.s32 s29, $0x5  }
0x2ec: {  	s13 =	sadd.s32 s16, s13;
	s0 =	sadd.s32 s1, s0;
	s5 =	simm.s32 @!p0 $0x0  }
0x2ed: {  	s30 =	sadd.s32 s15, s13;
	s0 =	sadd.s32 s5, s0  }
0x2ee: {  	s1 =	scvt.s32.f32 s30;
	s0 =	scvt.s32.f32 s0  }
0x2ef: {  	vm14 =	vcmask $0x300  }
0x2f0: {  	vm15 =	vcmask $0x704;
	v9 =	vmov s1;
	v10 =	vmov s0  }
0x2f1: {  	v9 =	vnsel vm14, $0x0, v9;
	v10 =	vnsel vm15, $0x0, v10  }
0x2f2: {  	v9 =	vadd.f32 v10, v9  }
0x2f3: {  	s14 =	sadd.s32 $0x1, s14  }
0x2f4: {  	s31 =	simm.s32 $0xC880;
	p0 =	sne.s32 s14, s8;
	[tilespmem:$0xC880] =	vst v9  }
0x2f5: {  	[hbm4b:s7+s3] =	stream.linear.scatter [tilespmem:s31], [sflag:$0x2], $0x10, $0x38;
	[tilespmem:$0xC900] =	vst v63  }
.Ltmp21:
0x2f6: {  	_ = 	snop;
	(pc) =	sbr.rel @p0 .LBB2_1-.Ltmp21, $4  }
.Ltmp22:
0x2f7: {  	_ = 	snop;
	(pc) =	sbr.rel @!p0 .LBB2_43-.Ltmp22, $4  }
0x2f8: {  	_ =	swait.ge [sflag:s9], $0x10  }
0x2f9: {  	[sflag:s9] =	ssyncset.done $0x0  }
0x2fa: {  	[sflag:s9] =	ssyncadd.s32 $0xFFFFFFF0  }
0x2fb: {  	_ = 	snop  }
.LBB2_32:
.Ltmp23:
0x2fc: {  	(pc) =	sbr.rel .LBB2_36-.Ltmp23, $3  }
0x2fd: {  	_ =	sdelay $0x1  }
0x2fe: {  	s21 =	simm.s32 $0x0;
	s23 =	smov.u32 s17  }
0x2ff: {  	s25 =	simm.s32 $0x16FB0;
	s24 =	simm.s32 $0x16FA0;
	p2 =	por $0x0, $0x0  }
.LBB2_37:
.Ltmp24:
0x300: {  	(pc) =	sbr.rel .LBB2_42-.Ltmp24, $2  }
0x301: {  	_ =	sdelay $0x2  }
0x302: {  	_ = 	snop  }
.LBB2_34:
.Ltmp25:
0x303: {  	(pc) =	sbr.rel .LBB2_36-.Ltmp25, $2  }
0x304: {  	_ =	sdelay $0x2  }
0x305: {  	s21 =	simm.s32 $0x40  }
.LBB2_39:
.Ltmp26:
0x306: {  	(pc) =	sbr.rel .LBB2_42-.Ltmp26, $2  }
0x307: {  	_ =	sdelay $0x2  }
0x308: {  	s19 =	simm.s32 $0x40  }
.LBB2_43:
0x309: {  	_ =	sfence.sel $0x180000  }
0x30a: {  	[bflag:$0x0] =	sbarrier.arrive $0xFFFF  }
0x30b: {  	_ =	strace $0x90000047  }
0x30c: {  	s0 =	stileid.u32;
	[bflag:$0x2] =	sbarrier.arrive $0xFFFF  }
0x30d: {  	p0 =	sne.s32 s0, $0x0;
	s0 =	rddreg [dreg:$0x2]  }
0x30e: {  	s0 =	sadd.s32 @!p0 $0x100000, s0  }
0x30f: {  	[sflag:s0] =	ssyncadd.tile.s32 @!p0 $0x1;
	_ =	shalt  }
.Lfunc_end2:
_tile_overlayer_lowered:
.L_overlay_start_2:
0x310: {  	(tag) =	ssettag $0x2  }
0x311: {  	s0 =	rddreg [dreg:$0x0];
	s2 =	stileid.u32  }
0x312: {  	s1 =	rddreg [dreg:$0x1];
	p0 =	sne.s32 s2, $0x0  }
0x313: {  	s3 =	rddreg [dreg:$0x2];
	[bflag:$0x3] =	sbarrier.arrive $0xFFFF;
	s2 =	simm.s32 @!p0 $0x1C02  }
0x314: {  	[timem:s3], [sflag:s2] =	dma.local @!p0 [hbm:s0], s1  }
0x315: {  	s0 =	simm.s32 @!p0 $0x2  }
0x316: {  	_ =	swait.ge @!p0 [sflag:s0], s1  }
0x317: {  	s1 =	ssub.s32 @!p0 $0x0, s1;
	[sflag:s0] =	ssyncset.done @!p0 $0x0  }
0x318: {  	[sflag:s0] =	ssyncadd.s32 @!p0 s1  }
0x319: {  	[bflag:$0x3] =	sbarrier.arrive $0xFFFF  }
0x31a: {  	_ =	shalt  }

</sc_bundles>
